<compile_context>
chip_gen: v7x
topology: tpu7x:2x2x1
jax: 0.10.2.dev20260603
libtpu: 0.0.44.dev20260713+nightly
codegen_flags: <defaults>
</compile_context>

<pallas_src>
import functools

import jax
import jax.numpy as jnp
import numpy as np
from jax import lax
from jax.experimental import pallas as pl
from jax.experimental.pallas import tpu as pltpu
from jax.experimental.pallas import tpu_sc as plsc


def _pair_matrices(E):
  PL = np.zeros((E, E // 2), np.float32)
  PH = np.zeros((E, E // 2), np.float32)
  for m in range(E // 2):
    gg, k = m // 16, m % 16
    PL[32 * gg + k, m] = 1.0
    PH[32 * gg + 16 + k, m] = 1.0
  return PL, PH


def _table_to_packed_rows(table):
  V, E = table.shape
  tv = table.T
  BLK = 8192
  NB = (V + BLK - 1) // BLK
  grid = (NB,)
  PLn, PHn = _pair_matrices(E)
  PL, PH = jnp.asarray(PLn), jnp.asarray(PHn)

  QB = BLK // 4

  def body(t_ref, pl_ref, ph_ref, o_ref):
    t = t_ref[...]
    lo = lax.dot_general(t, pl_ref[...], (((0,), (0,)), ((), ())),
                         preferred_element_type=jnp.float32)
    hi = lax.dot_general(t, ph_ref[...], (((0,), (0,)), ((), ())),
                         preferred_element_type=jnp.float32)
    lo_u = lax.bitcast_convert_type(
        lo.astype(jnp.bfloat16), jnp.uint16).astype(jnp.int32)
    hi_u = lax.bitcast_convert_type(
        hi.astype(jnp.bfloat16), jnp.uint16).astype(jnp.int32)
    packed = lo_u | (hi_u << 16)
    o_ref[...] = jnp.concatenate(
        [packed[j * QB:(j + 1) * QB, :] for j in range(4)], axis=1)

  return pl.pallas_call(
      body,
      grid=grid,
      in_specs=[
          pl.BlockSpec((E, BLK), lambda i: (0, i)),
          pl.BlockSpec((E, E // 2), lambda i: (0, 0)),
          pl.BlockSpec((E, E // 2), lambda i: (0, 0)),
      ],
      out_specs=pl.BlockSpec((QB, 2 * E), lambda i: (i, 0)),
      out_shape=jax.ShapeDtypeStruct((NB * QB, 2 * E), jnp.int32),
  )(tv, PL, PH)


def _emb_sum_sc(seq2, table2):
  L, B = seq2.shape
  E = table2.shape[1] * 2
  info = plsc.get_sparse_core_info()
  NC, NS = info.num_cores, info.num_subcores
  NW = NC * NS
  bpw = B // NW
  BC = 128
  NP = bpw // BC
  SPG = 5
  NU = L // SPG
  NPAIR = NU // 2
  CH = 40
  NCH = L // CH
  CHU = CH // SPG
  PPC = CHU // 2
  EG = E // 32

  mesh = plsc.VectorSubcoreMesh(core_axis_name="c", subcore_axis_name="s")

  @functools.partial(
      pl.kernel,
      mesh=mesh,
      out_type=jax.ShapeDtypeStruct((B, E), jnp.float32),
      compiler_params=pltpu.CompilerParams(
          use_tc_tiling_on_sc=False, needs_layout_passes=False),
      scratch_types=[
          pltpu.VMEM((2, CH, BC), jnp.int32),
          pltpu.VMEM((2, SPG, BC, E // 2), jnp.int32),
          pltpu.VMEM((BC, E), jnp.float32),
          pltpu.SemaphoreType.DMA,
          pltpu.SemaphoreType.DMA,
          pltpu.SemaphoreType.DMA,
      ],
  )
  def k(seq_h, table_h, out_h, idx_v, rows_v, acc_v, sem_i, sem_r0, sem_r1):
    wid = lax.axis_index("s") * NC + lax.axis_index("c")
    base = wid * bpw
    sems = (sem_r0, sem_r1)
    zeros = jnp.zeros((16,), jnp.float32)
    HIMASK = jnp.full((16,), np.int32(-65536), jnp.int32)

    def issue_unit(u, g):
      for kk in range(SPG):
        s = u * SPG + kk
        ch = s // CH
        li = s % CH
        pltpu.async_copy(
            table_h.at[idx_v.at[ch % 2, li, :]],
            rows_v.at[g, kk, :, :],
            sems[g])

    def drain_unit(g):
      for kk in range(SPG):
        pltpu.make_async_copy(
            table_h.at[pl.ds(0, BC), :], rows_v.at[g, kk], sems[g]).wait()

    def accum_unit(g):
      def abody(i0, _):
        for r in range(2):
          i = i0 * 2 + r
          for gg in range(EG):
            lo = acc_v[i, pl.ds(32 * gg, 16)]
            hi = acc_v[i, pl.ds(32 * gg + 16, 16)]
            for kk in range(SPG):
              u = rows_v[g, kk, i, pl.ds(16 * gg, 16)]
              a = plsc.bitcast(u << 16, jnp.float32)
              b2 = plsc.bitcast(u & HIMASK, jnp.float32)
              lo = lo + a
              hi = hi + b2
            acc_v[i, pl.ds(32 * gg, 16)] = lo
            acc_v[i, pl.ds(32 * gg + 16, 16)] = hi
        return 0
      lax.fori_loop(0, BC // 2, abody, 0)

    def zero_acc():
      def zbody(i0, _):
        for r in range(4):
          i = i0 * 4 + r
          for j in range(E // 16):
            acc_v[i, pl.ds(j * 16, 16)] = zeros
        return 0
      lax.fori_loop(0, BC // 4, zbody, 0)

    def pass_body(p, _):
      pb = base + p * BC
      zero_acc()
      pltpu.sync_copy(seq_h.at[pl.ds(0, CH), pl.ds(pb, BC)], idx_v.at[0])
      issue_unit(jnp.int32(0), 0)

      def pair(t, _):
        u0 = t * 2

        @pl.when(jnp.logical_and(t % PPC == 0, t < (NCH - 1) * PPC))
        def _():
          ch_next = t // PPC + 1
          pltpu.async_copy(
              seq_h.at[pl.ds(ch_next * CH, CH), pl.ds(pb, BC)],
              idx_v.at[ch_next % 2], sem_i)

        issue_unit(u0 + 1, 1)
        drain_unit(0)
        accum_unit(0)

        @pl.when(jnp.logical_and((u0 + 2) % CHU == 0, u0 + 2 < NU))
        def _():
          pltpu.make_async_copy(
              seq_h.at[pl.ds(0, CH), pl.ds(0, BC)],
              idx_v.at[((u0 + 2) // CHU) % 2], sem_i).wait()

        @pl.when(u0 + 2 < NU)
        def _():
          issue_unit(u0 + 2, 0)
        drain_unit(1)
        accum_unit(1)
        return 0

      lax.fori_loop(0, NPAIR, pair, 0)
      pltpu.sync_copy(acc_v, out_h.at[pl.ds(pb, BC), :])
      return 0

    lax.fori_loop(0, NP, pass_body, 0)

  return k(seq2, table2)


def _linear_tc(emb, W, b):
  B, E = emb.shape
  O = W.shape[0]
  BLK = 2048

  def body(e_ref, w_ref, b_ref, o_ref):
    e = e_ref[...]
    w = w_ref[...]
    o_ref[...] = lax.dot_general(
        e, w, (((1,), (1,)), ((), ())),
        preferred_element_type=jnp.float32) + b_ref[...]

  return pl.pallas_call(
      body,
      grid=(B // BLK,),
      in_specs=[
          pl.BlockSpec((BLK, E), lambda i: (i, 0)),
          pl.BlockSpec((O, E), lambda i: (0, 0)),
          pl.BlockSpec((1, O), lambda i: (0, 0)),
      ],
      out_specs=pl.BlockSpec((BLK, O), lambda i: (i, 0)),
      out_shape=jax.ShapeDtypeStruct((B, O), jnp.float32),
  )(emb, W, b.reshape(1, O))


def kernel(seq, raw_text, table, W, b):
  del raw_text
  V, E = table.shape
  packed = _table_to_packed_rows(table)
  nrows = packed.shape[0] * 4
  table2 = packed.reshape(nrows, E // 2)
  seqp = (seq & ~jnp.int32(8191)) | ((seq & 2047) << 2) | ((seq >> 11) & 3)
  emb = _emb_sum_sc(seqp, table2)
  return _linear_tc(emb, W, b)

# --- scband reference (transcript-rebuilt; emitter-appended) ---
"""Pipeline reference for scband-base-model-66640712565392 (READ-ONLY COPY).

The authoritative reference and input builder live on the scoring server;
editing this copy changes nothing except your own understanding.
"""

import jax, jax.numpy as jnp
import numpy as np

VOCAB = 1000000
EMB = 64
OUT = 46
L = 200
B = 16384

def setup_inputs(seed: int = 0) -> dict:
    key = jax.random.key(seed)
    k1, k2, k3, k4 = jax.random.split(key, 4)
    seq = jax.random.randint(k1, (L, B), 0, VOCAB)
    raw_text = jnp.zeros((B,), dtype=jnp.int64) if jax.config.jax_enable_x64 else jnp.zeros((B,), dtype=jnp.int32)
    table = jax.random.normal(k2, (VOCAB, EMB), dtype=jnp.float32)
    W = jax.random.normal(k3, (OUT, EMB), dtype=jnp.float32) * 0.05
    b = jax.random.normal(k4, (OUT,), dtype=jnp.float32) * 0.05
    return {"seq": seq, "raw_text": raw_text, "table": table, "W": W, "b": b}

def reference(seq, raw_text, table, W, b):
    # emb = self.embedding(seq).sum(dim=0)  -> gather then sum over sequence dim
    emb = jnp.take(table, seq, axis=0).sum(axis=0)  # [B, EMB]
    # preds = self.final_layer(emb)  (raw_text is unused in the original forward)
    preds = emb @ W.T + b  # [B, OUT]
    return preds

if __name__ == "__main__":
    import jax
    _d = setup_inputs()
    print(jax.jit(kernel)(*tuple(_d.values())))

</pallas_src>

<mosaic_0001>
#map = affine_map<(d0, d1) -> (0, 0)>
module attributes {stable_mosaic.version = 14 : i64} {
  func.func @k(%arg0: i32, %arg1: i32, %arg2: memref<200x16384xi32, #tpu.memory_space<hbm>>, %arg3: memref<1007616x32xi32, #tpu.memory_space<hbm>>, %arg4: memref<16384x64xf32, #tpu.memory_space<hbm>>, %arg5: memref<2x40x128xi32, #tpu.memory_space<vmem>>, %arg6: memref<2x5x128x32xi32, #tpu.memory_space<vmem>>, %arg7: memref<128x64xf32, #tpu.memory_space<vmem>>, %arg8: memref<!tpu.dma_semaphore, #tpu.memory_space<semaphore_mem>>, %arg9: memref<!tpu.dma_semaphore, #tpu.memory_space<semaphore_mem>>, %arg10: memref<!tpu.dma_semaphore, #tpu.memory_space<semaphore_mem>>) attributes {dimension_semantics = [#tpu.dimension_semantics<core_parallel>, #tpu.dimension_semantics<subcore_parallel>], iteration_bounds = array<i64: 2, 16>, scalar_prefetch = 0 : i64, scratch_operands = 6 : i64, tpu.core_type = #tpu.core_type<sc_vector_subcore>, window_params = [{transform_indices = #map}, {transform_indices = #map}, {transform_indices = #map}]} {
    %mul3A = arith.constant 2 : i32
    %mul3A_0 = arith.muli %arg1, %mul3A : i32
    %add3A = arith.addi %mul3A_0, %arg0 : i32
    %mul3A_1 = arith.constant 512 : i32
    %mul3A_2 = arith.muli %add3A, %mul3A_1 : i32
    %broadcast_in_dim3A = arith.constant 0.000000e+00 : f32
    %broadcast_in_dim3A_3 = vector.broadcast %broadcast_in_dim3A : f32 to vector<16xf32>
    %broadcast_in_dim3A_4 = arith.constant -65536 : i32
    %broadcast_in_dim3A_5 = vector.broadcast %broadcast_in_dim3A_4 : i32 to vector<16xi32>
    %scan3A = arith.constant 0 : i32
    %scan3A_6 = arith.constant 0 : i32
    %scan3A_7 = arith.constant 4 : i32
    %scan3A_8 = arith.addi %scan3A_6, %scan3A_7 : i32
    %scan3A_9 = arith.constant 1 : i32
    %scan3A_10 = scf.for %scan3A_12 = %scan3A_6 to %scan3A_8 step %scan3A_9 iter_args(%scan3A_13 = %scan3A) -> (i32)  : i32 {
      %mul3A_14 = arith.constant 128 : i32
      %mul3A_15 = arith.muli %scan3A_12, %mul3A_14 : i32
      %add3A_16 = arith.addi %mul3A_2, %mul3A_15 : i32
      %scan3A_17 = arith.constant 0 : i32
      %scan3A_18 = arith.constant 0 : i32
      %scan3A_19 = arith.constant 32 : i32
      %scan3A_20 = arith.addi %scan3A_18, %scan3A_19 : i32
      %scan3A_21 = arith.constant 1 : i32
      %scan3A_22 = scf.for %scan3A_386 = %scan3A_18 to %scan3A_20 step %scan3A_21 iter_args(%scan3A_387 = %scan3A_17) -> (i32)  : i32 {
        %mul3A_388 = arith.constant 4 : i32
        %mul3A_389 = arith.muli %scan3A_386, %mul3A_388 : i32
        %add3A_390 = arith.constant 0 : i32
        %add3A_391 = arith.addi %mul3A_389, %add3A_390 : i32
        %swap3A = arith.index_cast %add3A_391 : i32 to index
        %swap3A_392 = arith.constant 0 : index
        %swap3A_393 = tpu.vector_load %arg7[%swap3A, %swap3A_392] {strides = array<i32>} : memref<128x64xf32, #tpu.memory_space<vmem>>, vector<16xf32>,
        tpu.vector_store %arg7[%swap3A, %swap3A_392], %broadcast_in_dim3A_3 {strides = array<i32>} : memref<128x64xf32, #tpu.memory_space<vmem>>, vector<16xf32>,
        %swap3A_394 = arith.index_cast %add3A_391 : i32 to index
        %swap3A_395 = arith.constant 16 : index
        %swap3A_396 = tpu.vector_load %arg7[%swap3A_394, %swap3A_395] {strides = array<i32>} : memref<128x64xf32, #tpu.memory_space<vmem>>, vector<16xf32>,
        tpu.vector_store %arg7[%swap3A_394, %swap3A_395], %broadcast_in_dim3A_3 {strides = array<i32>} : memref<128x64xf32, #tpu.memory_space<vmem>>, vector<16xf32>,
        %swap3A_397 = arith.index_cast %add3A_391 : i32 to index
        %swap3A_398 = arith.constant 32 : index
        %swap3A_399 = tpu.vector_load %arg7[%swap3A_397, %swap3A_398] {strides = array<i32>} : memref<128x64xf32, #tpu.memory_space<vmem>>, vector<16xf32>,
        tpu.vector_store %arg7[%swap3A_397, %swap3A_398], %broadcast_in_dim3A_3 {strides = array<i32>} : memref<128x64xf32, #tpu.memory_space<vmem>>, vector<16xf32>,
        %swap3A_400 = arith.index_cast %add3A_391 : i32 to index
        %swap3A_401 = arith.constant 48 : index
        %swap3A_402 = tpu.vector_load %arg7[%swap3A_400, %swap3A_401] {strides = array<i32>} : memref<128x64xf32, #tpu.memory_space<vmem>>, vector<16xf32>,
        tpu.vector_store %arg7[%swap3A_400, %swap3A_401], %broadcast_in_dim3A_3 {strides = array<i32>} : memref<128x64xf32, #tpu.memory_space<vmem>>, vector<16xf32>,
        %mul3A_403 = arith.constant 4 : i32
        %mul3A_404 = arith.muli %scan3A_386, %mul3A_403 : i32
        %add3A_405 = arith.constant 1 : i32
        %add3A_406 = arith.addi %mul3A_404, %add3A_405 : i32
        %swap3A_407 = arith.index_cast %add3A_406 : i32 to index
        %swap3A_408 = arith.constant 0 : index
        %swap3A_409 = tpu.vector_load %arg7[%swap3A_407, %swap3A_408] {strides = array<i32>} : memref<128x64xf32, #tpu.memory_space<vmem>>, vector<16xf32>,
        tpu.vector_store %arg7[%swap3A_407, %swap3A_408], %broadcast_in_dim3A_3 {strides = array<i32>} : memref<128x64xf32, #tpu.memory_space<vmem>>, vector<16xf32>,
        %swap3A_410 = arith.index_cast %add3A_406 : i32 to index
        %swap3A_411 = arith.constant 16 : index
        %swap3A_412 = tpu.vector_load %arg7[%swap3A_410, %swap3A_411] {strides = array<i32>} : memref<128x64xf32, #tpu.memory_space<vmem>>, vector<16xf32>,
        tpu.vector_store %arg7[%swap3A_410, %swap3A_411], %broadcast_in_dim3A_3 {strides = array<i32>} : memref<128x64xf32, #tpu.memory_space<vmem>>, vector<16xf32>,
        %swap3A_413 = arith.index_cast %add3A_406 : i32 to index
        %swap3A_414 = arith.constant 32 : index
        %swap3A_415 = tpu.vector_load %arg7[%swap3A_413, %swap3A_414] {strides = array<i32>} : memref<128x64xf32, #tpu.memory_space<vmem>>, vector<16xf32>,
        tpu.vector_store %arg7[%swap3A_413, %swap3A_414], %broadcast_in_dim3A_3 {strides = array<i32>} : memref<128x64xf32, #tpu.memory_space<vmem>>, vector<16xf32>,
        %swap3A_416 = arith.index_cast %add3A_406 : i32 to index
        %swap3A_417 = arith.constant 48 : index
        %swap3A_418 = tpu.vector_load %arg7[%swap3A_416, %swap3A_417] {strides = array<i32>} : memref<128x64xf32, #tpu.memory_space<vmem>>, vector<16xf32>,
        tpu.vector_store %arg7[%swap3A_416, %swap3A_417], %broadcast_in_dim3A_3 {strides = array<i32>} : memref<128x64xf32, #tpu.memory_space<vmem>>, vector<16xf32>,
        %mul3A_419 = arith.constant 4 : i32
        %mul3A_420 = arith.muli %scan3A_386, %mul3A_419 : i32
        %add3A_421 = arith.constant 2 : i32
        %add3A_422 = arith.addi %mul3A_420, %add3A_421 : i32
        %swap3A_423 = arith.index_cast %add3A_422 : i32 to index
        %swap3A_424 = arith.constant 0 : index
        %swap3A_425 = tpu.vector_load %arg7[%swap3A_423, %swap3A_424] {strides = array<i32>} : memref<128x64xf32, #tpu.memory_space<vmem>>, vector<16xf32>,
        tpu.vector_store %arg7[%swap3A_423, %swap3A_424], %broadcast_in_dim3A_3 {strides = array<i32>} : memref<128x64xf32, #tpu.memory_space<vmem>>, vector<16xf32>,
        %swap3A_426 = arith.index_cast %add3A_422 : i32 to index
        %swap3A_427 = arith.constant 16 : index
        %swap3A_428 = tpu.vector_load %arg7[%swap3A_426, %swap3A_427] {strides = array<i32>} : memref<128x64xf32, #tpu.memory_space<vmem>>, vector<16xf32>,
        tpu.vector_store %arg7[%swap3A_426, %swap3A_427], %broadcast_in_dim3A_3 {strides = array<i32>} : memref<128x64xf32, #tpu.memory_space<vmem>>, vector<16xf32>,
        %swap3A_429 = arith.index_cast %add3A_422 : i32 to index
        %swap3A_430 = arith.constant 32 : index
        %swap3A_431 = tpu.vector_load %arg7[%swap3A_429, %swap3A_430] {strides = array<i32>} : memref<128x64xf32, #tpu.memory_space<vmem>>, vector<16xf32>,
        tpu.vector_store %arg7[%swap3A_429, %swap3A_430], %broadcast_in_dim3A_3 {strides = array<i32>} : memref<128x64xf32, #tpu.memory_space<vmem>>, vector<16xf32>,
        %swap3A_432 = arith.index_cast %add3A_422 : i32 to index
        %swap3A_433 = arith.constant 48 : index
        %swap3A_434 = tpu.vector_load %arg7[%swap3A_432, %swap3A_433] {strides = array<i32>} : memref<128x64xf32, #tpu.memory_space<vmem>>, vector<16xf32>,
        tpu.vector_store %arg7[%swap3A_432, %swap3A_433], %broadcast_in_dim3A_3 {strides = array<i32>} : memref<128x64xf32, #tpu.memory_space<vmem>>, vector<16xf32>,
        %mul3A_435 = arith.constant 4 : i32
        %mul3A_436 = arith.muli %scan3A_386, %mul3A_435 : i32
        %add3A_437 = arith.constant 3 : i32
        %add3A_438 = arith.addi %mul3A_436, %add3A_437 : i32
        %swap3A_439 = arith.index_cast %add3A_438 : i32 to index
        %swap3A_440 = arith.constant 0 : index
        %swap3A_441 = tpu.vector_load %arg7[%swap3A_439, %swap3A_440] {strides = array<i32>} : memref<128x64xf32, #tpu.memory_space<vmem>>, vector<16xf32>,
        tpu.vector_store %arg7[%swap3A_439, %swap3A_440], %broadcast_in_dim3A_3 {strides = array<i32>} : memref<128x64xf32, #tpu.memory_space<vmem>>, vector<16xf32>,
        %swap3A_442 = arith.index_cast %add3A_438 : i32 to index
        %swap3A_443 = arith.constant 16 : index
        %swap3A_444 = tpu.vector_load %arg7[%swap3A_442, %swap3A_443] {strides = array<i32>} : memref<128x64xf32, #tpu.memory_space<vmem>>, vector<16xf32>,
        tpu.vector_store %arg7[%swap3A_442, %swap3A_443], %broadcast_in_dim3A_3 {strides = array<i32>} : memref<128x64xf32, #tpu.memory_space<vmem>>, vector<16xf32>,
        %swap3A_445 = arith.index_cast %add3A_438 : i32 to index
        %swap3A_446 = arith.constant 32 : index
        %swap3A_447 = tpu.vector_load %arg7[%swap3A_445, %swap3A_446] {strides = array<i32>} : memref<128x64xf32, #tpu.memory_space<vmem>>, vector<16xf32>,
        tpu.vector_store %arg7[%swap3A_445, %swap3A_446], %broadcast_in_dim3A_3 {strides = array<i32>} : memref<128x64xf32, #tpu.memory_space<vmem>>, vector<16xf32>,
        %swap3A_448 = arith.index_cast %add3A_438 : i32 to index
        %swap3A_449 = arith.constant 48 : index
        %swap3A_450 = tpu.vector_load %arg7[%swap3A_448, %swap3A_449] {strides = array<i32>} : memref<128x64xf32, #tpu.memory_space<vmem>>, vector<16xf32>,
        tpu.vector_store %arg7[%swap3A_448, %swap3A_449], %broadcast_in_dim3A_3 {strides = array<i32>} : memref<128x64xf32, #tpu.memory_space<vmem>>, vector<16xf32>,
        %scan3A_451 = arith.constant 0 : i32
        scf.yield %scan3A_451 : i32
      }
      %scan3A_23 = arith.constant 32 : i32
      %run_scoped3A = arith.constant 0 : i32
      "tpu.region"() ({
        %run_scoped3A_386 = tpu.sem_alloc : memref<!tpu.dma_semaphore, #tpu.memory_space<semaphore_mem>>
        %dma_start3A_387 = arith.constant 0 : i32
        %dma_start3A_388 = arith.constant 0 : i32
        %dma_start3A_389 = tpu.memref_slice %arg5[%run_scoped3A, %dma_start3A_387, %dma_start3A_388] : memref<2x40x128xi32, #tpu.memory_space<vmem>> -> memref<1x40x128xi32, #tpu.memory_space<vmem>>
        %dma_start3A_390 = tpu.memref_squeeze %dma_start3A_389 : memref<1x40x128xi32, #tpu.memory_space<vmem>> -> memref<40x128xi32, #tpu.memory_space<vmem>>
        %dma_start3A_391 = arith.constant 0 : i32
        %dma_start3A_392 = tpu.memref_slice %arg2[%dma_start3A_391, %add3A_16] : memref<200x16384xi32, #tpu.memory_space<hbm>> -> memref<40x128xi32, #tpu.memory_space<hbm>>
        %dma_start3A_393 = arith.constant 0 : i32
        %dma_start3A_394 = arith.constant 0 : i32
        %dma_start3A_395 = tpu.memref_slice %arg5[%run_scoped3A, %dma_start3A_393, %dma_start3A_394] : memref<2x40x128xi32, #tpu.memory_space<vmem>> -> memref<1x40x128xi32, #tpu.memory_space<vmem>>
        %dma_start3A_396 = tpu.memref_squeeze %dma_start3A_395 : memref<1x40x128xi32, #tpu.memory_space<vmem>> -> memref<40x128xi32, #tpu.memory_space<vmem>>
        %dma_start3A_397 = arith.constant 0 : i32
        %dma_start3A_398 = tpu.memref_slice %arg2[%dma_start3A_397, %add3A_16] : memref<200x16384xi32, #tpu.memory_space<hbm>> -> memref<40x128xi32, #tpu.memory_space<hbm>>
        tpu.enqueue_dma source(%dma_start3A_398 : memref<40x128xi32, #tpu.memory_space<hbm>>) target(%dma_start3A_396 : memref<40x128xi32, #tpu.memory_space<vmem>>) target_semaphore(%run_scoped3A_386 : memref<!tpu.dma_semaphore, #tpu.memory_space<semaphore_mem>>)
        %dma_wait3A = arith.constant 0 : i32
        %dma_wait3A_399 = arith.constant 0 : i32
        %dma_wait3A_400 = tpu.memref_slice %arg5[%run_scoped3A, %dma_wait3A, %dma_wait3A_399] : memref<2x40x128xi32, #tpu.memory_space<vmem>> -> memref<1x40x128xi32, #tpu.memory_space<vmem>>
        %dma_wait3A_401 = tpu.memref_squeeze %dma_wait3A_400 : memref<1x40x128xi32, #tpu.memory_space<vmem>> -> memref<40x128xi32, #tpu.memory_space<vmem>>
        %dma_wait3A_402 = arith.constant 0 : i32
        %dma_wait3A_403 = tpu.memref_slice %arg2[%dma_wait3A_402, %add3A_16] : memref<200x16384xi32, #tpu.memory_space<hbm>> -> memref<40x128xi32, #tpu.memory_space<hbm>>
        %dma_wait3A_404 = arith.constant 0 : i32
        %dma_wait3A_405 = arith.constant 0 : i32
        %dma_wait3A_406 = tpu.memref_slice %arg5[%run_scoped3A, %dma_wait3A_404, %dma_wait3A_405] : memref<2x40x128xi32, #tpu.memory_space<vmem>> -> memref<1x40x128xi32, #tpu.memory_space<vmem>>
        %dma_wait3A_407 = tpu.memref_squeeze %dma_wait3A_406 : memref<1x40x128xi32, #tpu.memory_space<vmem>> -> memref<40x128xi32, #tpu.memory_space<vmem>>
        %dma_wait3A_408 = arith.constant 0 : i32
        %dma_wait3A_409 = tpu.memref_slice %arg2[%dma_wait3A_408, %add3A_16] : memref<200x16384xi32, #tpu.memory_space<hbm>> -> memref<40x128xi32, #tpu.memory_space<hbm>>
        tpu.wait_dma2 semaphore(%run_scoped3A_386 : memref<!tpu.dma_semaphore, #tpu.memory_space<semaphore_mem>>) src(%dma_wait3A_409 : memref<40x128xi32, #tpu.memory_space<hbm>>) dst(%dma_wait3A_407 : memref<40x128xi32, #tpu.memory_space<vmem>>)
        tpu.yield
      }) : () -> ()
      %mul3A_24 = arith.constant 0 : i32
      %mul3A_25 = arith.constant 5 : i32
      %mul3A_26 = arith.muli %mul3A_24, %mul3A_25 : i32
      %add3A_27 = arith.constant 0 : i32
      %add3A_28 = arith.addi %mul3A_26, %add3A_27 : i32
      %jit3A = arith.constant 40 : i32
      %div3A = arith.divsi %add3A_28, %jit3A : i32
      %sign3A = arith.constant 0 : i32
      %sign3A_29 = arith.cmpi sgt, %add3A_28, %sign3A : i32
      %sign3A_30 = arith.extui %sign3A_29 : i1 to i32
      %sign3A_31 = arith.constant 0 : i32
      %sign3A_32 = arith.cmpi slt, %add3A_28, %sign3A_31 : i32
      %sign3A_33 = arith.extui %sign3A_32 : i1 to i32
      %sign3A_34 = arith.subi %sign3A_30, %sign3A_33 : i32
      %sign3A_35 = arith.constant 0 : i32
      %sign3A_36 = arith.cmpi sgt, %jit3A, %sign3A_35 : i32
      %sign3A_37 = arith.extui %sign3A_36 : i1 to i32
      %sign3A_38 = arith.constant 0 : i32
      %sign3A_39 = arith.cmpi slt, %jit3A, %sign3A_38 : i32
      %sign3A_40 = arith.extui %sign3A_39 : i1 to i32
      %sign3A_41 = arith.subi %sign3A_37, %sign3A_40 : i32
      %ne3A = arith.cmpi ne, %sign3A_34, %sign3A_41 : i32
      %rem3A = arith.remsi %add3A_28, %jit3A : i32
      %ne3A_42 = arith.constant 0 : i32
      %ne3A_43 = arith.cmpi ne, %rem3A, %ne3A_42 : i32
      %and3A = arith.andi %ne3A, %ne3A_43 : i1
      %sub3A = arith.constant 1 : i32
      %sub3A_44 = arith.subi %div3A, %sub3A : i32
      %select_n3A = arith.select %and3A, %sub3A_44, %div3A : i32
      %jit3A_45 = arith.constant 40 : i32
      %eq3A = arith.constant 0 : i32
      %eq3A_46 = arith.cmpi eq, %jit3A_45, %eq3A : i32
      %jit3A_47 = arith.constant 1 : i32
      %select_n3A_48 = arith.select %eq3A_46, %jit3A_47, %jit3A_45 : i32
      %rem3A_49 = arith.remsi %add3A_28, %select_n3A_48 : i32
      %ne3A_50 = arith.constant 0 : i32
      %ne3A_51 = arith.cmpi ne, %rem3A_49, %ne3A_50 : i32
      %lt3A = arith.constant 0 : i32
      %lt3A_52 = arith.cmpi slt, %rem3A_49, %lt3A : i32
      %lt3A_53 = arith.constant 0 : i32
      %lt3A_54 = arith.cmpi slt, %select_n3A_48, %lt3A_53 : i32
      %ne3A_55 = arith.xori %lt3A_52, %lt3A_54 : i1
      %and3A_56 = arith.andi %ne3A_55, %ne3A_51 : i1
      %add3A_57 = arith.addi %rem3A_49, %select_n3A_48 : i32
      %select_n3A_58 = arith.select %and3A_56, %add3A_57, %rem3A_49 : i32
      %jit3A_59 = arith.constant 2 : i32
      %eq3A_60 = arith.constant 0 : i32
      %eq3A_61 = arith.cmpi eq, %jit3A_59, %eq3A_60 : i32
      %jit3A_62 = arith.constant 1 : i32
      %select_n3A_63 = arith.select %eq3A_61, %jit3A_62, %jit3A_59 : i32
      %rem3A_64 = arith.remsi %select_n3A, %select_n3A_63 : i32
      %ne3A_65 = arith.constant 0 : i32
      %ne3A_66 = arith.cmpi ne, %rem3A_64, %ne3A_65 : i32
      %lt3A_67 = arith.constant 0 : i32
      %lt3A_68 = arith.cmpi slt, %rem3A_64, %lt3A_67 : i32
      %lt3A_69 = arith.constant 0 : i32
      %lt3A_70 = arith.cmpi slt, %select_n3A_63, %lt3A_69 : i32
      %ne3A_71 = arith.xori %lt3A_68, %lt3A_70 : i1
      %and3A_72 = arith.andi %ne3A_71, %ne3A_66 : i1
      %add3A_73 = arith.addi %rem3A_64, %select_n3A_63 : i32
      %select_n3A_74 = arith.select %and3A_72, %add3A_73, %rem3A_64 : i32
      %dma_start3A = arith.constant 0 : i32
      %dma_start3A_75 = arith.constant 0 : i32
      %dma_start3A_76 = arith.constant 0 : i32
      %dma_start3A_77 = arith.constant 0 : i32
      %dma_start3A_78 = tpu.memref_slice %arg6[%dma_start3A, %dma_start3A_75, %dma_start3A_76, %dma_start3A_77] : memref<2x5x128x32xi32, #tpu.memory_space<vmem>> -> memref<1x1x128x32xi32, #tpu.memory_space<vmem>>
      %dma_start3A_79 = tpu.memref_squeeze %dma_start3A_78 : memref<1x1x128x32xi32, #tpu.memory_space<vmem>> -> memref<128x32xi32, #tpu.memory_space<vmem>>
      %dma_start3A_80 = arith.constant 0 : i32
      %dma_start3A_81 = tpu.memref_slice %arg5[%select_n3A_74, %select_n3A_58, %dma_start3A_80] : memref<2x40x128xi32, #tpu.memory_space<vmem>> -> memref<1x1x128xi32, #tpu.memory_space<vmem>>
      %dma_start3A_82 = tpu.memref_squeeze %dma_start3A_81 : memref<1x1x128xi32, #tpu.memory_space<vmem>> -> memref<128xi32, #tpu.memory_space<vmem>>
      %dma_start3A_83 = arith.constant 0 : i32
      %dma_start3A_84 = arith.constant 0 : i32
      %dma_start3A_85 = tpu.memref_slice %arg3[%dma_start3A_83, %dma_start3A_84] : memref<1007616x32xi32, #tpu.memory_space<hbm>> -> memref<1007616x32xi32, #tpu.memory_space<hbm>>
      tpu.enqueue_indirect_dma source(%dma_start3A_85 : memref<1007616x32xi32, #tpu.memory_space<hbm>>) target(%dma_start3A_79 : memref<128x32xi32, #tpu.memory_space<vmem>>) offsets(%dma_start3A_82 : memref<128xi32, #tpu.memory_space<vmem>>) semaphore(%arg9 : memref<!tpu.dma_semaphore, #tpu.memory_space<semaphore_mem>>)
      %mul3A_86 = arith.constant 0 : i32
      %mul3A_87 = arith.constant 5 : i32
      %mul3A_88 = arith.muli %mul3A_86, %mul3A_87 : i32
      %add3A_89 = arith.constant 1 : i32
      %add3A_90 = arith.addi %mul3A_88, %add3A_89 : i32
      %jit3A_91 = arith.constant 40 : i32
      %div3A_92 = arith.divsi %add3A_90, %jit3A_91 : i32
      %sign3A_93 = arith.constant 0 : i32
      %sign3A_94 = arith.cmpi sgt, %add3A_90, %sign3A_93 : i32
      %sign3A_95 = arith.extui %sign3A_94 : i1 to i32
      %sign3A_96 = arith.constant 0 : i32
      %sign3A_97 = arith.cmpi slt, %add3A_90, %sign3A_96 : i32
      %sign3A_98 = arith.extui %sign3A_97 : i1 to i32
      %sign3A_99 = arith.subi %sign3A_95, %sign3A_98 : i32
      %sign3A_100 = arith.constant 0 : i32
      %sign3A_101 = arith.cmpi sgt, %jit3A_91, %sign3A_100 : i32
      %sign3A_102 = arith.extui %sign3A_101 : i1 to i32
      %sign3A_103 = arith.constant 0 : i32
      %sign3A_104 = arith.cmpi slt, %jit3A_91, %sign3A_103 : i32
      %sign3A_105 = arith.extui %sign3A_104 : i1 to i32
      %sign3A_106 = arith.subi %sign3A_102, %sign3A_105 : i32
      %ne3A_107 = arith.cmpi ne, %sign3A_99, %sign3A_106 : i32
      %rem3A_108 = arith.remsi %add3A_90, %jit3A_91 : i32
      %ne3A_109 = arith.constant 0 : i32
      %ne3A_110 = arith.cmpi ne, %rem3A_108, %ne3A_109 : i32
      %and3A_111 = arith.andi %ne3A_107, %ne3A_110 : i1
      %sub3A_112 = arith.constant 1 : i32
      %sub3A_113 = arith.subi %div3A_92, %sub3A_112 : i32
      %select_n3A_114 = arith.select %and3A_111, %sub3A_113, %div3A_92 : i32
      %jit3A_115 = arith.constant 40 : i32
      %eq3A_116 = arith.constant 0 : i32
      %eq3A_117 = arith.cmpi eq, %jit3A_115, %eq3A_116 : i32
      %jit3A_118 = arith.constant 1 : i32
      %select_n3A_119 = arith.select %eq3A_117, %jit3A_118, %jit3A_115 : i32
      %rem3A_120 = arith.remsi %add3A_90, %select_n3A_119 : i32
      %ne3A_121 = arith.constant 0 : i32
      %ne3A_122 = arith.cmpi ne, %rem3A_120, %ne3A_121 : i32
      %lt3A_123 = arith.constant 0 : i32
      %lt3A_124 = arith.cmpi slt, %rem3A_120, %lt3A_123 : i32
      %lt3A_125 = arith.constant 0 : i32
      %lt3A_126 = arith.cmpi slt, %select_n3A_119, %lt3A_125 : i32
      %ne3A_127 = arith.xori %lt3A_124, %lt3A_126 : i1
      %and3A_128 = arith.andi %ne3A_127, %ne3A_122 : i1
      %add3A_129 = arith.addi %rem3A_120, %select_n3A_119 : i32
      %select_n3A_130 = arith.select %and3A_128, %add3A_129, %rem3A_120 : i32
      %jit3A_131 = arith.constant 2 : i32
      %eq3A_132 = arith.constant 0 : i32
      %eq3A_133 = arith.cmpi eq, %jit3A_131, %eq3A_132 : i32
      %jit3A_134 = arith.constant 1 : i32
      %select_n3A_135 = arith.select %eq3A_133, %jit3A_134, %jit3A_131 : i32
      %rem3A_136 = arith.remsi %select_n3A_114, %select_n3A_135 : i32
      %ne3A_137 = arith.constant 0 : i32
      %ne3A_138 = arith.cmpi ne, %rem3A_136, %ne3A_137 : i32
      %lt3A_139 = arith.constant 0 : i32
      %lt3A_140 = arith.cmpi slt, %rem3A_136, %lt3A_139 : i32
      %lt3A_141 = arith.constant 0 : i32
      %lt3A_142 = arith.cmpi slt, %select_n3A_135, %lt3A_141 : i32
      %ne3A_143 = arith.xori %lt3A_140, %lt3A_142 : i1
      %and3A_144 = arith.andi %ne3A_143, %ne3A_138 : i1
      %add3A_145 = arith.addi %rem3A_136, %select_n3A_135 : i32
      %select_n3A_146 = arith.select %and3A_144, %add3A_145, %rem3A_136 : i32
      %dma_start3A_147 = arith.constant 0 : i32
      %dma_start3A_148 = arith.constant 1 : i32
      %dma_start3A_149 = arith.constant 0 : i32
      %dma_start3A_150 = arith.constant 0 : i32
      %dma_start3A_151 = tpu.memref_slice %arg6[%dma_start3A_147, %dma_start3A_148, %dma_start3A_149, %dma_start3A_150] : memref<2x5x128x32xi32, #tpu.memory_space<vmem>> -> memref<1x1x128x32xi32, #tpu.memory_space<vmem>>
      %dma_start3A_152 = tpu.memref_squeeze %dma_start3A_151 : memref<1x1x128x32xi32, #tpu.memory_space<vmem>> -> memref<128x32xi32, #tpu.memory_space<vmem>>
      %dma_start3A_153 = arith.constant 0 : i32
      %dma_start3A_154 = tpu.memref_slice %arg5[%select_n3A_146, %select_n3A_130, %dma_start3A_153] : memref<2x40x128xi32, #tpu.memory_space<vmem>> -> memref<1x1x128xi32, #tpu.memory_space<vmem>>
      %dma_start3A_155 = tpu.memref_squeeze %dma_start3A_154 : memref<1x1x128xi32, #tpu.memory_space<vmem>> -> memref<128xi32, #tpu.memory_space<vmem>>
      %dma_start3A_156 = arith.constant 0 : i32
      %dma_start3A_157 = arith.constant 0 : i32
      %dma_start3A_158 = tpu.memref_slice %arg3[%dma_start3A_156, %dma_start3A_157] : memref<1007616x32xi32, #tpu.memory_space<hbm>> -> memref<1007616x32xi32, #tpu.memory_space<hbm>>
      tpu.enqueue_indirect_dma source(%dma_start3A_158 : memref<1007616x32xi32, #tpu.memory_space<hbm>>) target(%dma_start3A_152 : memref<128x32xi32, #tpu.memory_space<vmem>>) offsets(%dma_start3A_155 : memref<128xi32, #tpu.memory_space<vmem>>) semaphore(%arg9 : memref<!tpu.dma_semaphore, #tpu.memory_space<semaphore_mem>>)
      %mul3A_159 = arith.constant 0 : i32
      %mul3A_160 = arith.constant 5 : i32
      %mul3A_161 = arith.muli %mul3A_159, %mul3A_160 : i32
      %add3A_162 = arith.constant 2 : i32
      %add3A_163 = arith.addi %mul3A_161, %add3A_162 : i32
      %jit3A_164 = arith.constant 40 : i32
      %div3A_165 = arith.divsi %add3A_163, %jit3A_164 : i32
      %sign3A_166 = arith.constant 0 : i32
      %sign3A_167 = arith.cmpi sgt, %add3A_163, %sign3A_166 : i32
      %sign3A_168 = arith.extui %sign3A_167 : i1 to i32
      %sign3A_169 = arith.constant 0 : i32
      %sign3A_170 = arith.cmpi slt, %add3A_163, %sign3A_169 : i32
      %sign3A_171 = arith.extui %sign3A_170 : i1 to i32
      %sign3A_172 = arith.subi %sign3A_168, %sign3A_171 : i32
      %sign3A_173 = arith.constant 0 : i32
      %sign3A_174 = arith.cmpi sgt, %jit3A_164, %sign3A_173 : i32
      %sign3A_175 = arith.extui %sign3A_174 : i1 to i32
      %sign3A_176 = arith.constant 0 : i32
      %sign3A_177 = arith.cmpi slt, %jit3A_164, %sign3A_176 : i32
      %sign3A_178 = arith.extui %sign3A_177 : i1 to i32
      %sign3A_179 = arith.subi %sign3A_175, %sign3A_178 : i32
      %ne3A_180 = arith.cmpi ne, %sign3A_172, %sign3A_179 : i32
      %rem3A_181 = arith.remsi %add3A_163, %jit3A_164 : i32
      %ne3A_182 = arith.constant 0 : i32
      %ne3A_183 = arith.cmpi ne, %rem3A_181, %ne3A_182 : i32
      %and3A_184 = arith.andi %ne3A_180, %ne3A_183 : i1
      %sub3A_185 = arith.constant 1 : i32
      %sub3A_186 = arith.subi %div3A_165, %sub3A_185 : i32
      %select_n3A_187 = arith.select %and3A_184, %sub3A_186, %div3A_165 : i32
      %jit3A_188 = arith.constant 40 : i32
      %eq3A_189 = arith.constant 0 : i32
      %eq3A_190 = arith.cmpi eq, %jit3A_188, %eq3A_189 : i32
      %jit3A_191 = arith.constant 1 : i32
      %select_n3A_192 = arith.select %eq3A_190, %jit3A_191, %jit3A_188 : i32
      %rem3A_193 = arith.remsi %add3A_163, %select_n3A_192 : i32
      %ne3A_194 = arith.constant 0 : i32
      %ne3A_195 = arith.cmpi ne, %rem3A_193, %ne3A_194 : i32
      %lt3A_196 = arith.constant 0 : i32
      %lt3A_197 = arith.cmpi slt, %rem3A_193, %lt3A_196 : i32
      %lt3A_198 = arith.constant 0 : i32
      %lt3A_199 = arith.cmpi slt, %select_n3A_192, %lt3A_198 : i32
      %ne3A_200 = arith.xori %lt3A_197, %lt3A_199 : i1
      %and3A_201 = arith.andi %ne3A_200, %ne3A_195 : i1
      %add3A_202 = arith.addi %rem3A_193, %select_n3A_192 : i32
      %select_n3A_203 = arith.select %and3A_201, %add3A_202, %rem3A_193 : i32
      %jit3A_204 = arith.constant 2 : i32
      %eq3A_205 = arith.constant 0 : i32
      %eq3A_206 = arith.cmpi eq, %jit3A_204, %eq3A_205 : i32
      %jit3A_207 = arith.constant 1 : i32
      %select_n3A_208 = arith.select %eq3A_206, %jit3A_207, %jit3A_204 : i32
      %rem3A_209 = arith.remsi %select_n3A_187, %select_n3A_208 : i32
      %ne3A_210 = arith.constant 0 : i32
      %ne3A_211 = arith.cmpi ne, %rem3A_209, %ne3A_210 : i32
      %lt3A_212 = arith.constant 0 : i32
      %lt3A_213 = arith.cmpi slt, %rem3A_209, %lt3A_212 : i32
      %lt3A_214 = arith.constant 0 : i32
      %lt3A_215 = arith.cmpi slt, %select_n3A_208, %lt3A_214 : i32
      %ne3A_216 = arith.xori %lt3A_213, %lt3A_215 : i1
      %and3A_217 = arith.andi %ne3A_216, %ne3A_211 : i1
      %add3A_218 = arith.addi %rem3A_209, %select_n3A_208 : i32
      %select_n3A_219 = arith.select %and3A_217, %add3A_218, %rem3A_209 : i32
      %dma_start3A_220 = arith.constant 0 : i32
      %dma_start3A_221 = arith.constant 2 : i32
      %dma_start3A_222 = arith.constant 0 : i32
      %dma_start3A_223 = arith.constant 0 : i32
      %dma_start3A_224 = tpu.memref_slice %arg6[%dma_start3A_220, %dma_start3A_221, %dma_start3A_222, %dma_start3A_223] : memref<2x5x128x32xi32, #tpu.memory_space<vmem>> -> memref<1x1x128x32xi32, #tpu.memory_space<vmem>>
      %dma_start3A_225 = tpu.memref_squeeze %dma_start3A_224 : memref<1x1x128x32xi32, #tpu.memory_space<vmem>> -> memref<128x32xi32, #tpu.memory_space<vmem>>
      %dma_start3A_226 = arith.constant 0 : i32
      %dma_start3A_227 = tpu.memref_slice %arg5[%select_n3A_219, %select_n3A_203, %dma_start3A_226] : memref<2x40x128xi32, #tpu.memory_space<vmem>> -> memref<1x1x128xi32, #tpu.memory_space<vmem>>
      %dma_start3A_228 = tpu.memref_squeeze %dma_start3A_227 : memref<1x1x128xi32, #tpu.memory_space<vmem>> -> memref<128xi32, #tpu.memory_space<vmem>>
      %dma_start3A_229 = arith.constant 0 : i32
      %dma_start3A_230 = arith.constant 0 : i32
      %dma_start3A_231 = tpu.memref_slice %arg3[%dma_start3A_229, %dma_start3A_230] : memref<1007616x32xi32, #tpu.memory_space<hbm>> -> memref<1007616x32xi32, #tpu.memory_space<hbm>>
      tpu.enqueue_indirect_dma source(%dma_start3A_231 : memref<1007616x32xi32, #tpu.memory_space<hbm>>) target(%dma_start3A_225 : memref<128x32xi32, #tpu.memory_space<vmem>>) offsets(%dma_start3A_228 : memref<128xi32, #tpu.memory_space<vmem>>) semaphore(%arg9 : memref<!tpu.dma_semaphore, #tpu.memory_space<semaphore_mem>>)
      %mul3A_232 = arith.constant 0 : i32
      %mul3A_233 = arith.constant 5 : i32
      %mul3A_234 = arith.muli %mul3A_232, %mul3A_233 : i32
      %add3A_235 = arith.constant 3 : i32
      %add3A_236 = arith.addi %mul3A_234, %add3A_235 : i32
      %jit3A_237 = arith.constant 40 : i32
      %div3A_238 = arith.divsi %add3A_236, %jit3A_237 : i32
      %sign3A_239 = arith.constant 0 : i32
      %sign3A_240 = arith.cmpi sgt, %add3A_236, %sign3A_239 : i32
      %sign3A_241 = arith.extui %sign3A_240 : i1 to i32
      %sign3A_242 = arith.constant 0 : i32
      %sign3A_243 = arith.cmpi slt, %add3A_236, %sign3A_242 : i32
      %sign3A_244 = arith.extui %sign3A_243 : i1 to i32
      %sign3A_245 = arith.subi %sign3A_241, %sign3A_244 : i32
      %sign3A_246 = arith.constant 0 : i32
      %sign3A_247 = arith.cmpi sgt, %jit3A_237, %sign3A_246 : i32
      %sign3A_248 = arith.extui %sign3A_247 : i1 to i32
      %sign3A_249 = arith.constant 0 : i32
      %sign3A_250 = arith.cmpi slt, %jit3A_237, %sign3A_249 : i32
      %sign3A_251 = arith.extui %sign3A_250 : i1 to i32
      %sign3A_252 = arith.subi %sign3A_248, %sign3A_251 : i32
      %ne3A_253 = arith.cmpi ne, %sign3A_245, %sign3A_252 : i32
      %rem3A_254 = arith.remsi %add3A_236, %jit3A_237 : i32
      %ne3A_255 = arith.constant 0 : i32
      %ne3A_256 = arith.cmpi ne, %rem3A_254, %ne3A_255 : i32
      %and3A_257 = arith.andi %ne3A_253, %ne3A_256 : i1
      %sub3A_258 = arith.constant 1 : i32
      %sub3A_259 = arith.subi %div3A_238, %sub3A_258 : i32
      %select_n3A_260 = arith.select %and3A_257, %sub3A_259, %div3A_238 : i32
      %jit3A_261 = arith.constant 40 : i32
      %eq3A_262 = arith.constant 0 : i32
      %eq3A_263 = arith.cmpi eq, %jit3A_261, %eq3A_262 : i32
      %jit3A_264 = arith.constant 1 : i32
      %select_n3A_265 = arith.select %eq3A_263, %jit3A_264, %jit3A_261 : i32
      %rem3A_266 = arith.remsi %add3A_236, %select_n3A_265 : i32
      %ne3A_267 = arith.constant 0 : i32
      %ne3A_268 = arith.cmpi ne, %rem3A_266, %ne3A_267 : i32
      %lt3A_269 = arith.constant 0 : i32
      %lt3A_270 = arith.cmpi slt, %rem3A_266, %lt3A_269 : i32
      %lt3A_271 = arith.constant 0 : i32
      %lt3A_272 = arith.cmpi slt, %select_n3A_265, %lt3A_271 : i32
      %ne3A_273 = arith.xori %lt3A_270, %lt3A_272 : i1
      %and3A_274 = arith.andi %ne3A_273, %ne3A_268 : i1
      %add3A_275 = arith.addi %rem3A_266, %select_n3A_265 : i32
      %select_n3A_276 = arith.select %and3A_274, %add3A_275, %rem3A_266 : i32
      %jit3A_277 = arith.constant 2 : i32
      %eq3A_278 = arith.constant 0 : i32
      %eq3A_279 = arith.cmpi eq, %jit3A_277, %eq3A_278 : i32
      %jit3A_280 = arith.constant 1 : i32
      %select_n3A_281 = arith.select %eq3A_279, %jit3A_280, %jit3A_277 : i32
      %rem3A_282 = arith.remsi %select_n3A_260, %select_n3A_281 : i32
      %ne3A_283 = arith.constant 0 : i32
      %ne3A_284 = arith.cmpi ne, %rem3A_282, %ne3A_283 : i32
      %lt3A_285 = arith.constant 0 : i32
      %lt3A_286 = arith.cmpi slt, %rem3A_282, %lt3A_285 : i32
      %lt3A_287 = arith.constant 0 : i32
      %lt3A_288 = arith.cmpi slt, %select_n3A_281, %lt3A_287 : i32
      %ne3A_289 = arith.xori %lt3A_286, %lt3A_288 : i1
      %and3A_290 = arith.andi %ne3A_289, %ne3A_284 : i1
      %add3A_291 = arith.addi %rem3A_282, %select_n3A_281 : i32
      %select_n3A_292 = arith.select %and3A_290, %add3A_291, %rem3A_282 : i32
      %dma_start3A_293 = arith.constant 0 : i32
      %dma_start3A_294 = arith.constant 3 : i32
      %dma_start3A_295 = arith.constant 0 : i32
      %dma_start3A_296 = arith.constant 0 : i32
      %dma_start3A_297 = tpu.memref_slice %arg6[%dma_start3A_293, %dma_start3A_294, %dma_start3A_295, %dma_start3A_296] : memref<2x5x128x32xi32, #tpu.memory_space<vmem>> -> memref<1x1x128x32xi32, #tpu.memory_space<vmem>>
      %dma_start3A_298 = tpu.memref_squeeze %dma_start3A_297 : memref<1x1x128x32xi32, #tpu.memory_space<vmem>> -> memref<128x32xi32, #tpu.memory_space<vmem>>
      %dma_start3A_299 = arith.constant 0 : i32
      %dma_start3A_300 = tpu.memref_slice %arg5[%select_n3A_292, %select_n3A_276, %dma_start3A_299] : memref<2x40x128xi32, #tpu.memory_space<vmem>> -> memref<1x1x128xi32, #tpu.memory_space<vmem>>
      %dma_start3A_301 = tpu.memref_squeeze %dma_start3A_300 : memref<1x1x128xi32, #tpu.memory_space<vmem>> -> memref<128xi32, #tpu.memory_space<vmem>>
      %dma_start3A_302 = arith.constant 0 : i32
      %dma_start3A_303 = arith.constant 0 : i32
      %dma_start3A_304 = tpu.memref_slice %arg3[%dma_start3A_302, %dma_start3A_303] : memref<1007616x32xi32, #tpu.memory_space<hbm>> -> memref<1007616x32xi32, #tpu.memory_space<hbm>>
      tpu.enqueue_indirect_dma source(%dma_start3A_304 : memref<1007616x32xi32, #tpu.memory_space<hbm>>) target(%dma_start3A_298 : memref<128x32xi32, #tpu.memory_space<vmem>>) offsets(%dma_start3A_301 : memref<128xi32, #tpu.memory_space<vmem>>) semaphore(%arg9 : memref<!tpu.dma_semaphore, #tpu.memory_space<semaphore_mem>>)
      %mul3A_305 = arith.constant 0 : i32
      %mul3A_306 = arith.constant 5 : i32
      %mul3A_307 = arith.muli %mul3A_305, %mul3A_306 : i32
      %add3A_308 = arith.constant 4 : i32
      %add3A_309 = arith.addi %mul3A_307, %add3A_308 : i32
      %jit3A_310 = arith.constant 40 : i32
      %div3A_311 = arith.divsi %add3A_309, %jit3A_310 : i32
      %sign3A_312 = arith.constant 0 : i32
      %sign3A_313 = arith.cmpi sgt, %add3A_309, %sign3A_312 : i32
      %sign3A_314 = arith.extui %sign3A_313 : i1 to i32
      %sign3A_315 = arith.constant 0 : i32
      %sign3A_316 = arith.cmpi slt, %add3A_309, %sign3A_315 : i32
      %sign3A_317 = arith.extui %sign3A_316 : i1 to i32
      %sign3A_318 = arith.subi %sign3A_314, %sign3A_317 : i32
      %sign3A_319 = arith.constant 0 : i32
      %sign3A_320 = arith.cmpi sgt, %jit3A_310, %sign3A_319 : i32
      %sign3A_321 = arith.extui %sign3A_320 : i1 to i32
      %sign3A_322 = arith.constant 0 : i32
      %sign3A_323 = arith.cmpi slt, %jit3A_310, %sign3A_322 : i32
      %sign3A_324 = arith.extui %sign3A_323 : i1 to i32
      %sign3A_325 = arith.subi %sign3A_321, %sign3A_324 : i32
      %ne3A_326 = arith.cmpi ne, %sign3A_318, %sign3A_325 : i32
      %rem3A_327 = arith.remsi %add3A_309, %jit3A_310 : i32
      %ne3A_328 = arith.constant 0 : i32
      %ne3A_329 = arith.cmpi ne, %rem3A_327, %ne3A_328 : i32
      %and3A_330 = arith.andi %ne3A_326, %ne3A_329 : i1
      %sub3A_331 = arith.constant 1 : i32
      %sub3A_332 = arith.subi %div3A_311, %sub3A_331 : i32
      %select_n3A_333 = arith.select %and3A_330, %sub3A_332, %div3A_311 : i32
      %jit3A_334 = arith.constant 40 : i32
      %eq3A_335 = arith.constant 0 : i32
      %eq3A_336 = arith.cmpi eq, %jit3A_334, %eq3A_335 : i32
      %jit3A_337 = arith.constant 1 : i32
      %select_n3A_338 = arith.select %eq3A_336, %jit3A_337, %jit3A_334 : i32
      %rem3A_339 = arith.remsi %add3A_309, %select_n3A_338 : i32
      %ne3A_340 = arith.constant 0 : i32
      %ne3A_341 = arith.cmpi ne, %rem3A_339, %ne3A_340 : i32
      %lt3A_342 = arith.constant 0 : i32
      %lt3A_343 = arith.cmpi slt, %rem3A_339, %lt3A_342 : i32
      %lt3A_344 = arith.constant 0 : i32
      %lt3A_345 = arith.cmpi slt, %select_n3A_338, %lt3A_344 : i32
      %ne3A_346 = arith.xori %lt3A_343, %lt3A_345 : i1
      %and3A_347 = arith.andi %ne3A_346, %ne3A_341 : i1
      %add3A_348 = arith.addi %rem3A_339, %select_n3A_338 : i32
      %select_n3A_349 = arith.select %and3A_347, %add3A_348, %rem3A_339 : i32
      %jit3A_350 = arith.constant 2 : i32
      %eq3A_351 = arith.constant 0 : i32
      %eq3A_352 = arith.cmpi eq, %jit3A_350, %eq3A_351 : i32
      %jit3A_353 = arith.constant 1 : i32
      %select_n3A_354 = arith.select %eq3A_352, %jit3A_353, %jit3A_350 : i32
      %rem3A_355 = arith.remsi %select_n3A_333, %select_n3A_354 : i32
      %ne3A_356 = arith.constant 0 : i32
      %ne3A_357 = arith.cmpi ne, %rem3A_355, %ne3A_356 : i32
      %lt3A_358 = arith.constant 0 : i32
      %lt3A_359 = arith.cmpi slt, %rem3A_355, %lt3A_358 : i32
      %lt3A_360 = arith.constant 0 : i32
      %lt3A_361 = arith.cmpi slt, %select_n3A_354, %lt3A_360 : i32
      %ne3A_362 = arith.xori %lt3A_359, %lt3A_361 : i1
      %and3A_363 = arith.andi %ne3A_362, %ne3A_357 : i1
      %add3A_364 = arith.addi %rem3A_355, %select_n3A_354 : i32
      %select_n3A_365 = arith.select %and3A_363, %add3A_364, %rem3A_355 : i32
      %dma_start3A_366 = arith.constant 0 : i32
      %dma_start3A_367 = arith.constant 4 : i32
      %dma_start3A_368 = arith.constant 0 : i32
      %dma_start3A_369 = arith.constant 0 : i32
      %dma_start3A_370 = tpu.memref_slice %arg6[%dma_start3A_366, %dma_start3A_367, %dma_start3A_368, %dma_start3A_369] : memref<2x5x128x32xi32, #tpu.memory_space<vmem>> -> memref<1x1x128x32xi32, #tpu.memory_space<vmem>>
      %dma_start3A_371 = tpu.memref_squeeze %dma_start3A_370 : memref<1x1x128x32xi32, #tpu.memory_space<vmem>> -> memref<128x32xi32, #tpu.memory_space<vmem>>
      %dma_start3A_372 = arith.constant 0 : i32
      %dma_start3A_373 = tpu.memref_slice %arg5[%select_n3A_365, %select_n3A_349, %dma_start3A_372] : memref<2x40x128xi32, #tpu.memory_space<vmem>> -> memref<1x1x128xi32, #tpu.memory_space<vmem>>
      %dma_start3A_374 = tpu.memref_squeeze %dma_start3A_373 : memref<1x1x128xi32, #tpu.memory_space<vmem>> -> memref<128xi32, #tpu.memory_space<vmem>>
      %dma_start3A_375 = arith.constant 0 : i32
      %dma_start3A_376 = arith.constant 0 : i32
      %dma_start3A_377 = tpu.memref_slice %arg3[%dma_start3A_375, %dma_start3A_376] : memref<1007616x32xi32, #tpu.memory_space<hbm>> -> memref<1007616x32xi32, #tpu.memory_space<hbm>>
      tpu.enqueue_indirect_dma source(%dma_start3A_377 : memref<1007616x32xi32, #tpu.memory_space<hbm>>) target(%dma_start3A_371 : memref<128x32xi32, #tpu.memory_space<vmem>>) offsets(%dma_start3A_374 : memref<128xi32, #tpu.memory_space<vmem>>) semaphore(%arg9 : memref<!tpu.dma_semaphore, #tpu.memory_space<semaphore_mem>>)
      %scan3A_378 = arith.constant 0 : i32
      %scan3A_379 = arith.constant 0 : i32
      %scan3A_380 = arith.constant 20 : i32
      %scan3A_381 = arith.addi %scan3A_379, %scan3A_380 : i32
      %scan3A_382 = arith.constant 1 : i32
      %scan3A_383 = scf.for %scan3A_386 = %scan3A_379 to %scan3A_381 step %scan3A_382 iter_args(%scan3A_387 = %scan3A_378) -> (i32)  : i32 {
        %mul3A_388 = arith.constant 2 : i32
        %mul3A_389 = arith.muli %scan3A_386, %mul3A_388 : i32
        %jit3A_390 = arith.constant 4 : i32
        %eq3A_391 = arith.constant 0 : i32
        %eq3A_392 = arith.cmpi eq, %jit3A_390, %eq3A_391 : i32
        %jit3A_393 = arith.constant 1 : i32
        %select_n3A_394 = arith.select %eq3A_392, %jit3A_393, %jit3A_390 : i32
        %rem3A_395 = arith.remsi %scan3A_386, %select_n3A_394 : i32
        %ne3A_396 = arith.constant 0 : i32
        %ne3A_397 = arith.cmpi ne, %rem3A_395, %ne3A_396 : i32
        %lt3A_398 = arith.constant 0 : i32
        %lt3A_399 = arith.cmpi slt, %rem3A_395, %lt3A_398 : i32
        %lt3A_400 = arith.constant 0 : i32
        %lt3A_401 = arith.cmpi slt, %select_n3A_394, %lt3A_400 : i32
        %ne3A_402 = arith.xori %lt3A_399, %lt3A_401 : i1
        %and3A_403 = arith.andi %ne3A_402, %ne3A_397 : i1
        %add3A_404 = arith.addi %rem3A_395, %select_n3A_394 : i32
        %select_n3A_405 = arith.select %and3A_403, %add3A_404, %rem3A_395 : i32
        %eq3A_406 = arith.constant 0 : i32
        %eq3A_407 = arith.cmpi eq, %select_n3A_405, %eq3A_406 : i32
        %lt3A_408 = arith.constant 16 : i32
        %lt3A_409 = arith.cmpi slt, %scan3A_386, %lt3A_408 : i32
        %and3A_410 = arith.andi %eq3A_407, %lt3A_409 : i1
        %convert_element_type3A = arith.extui %and3A_410 : i1 to i32
        %cond3A = arith.constant 0 : i32
        %cond3A_411 = arith.cmpi ne, %convert_element_type3A, %cond3A : i32
        scf.if %cond3A_411 {
          %jit3A_983 = arith.constant 4 : i32
          %div3A_984 = arith.divsi %scan3A_386, %jit3A_983 : i32
          %sign3A_985 = arith.constant 0 : i32
          %sign3A_986 = arith.cmpi sgt, %scan3A_386, %sign3A_985 : i32
          %sign3A_987 = arith.extui %sign3A_986 : i1 to i32
          %sign3A_988 = arith.constant 0 : i32
          %sign3A_989 = arith.cmpi slt, %scan3A_386, %sign3A_988 : i32
          %sign3A_990 = arith.extui %sign3A_989 : i1 to i32
          %sign3A_991 = arith.subi %sign3A_987, %sign3A_990 : i32
          %sign3A_992 = arith.constant 0 : i32
          %sign3A_993 = arith.cmpi sgt, %jit3A_983, %sign3A_992 : i32
          %sign3A_994 = arith.extui %sign3A_993 : i1 to i32
          %sign3A_995 = arith.constant 0 : i32
          %sign3A_996 = arith.cmpi slt, %jit3A_983, %sign3A_995 : i32
          %sign3A_997 = arith.extui %sign3A_996 : i1 to i32
          %sign3A_998 = arith.subi %sign3A_994, %sign3A_997 : i32
          %ne3A_999 = arith.cmpi ne, %sign3A_991, %sign3A_998 : i32
          %rem3A_1000 = arith.remsi %scan3A_386, %jit3A_983 : i32
          %ne3A_1001 = arith.constant 0 : i32
          %ne3A_1002 = arith.cmpi ne, %rem3A_1000, %ne3A_1001 : i32
          %and3A_1003 = arith.andi %ne3A_999, %ne3A_1002 : i1
          %sub3A_1004 = arith.constant 1 : i32
          %sub3A_1005 = arith.subi %div3A_984, %sub3A_1004 : i32
          %select_n3A_1006 = arith.select %and3A_1003, %sub3A_1005, %div3A_984 : i32
          %add3A_1007 = arith.constant 1 : i32
          %add3A_1008 = arith.addi %select_n3A_1006, %add3A_1007 : i32
          %mul3A_1009 = arith.constant 40 : i32
          %mul3A_1010 = arith.muli %add3A_1008, %mul3A_1009 : i32
          %jit3A_1011 = arith.constant 2 : i32
          %eq3A_1012 = arith.constant 0 : i32
          %eq3A_1013 = arith.cmpi eq, %jit3A_1011, %eq3A_1012 : i32
          %jit3A_1014 = arith.constant 1 : i32
          %select_n3A_1015 = arith.select %eq3A_1013, %jit3A_1014, %jit3A_1011 : i32
          %rem3A_1016 = arith.remsi %add3A_1008, %select_n3A_1015 : i32
          %ne3A_1017 = arith.constant 0 : i32
          %ne3A_1018 = arith.cmpi ne, %rem3A_1016, %ne3A_1017 : i32
          %lt3A_1019 = arith.constant 0 : i32
          %lt3A_1020 = arith.cmpi slt, %rem3A_1016, %lt3A_1019 : i32
          %lt3A_1021 = arith.constant 0 : i32
          %lt3A_1022 = arith.cmpi slt, %select_n3A_1015, %lt3A_1021 : i32
          %ne3A_1023 = arith.xori %lt3A_1020, %lt3A_1022 : i1
          %and3A_1024 = arith.andi %ne3A_1023, %ne3A_1018 : i1
          %add3A_1025 = arith.addi %rem3A_1016, %select_n3A_1015 : i32
          %select_n3A_1026 = arith.select %and3A_1024, %add3A_1025, %rem3A_1016 : i32
          %dma_start3A_1027 = arith.constant 0 : i32
          %dma_start3A_1028 = arith.constant 0 : i32
          %dma_start3A_1029 = tpu.memref_slice %arg5[%select_n3A_1026, %dma_start3A_1027, %dma_start3A_1028] : memref<2x40x128xi32, #tpu.memory_space<vmem>> -> memref<1x40x128xi32, #tpu.memory_space<vmem>>
          %dma_start3A_1030 = tpu.memref_squeeze %dma_start3A_1029 : memref<1x40x128xi32, #tpu.memory_space<vmem>> -> memref<40x128xi32, #tpu.memory_space<vmem>>
          %dma_start3A_1031 = tpu.memref_slice %arg2[%mul3A_1010, %add3A_16] : memref<200x16384xi32, #tpu.memory_space<hbm>> -> memref<40x128xi32, #tpu.memory_space<hbm>>
          %dma_start3A_1032 = arith.constant 0 : i32
          %dma_start3A_1033 = arith.constant 0 : i32
          %dma_start3A_1034 = tpu.memref_slice %arg5[%select_n3A_1026, %dma_start3A_1032, %dma_start3A_1033] : memref<2x40x128xi32, #tpu.memory_space<vmem>> -> memref<1x40x128xi32, #tpu.memory_space<vmem>>
          %dma_start3A_1035 = tpu.memref_squeeze %dma_start3A_1034 : memref<1x40x128xi32, #tpu.memory_space<vmem>> -> memref<40x128xi32, #tpu.memory_space<vmem>>
          %dma_start3A_1036 = tpu.memref_slice %arg2[%mul3A_1010, %add3A_16] : memref<200x16384xi32, #tpu.memory_space<hbm>> -> memref<40x128xi32, #tpu.memory_space<hbm>>
          tpu.enqueue_dma source(%dma_start3A_1036 : memref<40x128xi32, #tpu.memory_space<hbm>>) target(%dma_start3A_1035 : memref<40x128xi32, #tpu.memory_space<vmem>>) target_semaphore(%arg8 : memref<!tpu.dma_semaphore, #tpu.memory_space<semaphore_mem>>)
        } else {
        }
        %add3A_412 = arith.constant 1 : i32
        %add3A_413 = arith.addi %mul3A_389, %add3A_412 : i32
        %mul3A_414 = arith.constant 5 : i32
        %mul3A_415 = arith.muli %add3A_413, %mul3A_414 : i32
        %add3A_416 = arith.constant 0 : i32
        %add3A_417 = arith.addi %mul3A_415, %add3A_416 : i32
        %jit3A_418 = arith.constant 40 : i32
        %div3A_419 = arith.divsi %add3A_417, %jit3A_418 : i32
        %sign3A_420 = arith.constant 0 : i32
        %sign3A_421 = arith.cmpi sgt, %add3A_417, %sign3A_420 : i32
        %sign3A_422 = arith.extui %sign3A_421 : i1 to i32
        %sign3A_423 = arith.constant 0 : i32
        %sign3A_424 = arith.cmpi slt, %add3A_417, %sign3A_423 : i32
        %sign3A_425 = arith.extui %sign3A_424 : i1 to i32
        %sign3A_426 = arith.subi %sign3A_422, %sign3A_425 : i32
        %sign3A_427 = arith.constant 0 : i32
        %sign3A_428 = arith.cmpi sgt, %jit3A_418, %sign3A_427 : i32
        %sign3A_429 = arith.extui %sign3A_428 : i1 to i32
        %sign3A_430 = arith.constant 0 : i32
        %sign3A_431 = arith.cmpi slt, %jit3A_418, %sign3A_430 : i32
        %sign3A_432 = arith.extui %sign3A_431 : i1 to i32
        %sign3A_433 = arith.subi %sign3A_429, %sign3A_432 : i32
        %ne3A_434 = arith.cmpi ne, %sign3A_426, %sign3A_433 : i32
        %rem3A_435 = arith.remsi %add3A_417, %jit3A_418 : i32
        %ne3A_436 = arith.constant 0 : i32
        %ne3A_437 = arith.cmpi ne, %rem3A_435, %ne3A_436 : i32
        %and3A_438 = arith.andi %ne3A_434, %ne3A_437 : i1
        %sub3A_439 = arith.constant 1 : i32
        %sub3A_440 = arith.subi %div3A_419, %sub3A_439 : i32
        %select_n3A_441 = arith.select %and3A_438, %sub3A_440, %div3A_419 : i32
        %jit3A_442 = arith.constant 40 : i32
        %eq3A_443 = arith.constant 0 : i32
        %eq3A_444 = arith.cmpi eq, %jit3A_442, %eq3A_443 : i32
        %jit3A_445 = arith.constant 1 : i32
        %select_n3A_446 = arith.select %eq3A_444, %jit3A_445, %jit3A_442 : i32
        %rem3A_447 = arith.remsi %add3A_417, %select_n3A_446 : i32
        %ne3A_448 = arith.constant 0 : i32
        %ne3A_449 = arith.cmpi ne, %rem3A_447, %ne3A_448 : i32
        %lt3A_450 = arith.constant 0 : i32
        %lt3A_451 = arith.cmpi slt, %rem3A_447, %lt3A_450 : i32
        %lt3A_452 = arith.constant 0 : i32
        %lt3A_453 = arith.cmpi slt, %select_n3A_446, %lt3A_452 : i32
        %ne3A_454 = arith.xori %lt3A_451, %lt3A_453 : i1
        %and3A_455 = arith.andi %ne3A_454, %ne3A_449 : i1
        %add3A_456 = arith.addi %rem3A_447, %select_n3A_446 : i32
        %select_n3A_457 = arith.select %and3A_455, %add3A_456, %rem3A_447 : i32
        %jit3A_458 = arith.constant 2 : i32
        %eq3A_459 = arith.constant 0 : i32
        %eq3A_460 = arith.cmpi eq, %jit3A_458, %eq3A_459 : i32
        %jit3A_461 = arith.constant 1 : i32
        %select_n3A_462 = arith.select %eq3A_460, %jit3A_461, %jit3A_458 : i32
        %rem3A_463 = arith.remsi %select_n3A_441, %select_n3A_462 : i32
        %ne3A_464 = arith.constant 0 : i32
        %ne3A_465 = arith.cmpi ne, %rem3A_463, %ne3A_464 : i32
        %lt3A_466 = arith.constant 0 : i32
        %lt3A_467 = arith.cmpi slt, %rem3A_463, %lt3A_466 : i32
        %lt3A_468 = arith.constant 0 : i32
        %lt3A_469 = arith.cmpi slt, %select_n3A_462, %lt3A_468 : i32
        %ne3A_470 = arith.xori %lt3A_467, %lt3A_469 : i1
        %and3A_471 = arith.andi %ne3A_470, %ne3A_465 : i1
        %add3A_472 = arith.addi %rem3A_463, %select_n3A_462 : i32
        %select_n3A_473 = arith.select %and3A_471, %add3A_472, %rem3A_463 : i32
        %dma_start3A_474 = arith.constant 1 : i32
        %dma_start3A_475 = arith.constant 0 : i32
        %dma_start3A_476 = arith.constant 0 : i32
        %dma_start3A_477 = arith.constant 0 : i32
        %dma_start3A_478 = tpu.memref_slice %arg6[%dma_start3A_474, %dma_start3A_475, %dma_start3A_476, %dma_start3A_477] : memref<2x5x128x32xi32, #tpu.memory_space<vmem>> -> memref<1x1x128x32xi32, #tpu.memory_space<vmem>>
        %dma_start3A_479 = tpu.memref_squeeze %dma_start3A_478 : memref<1x1x128x32xi32, #tpu.memory_space<vmem>> -> memref<128x32xi32, #tpu.memory_space<vmem>>
        %dma_start3A_480 = arith.constant 0 : i32
        %dma_start3A_481 = tpu.memref_slice %arg5[%select_n3A_473, %select_n3A_457, %dma_start3A_480] : memref<2x40x128xi32, #tpu.memory_space<vmem>> -> memref<1x1x128xi32, #tpu.memory_space<vmem>>
        %dma_start3A_482 = tpu.memref_squeeze %dma_start3A_481 : memref<1x1x128xi32, #tpu.memory_space<vmem>> -> memref<128xi32, #tpu.memory_space<vmem>>
        %dma_start3A_483 = arith.constant 0 : i32
        %dma_start3A_484 = arith.constant 0 : i32
        %dma_start3A_485 = tpu.memref_slice %arg3[%dma_start3A_483, %dma_start3A_484] : memref<1007616x32xi32, #tpu.memory_space<hbm>> -> memref<1007616x32xi32, #tpu.memory_space<hbm>>
        tpu.enqueue_indirect_dma source(%dma_start3A_485 : memref<1007616x32xi32, #tpu.memory_space<hbm>>) target(%dma_start3A_479 : memref<128x32xi32, #tpu.memory_space<vmem>>) offsets(%dma_start3A_482 : memref<128xi32, #tpu.memory_space<vmem>>) semaphore(%arg10 : memref<!tpu.dma_semaphore, #tpu.memory_space<semaphore_mem>>)
        %mul3A_486 = arith.constant 5 : i32
        %mul3A_487 = arith.muli %add3A_413, %mul3A_486 : i32
        %add3A_488 = arith.constant 1 : i32
        %add3A_489 = arith.addi %mul3A_487, %add3A_488 : i32
        %jit3A_490 = arith.constant 40 : i32
        %div3A_491 = arith.divsi %add3A_489, %jit3A_490 : i32
        %sign3A_492 = arith.constant 0 : i32
        %sign3A_493 = arith.cmpi sgt, %add3A_489, %sign3A_492 : i32
        %sign3A_494 = arith.extui %sign3A_493 : i1 to i32
        %sign3A_495 = arith.constant 0 : i32
        %sign3A_496 = arith.cmpi slt, %add3A_489, %sign3A_495 : i32
        %sign3A_497 = arith.extui %sign3A_496 : i1 to i32
        %sign3A_498 = arith.subi %sign3A_494, %sign3A_497 : i32
        %sign3A_499 = arith.constant 0 : i32
        %sign3A_500 = arith.cmpi sgt, %jit3A_490, %sign3A_499 : i32
        %sign3A_501 = arith.extui %sign3A_500 : i1 to i32
        %sign3A_502 = arith.constant 0 : i32
        %sign3A_503 = arith.cmpi slt, %jit3A_490, %sign3A_502 : i32
        %sign3A_504 = arith.extui %sign3A_503 : i1 to i32
        %sign3A_505 = arith.subi %sign3A_501, %sign3A_504 : i32
        %ne3A_506 = arith.cmpi ne, %sign3A_498, %sign3A_505 : i32
        %rem3A_507 = arith.remsi %add3A_489, %jit3A_490 : i32
        %ne3A_508 = arith.constant 0 : i32
        %ne3A_509 = arith.cmpi ne, %rem3A_507, %ne3A_508 : i32
        %and3A_510 = arith.andi %ne3A_506, %ne3A_509 : i1
        %sub3A_511 = arith.constant 1 : i32
        %sub3A_512 = arith.subi %div3A_491, %sub3A_511 : i32
        %select_n3A_513 = arith.select %and3A_510, %sub3A_512, %div3A_491 : i32
        %jit3A_514 = arith.constant 40 : i32
        %eq3A_515 = arith.constant 0 : i32
        %eq3A_516 = arith.cmpi eq, %jit3A_514, %eq3A_515 : i32
        %jit3A_517 = arith.constant 1 : i32
        %select_n3A_518 = arith.select %eq3A_516, %jit3A_517, %jit3A_514 : i32
        %rem3A_519 = arith.remsi %add3A_489, %select_n3A_518 : i32
        %ne3A_520 = arith.constant 0 : i32
        %ne3A_521 = arith.cmpi ne, %rem3A_519, %ne3A_520 : i32
        %lt3A_522 = arith.constant 0 : i32
        %lt3A_523 = arith.cmpi slt, %rem3A_519, %lt3A_522 : i32
        %lt3A_524 = arith.constant 0 : i32
        %lt3A_525 = arith.cmpi slt, %select_n3A_518, %lt3A_524 : i32
        %ne3A_526 = arith.xori %lt3A_523, %lt3A_525 : i1
        %and3A_527 = arith.andi %ne3A_526, %ne3A_521 : i1
        %add3A_528 = arith.addi %rem3A_519, %select_n3A_518 : i32
        %select_n3A_529 = arith.select %and3A_527, %add3A_528, %rem3A_519 : i32
        %jit3A_530 = arith.constant 2 : i32
        %eq3A_531 = arith.constant 0 : i32
        %eq3A_532 = arith.cmpi eq, %jit3A_530, %eq3A_531 : i32
        %jit3A_533 = arith.constant 1 : i32
        %select_n3A_534 = arith.select %eq3A_532, %jit3A_533, %jit3A_530 : i32
        %rem3A_535 = arith.remsi %select_n3A_513, %select_n3A_534 : i32
        %ne3A_536 = arith.constant 0 : i32
        %ne3A_537 = arith.cmpi ne, %rem3A_535, %ne3A_536 : i32
        %lt3A_538 = arith.constant 0 : i32
        %lt3A_539 = arith.cmpi slt, %rem3A_535, %lt3A_538 : i32
        %lt3A_540 = arith.constant 0 : i32
        %lt3A_541 = arith.cmpi slt, %select_n3A_534, %lt3A_540 : i32
        %ne3A_542 = arith.xori %lt3A_539, %lt3A_541 : i1
        %and3A_543 = arith.andi %ne3A_542, %ne3A_537 : i1
        %add3A_544 = arith.addi %rem3A_535, %select_n3A_534 : i32
        %select_n3A_545 = arith.select %and3A_543, %add3A_544, %rem3A_535 : i32
        %dma_start3A_546 = arith.constant 1 : i32
        %dma_start3A_547 = arith.constant 1 : i32
        %dma_start3A_548 = arith.constant 0 : i32
        %dma_start3A_549 = arith.constant 0 : i32
        %dma_start3A_550 = tpu.memref_slice %arg6[%dma_start3A_546, %dma_start3A_547, %dma_start3A_548, %dma_start3A_549] : memref<2x5x128x32xi32, #tpu.memory_space<vmem>> -> memref<1x1x128x32xi32, #tpu.memory_space<vmem>>
        %dma_start3A_551 = tpu.memref_squeeze %dma_start3A_550 : memref<1x1x128x32xi32, #tpu.memory_space<vmem>> -> memref<128x32xi32, #tpu.memory_space<vmem>>
        %dma_start3A_552 = arith.constant 0 : i32
        %dma_start3A_553 = tpu.memref_slice %arg5[%select_n3A_545, %select_n3A_529, %dma_start3A_552] : memref<2x40x128xi32, #tpu.memory_space<vmem>> -> memref<1x1x128xi32, #tpu.memory_space<vmem>>
        %dma_start3A_554 = tpu.memref_squeeze %dma_start3A_553 : memref<1x1x128xi32, #tpu.memory_space<vmem>> -> memref<128xi32, #tpu.memory_space<vmem>>
        %dma_start3A_555 = arith.constant 0 : i32
        %dma_start3A_556 = arith.constant 0 : i32
        %dma_start3A_557 = tpu.memref_slice %arg3[%dma_start3A_555, %dma_start3A_556] : memref<1007616x32xi32, #tpu.memory_space<hbm>> -> memref<1007616x32xi32, #tpu.memory_space<hbm>>
        tpu.enqueue_indirect_dma source(%dma_start3A_557 : memref<1007616x32xi32, #tpu.memory_space<hbm>>) target(%dma_start3A_551 : memref<128x32xi32, #tpu.memory_space<vmem>>) offsets(%dma_start3A_554 : memref<128xi32, #tpu.memory_space<vmem>>) semaphore(%arg10 : memref<!tpu.dma_semaphore, #tpu.memory_space<semaphore_mem>>)
        %mul3A_558 = arith.constant 5 : i32
        %mul3A_559 = arith.muli %add3A_413, %mul3A_558 : i32
        %add3A_560 = arith.constant 2 : i32
        %add3A_561 = arith.addi %mul3A_559, %add3A_560 : i32
        %jit3A_562 = arith.constant 40 : i32
        %div3A_563 = arith.divsi %add3A_561, %jit3A_562 : i32
        %sign3A_564 = arith.constant 0 : i32
        %sign3A_565 = arith.cmpi sgt, %add3A_561, %sign3A_564 : i32
        %sign3A_566 = arith.extui %sign3A_565 : i1 to i32
        %sign3A_567 = arith.constant 0 : i32
        %sign3A_568 = arith.cmpi slt, %add3A_561, %sign3A_567 : i32
        %sign3A_569 = arith.extui %sign3A_568 : i1 to i32
        %sign3A_570 = arith.subi %sign3A_566, %sign3A_569 : i32
        %sign3A_571 = arith.constant 0 : i32
        %sign3A_572 = arith.cmpi sgt, %jit3A_562, %sign3A_571 : i32
        %sign3A_573 = arith.extui %sign3A_572 : i1 to i32
        %sign3A_574 = arith.constant 0 : i32
        %sign3A_575 = arith.cmpi slt, %jit3A_562, %sign3A_574 : i32
        %sign3A_576 = arith.extui %sign3A_575 : i1 to i32
        %sign3A_577 = arith.subi %sign3A_573, %sign3A_576 : i32
        %ne3A_578 = arith.cmpi ne, %sign3A_570, %sign3A_577 : i32
        %rem3A_579 = arith.remsi %add3A_561, %jit3A_562 : i32
        %ne3A_580 = arith.constant 0 : i32
        %ne3A_581 = arith.cmpi ne, %rem3A_579, %ne3A_580 : i32
        %and3A_582 = arith.andi %ne3A_578, %ne3A_581 : i1
        %sub3A_583 = arith.constant 1 : i32
        %sub3A_584 = arith.subi %div3A_563, %sub3A_583 : i32
        %select_n3A_585 = arith.select %and3A_582, %sub3A_584, %div3A_563 : i32
        %jit3A_586 = arith.constant 40 : i32
        %eq3A_587 = arith.constant 0 : i32
        %eq3A_588 = arith.cmpi eq, %jit3A_586, %eq3A_587 : i32
        %jit3A_589 = arith.constant 1 : i32
        %select_n3A_590 = arith.select %eq3A_588, %jit3A_589, %jit3A_586 : i32
        %rem3A_591 = arith.remsi %add3A_561, %select_n3A_590 : i32
        %ne3A_592 = arith.constant 0 : i32
        %ne3A_593 = arith.cmpi ne, %rem3A_591, %ne3A_592 : i32
        %lt3A_594 = arith.constant 0 : i32
        %lt3A_595 = arith.cmpi slt, %rem3A_591, %lt3A_594 : i32
        %lt3A_596 = arith.constant 0 : i32
        %lt3A_597 = arith.cmpi slt, %select_n3A_590, %lt3A_596 : i32
        %ne3A_598 = arith.xori %lt3A_595, %lt3A_597 : i1
        %and3A_599 = arith.andi %ne3A_598, %ne3A_593 : i1
        %add3A_600 = arith.addi %rem3A_591, %select_n3A_590 : i32
        %select_n3A_601 = arith.select %and3A_599, %add3A_600, %rem3A_591 : i32
        %jit3A_602 = arith.constant 2 : i32
        %eq3A_603 = arith.constant 0 : i32
        %eq3A_604 = arith.cmpi eq, %jit3A_602, %eq3A_603 : i32
        %jit3A_605 = arith.constant 1 : i32
        %select_n3A_606 = arith.select %eq3A_604, %jit3A_605, %jit3A_602 : i32
        %rem3A_607 = arith.remsi %select_n3A_585, %select_n3A_606 : i32
        %ne3A_608 = arith.constant 0 : i32
        %ne3A_609 = arith.cmpi ne, %rem3A_607, %ne3A_608 : i32
        %lt3A_610 = arith.constant 0 : i32
        %lt3A_611 = arith.cmpi slt, %rem3A_607, %lt3A_610 : i32
        %lt3A_612 = arith.constant 0 : i32
        %lt3A_613 = arith.cmpi slt, %select_n3A_606, %lt3A_612 : i32
        %ne3A_614 = arith.xori %lt3A_611, %lt3A_613 : i1
        %and3A_615 = arith.andi %ne3A_614, %ne3A_609 : i1
        %add3A_616 = arith.addi %rem3A_607, %select_n3A_606 : i32
        %select_n3A_617 = arith.select %and3A_615, %add3A_616, %rem3A_607 : i32
        %dma_start3A_618 = arith.constant 1 : i32
        %dma_start3A_619 = arith.constant 2 : i32
        %dma_start3A_620 = arith.constant 0 : i32
        %dma_start3A_621 = arith.constant 0 : i32
        %dma_start3A_622 = tpu.memref_slice %arg6[%dma_start3A_618, %dma_start3A_619, %dma_start3A_620, %dma_start3A_621] : memref<2x5x128x32xi32, #tpu.memory_space<vmem>> -> memref<1x1x128x32xi32, #tpu.memory_space<vmem>>
        %dma_start3A_623 = tpu.memref_squeeze %dma_start3A_622 : memref<1x1x128x32xi32, #tpu.memory_space<vmem>> -> memref<128x32xi32, #tpu.memory_space<vmem>>
        %dma_start3A_624 = arith.constant 0 : i32
        %dma_start3A_625 = tpu.memref_slice %arg5[%select_n3A_617, %select_n3A_601, %dma_start3A_624] : memref<2x40x128xi32, #tpu.memory_space<vmem>> -> memref<1x1x128xi32, #tpu.memory_space<vmem>>
        %dma_start3A_626 = tpu.memref_squeeze %dma_start3A_625 : memref<1x1x128xi32, #tpu.memory_space<vmem>> -> memref<128xi32, #tpu.memory_space<vmem>>
        %dma_start3A_627 = arith.constant 0 : i32
        %dma_start3A_628 = arith.constant 0 : i32
        %dma_start3A_629 = tpu.memref_slice %arg3[%dma_start3A_627, %dma_start3A_628] : memref<1007616x32xi32, #tpu.memory_space<hbm>> -> memref<1007616x32xi32, #tpu.memory_space<hbm>>
        tpu.enqueue_indirect_dma source(%dma_start3A_629 : memref<1007616x32xi32, #tpu.memory_space<hbm>>) target(%dma_start3A_623 : memref<128x32xi32, #tpu.memory_space<vmem>>) offsets(%dma_start3A_626 : memref<128xi32, #tpu.memory_space<vmem>>) semaphore(%arg10 : memref<!tpu.dma_semaphore, #tpu.memory_space<semaphore_mem>>)
        %mul3A_630 = arith.constant 5 : i32
        %mul3A_631 = arith.muli %add3A_413, %mul3A_630 : i32
        %add3A_632 = arith.constant 3 : i32
        %add3A_633 = arith.addi %mul3A_631, %add3A_632 : i32
        %jit3A_634 = arith.constant 40 : i32
        %div3A_635 = arith.divsi %add3A_633, %jit3A_634 : i32
        %sign3A_636 = arith.constant 0 : i32
        %sign3A_637 = arith.cmpi sgt, %add3A_633, %sign3A_636 : i32
        %sign3A_638 = arith.extui %sign3A_637 : i1 to i32
        %sign3A_639 = arith.constant 0 : i32
        %sign3A_640 = arith.cmpi slt, %add3A_633, %sign3A_639 : i32
        %sign3A_641 = arith.extui %sign3A_640 : i1 to i32
        %sign3A_642 = arith.subi %sign3A_638, %sign3A_641 : i32
        %sign3A_643 = arith.constant 0 : i32
        %sign3A_644 = arith.cmpi sgt, %jit3A_634, %sign3A_643 : i32
        %sign3A_645 = arith.extui %sign3A_644 : i1 to i32
        %sign3A_646 = arith.constant 0 : i32
        %sign3A_647 = arith.cmpi slt, %jit3A_634, %sign3A_646 : i32
        %sign3A_648 = arith.extui %sign3A_647 : i1 to i32
        %sign3A_649 = arith.subi %sign3A_645, %sign3A_648 : i32
        %ne3A_650 = arith.cmpi ne, %sign3A_642, %sign3A_649 : i32
        %rem3A_651 = arith.remsi %add3A_633, %jit3A_634 : i32
        %ne3A_652 = arith.constant 0 : i32
        %ne3A_653 = arith.cmpi ne, %rem3A_651, %ne3A_652 : i32
        %and3A_654 = arith.andi %ne3A_650, %ne3A_653 : i1
        %sub3A_655 = arith.constant 1 : i32
        %sub3A_656 = arith.subi %div3A_635, %sub3A_655 : i32
        %select_n3A_657 = arith.select %and3A_654, %sub3A_656, %div3A_635 : i32
        %jit3A_658 = arith.constant 40 : i32
        %eq3A_659 = arith.constant 0 : i32
        %eq3A_660 = arith.cmpi eq, %jit3A_658, %eq3A_659 : i32
        %jit3A_661 = arith.constant 1 : i32
        %select_n3A_662 = arith.select %eq3A_660, %jit3A_661, %jit3A_658 : i32
        %rem3A_663 = arith.remsi %add3A_633, %select_n3A_662 : i32
        %ne3A_664 = arith.constant 0 : i32
        %ne3A_665 = arith.cmpi ne, %rem3A_663, %ne3A_664 : i32
        %lt3A_666 = arith.constant 0 : i32
        %lt3A_667 = arith.cmpi slt, %rem3A_663, %lt3A_666 : i32
        %lt3A_668 = arith.constant 0 : i32
        %lt3A_669 = arith.cmpi slt, %select_n3A_662, %lt3A_668 : i32
        %ne3A_670 = arith.xori %lt3A_667, %lt3A_669 : i1
        %and3A_671 = arith.andi %ne3A_670, %ne3A_665 : i1
        %add3A_672 = arith.addi %rem3A_663, %select_n3A_662 : i32
        %select_n3A_673 = arith.select %and3A_671, %add3A_672, %rem3A_663 : i32
        %jit3A_674 = arith.constant 2 : i32
        %eq3A_675 = arith.constant 0 : i32
        %eq3A_676 = arith.cmpi eq, %jit3A_674, %eq3A_675 : i32
        %jit3A_677 = arith.constant 1 : i32
        %select_n3A_678 = arith.select %eq3A_676, %jit3A_677, %jit3A_674 : i32
        %rem3A_679 = arith.remsi %select_n3A_657, %select_n3A_678 : i32
        %ne3A_680 = arith.constant 0 : i32
        %ne3A_681 = arith.cmpi ne, %rem3A_679, %ne3A_680 : i32
        %lt3A_682 = arith.constant 0 : i32
        %lt3A_683 = arith.cmpi slt, %rem3A_679, %lt3A_682 : i32
        %lt3A_684 = arith.constant 0 : i32
        %lt3A_685 = arith.cmpi slt, %select_n3A_678, %lt3A_684 : i32
        %ne3A_686 = arith.xori %lt3A_683, %lt3A_685 : i1
        %and3A_687 = arith.andi %ne3A_686, %ne3A_681 : i1
        %add3A_688 = arith.addi %rem3A_679, %select_n3A_678 : i32
        %select_n3A_689 = arith.select %and3A_687, %add3A_688, %rem3A_679 : i32
        %dma_start3A_690 = arith.constant 1 : i32
        %dma_start3A_691 = arith.constant 3 : i32
        %dma_start3A_692 = arith.constant 0 : i32
        %dma_start3A_693 = arith.constant 0 : i32
        %dma_start3A_694 = tpu.memref_slice %arg6[%dma_start3A_690, %dma_start3A_691, %dma_start3A_692, %dma_start3A_693] : memref<2x5x128x32xi32, #tpu.memory_space<vmem>> -> memref<1x1x128x32xi32, #tpu.memory_space<vmem>>
        %dma_start3A_695 = tpu.memref_squeeze %dma_start3A_694 : memref<1x1x128x32xi32, #tpu.memory_space<vmem>> -> memref<128x32xi32, #tpu.memory_space<vmem>>
        %dma_start3A_696 = arith.constant 0 : i32
        %dma_start3A_697 = tpu.memref_slice %arg5[%select_n3A_689, %select_n3A_673, %dma_start3A_696] : memref<2x40x128xi32, #tpu.memory_space<vmem>> -> memref<1x1x128xi32, #tpu.memory_space<vmem>>
        %dma_start3A_698 = tpu.memref_squeeze %dma_start3A_697 : memref<1x1x128xi32, #tpu.memory_space<vmem>> -> memref<128xi32, #tpu.memory_space<vmem>>
        %dma_start3A_699 = arith.constant 0 : i32
        %dma_start3A_700 = arith.constant 0 : i32
        %dma_start3A_701 = tpu.memref_slice %arg3[%dma_start3A_699, %dma_start3A_700] : memref<1007616x32xi32, #tpu.memory_space<hbm>> -> memref<1007616x32xi32, #tpu.memory_space<hbm>>
        tpu.enqueue_indirect_dma source(%dma_start3A_701 : memref<1007616x32xi32, #tpu.memory_space<hbm>>) target(%dma_start3A_695 : memref<128x32xi32, #tpu.memory_space<vmem>>) offsets(%dma_start3A_698 : memref<128xi32, #tpu.memory_space<vmem>>) semaphore(%arg10 : memref<!tpu.dma_semaphore, #tpu.memory_space<semaphore_mem>>)
        %mul3A_702 = arith.constant 5 : i32
        %mul3A_703 = arith.muli %add3A_413, %mul3A_702 : i32
        %add3A_704 = arith.constant 4 : i32
        %add3A_705 = arith.addi %mul3A_703, %add3A_704 : i32
        %jit3A_706 = arith.constant 40 : i32
        %div3A_707 = arith.divsi %add3A_705, %jit3A_706 : i32
        %sign3A_708 = arith.constant 0 : i32
        %sign3A_709 = arith.cmpi sgt, %add3A_705, %sign3A_708 : i32
        %sign3A_710 = arith.extui %sign3A_709 : i1 to i32
        %sign3A_711 = arith.constant 0 : i32
        %sign3A_712 = arith.cmpi slt, %add3A_705, %sign3A_711 : i32
        %sign3A_713 = arith.extui %sign3A_712 : i1 to i32
        %sign3A_714 = arith.subi %sign3A_710, %sign3A_713 : i32
        %sign3A_715 = arith.constant 0 : i32
        %sign3A_716 = arith.cmpi sgt, %jit3A_706, %sign3A_715 : i32
        %sign3A_717 = arith.extui %sign3A_716 : i1 to i32
        %sign3A_718 = arith.constant 0 : i32
        %sign3A_719 = arith.cmpi slt, %jit3A_706, %sign3A_718 : i32
        %sign3A_720 = arith.extui %sign3A_719 : i1 to i32
        %sign3A_721 = arith.subi %sign3A_717, %sign3A_720 : i32
        %ne3A_722 = arith.cmpi ne, %sign3A_714, %sign3A_721 : i32
        %rem3A_723 = arith.remsi %add3A_705, %jit3A_706 : i32
        %ne3A_724 = arith.constant 0 : i32
        %ne3A_725 = arith.cmpi ne, %rem3A_723, %ne3A_724 : i32
        %and3A_726 = arith.andi %ne3A_722, %ne3A_725 : i1
        %sub3A_727 = arith.constant 1 : i32
        %sub3A_728 = arith.subi %div3A_707, %sub3A_727 : i32
        %select_n3A_729 = arith.select %and3A_726, %sub3A_728, %div3A_707 : i32
        %jit3A_730 = arith.constant 40 : i32
        %eq3A_731 = arith.constant 0 : i32
        %eq3A_732 = arith.cmpi eq, %jit3A_730, %eq3A_731 : i32
        %jit3A_733 = arith.constant 1 : i32
        %select_n3A_734 = arith.select %eq3A_732, %jit3A_733, %jit3A_730 : i32
        %rem3A_735 = arith.remsi %add3A_705, %select_n3A_734 : i32
        %ne3A_736 = arith.constant 0 : i32
        %ne3A_737 = arith.cmpi ne, %rem3A_735, %ne3A_736 : i32
        %lt3A_738 = arith.constant 0 : i32
        %lt3A_739 = arith.cmpi slt, %rem3A_735, %lt3A_738 : i32
        %lt3A_740 = arith.constant 0 : i32
        %lt3A_741 = arith.cmpi slt, %select_n3A_734, %lt3A_740 : i32
        %ne3A_742 = arith.xori %lt3A_739, %lt3A_741 : i1
        %and3A_743 = arith.andi %ne3A_742, %ne3A_737 : i1
        %add3A_744 = arith.addi %rem3A_735, %select_n3A_734 : i32
        %select_n3A_745 = arith.select %and3A_743, %add3A_744, %rem3A_735 : i32
        %jit3A_746 = arith.constant 2 : i32
        %eq3A_747 = arith.constant 0 : i32
        %eq3A_748 = arith.cmpi eq, %jit3A_746, %eq3A_747 : i32
        %jit3A_749 = arith.constant 1 : i32
        %select_n3A_750 = arith.select %eq3A_748, %jit3A_749, %jit3A_746 : i32
        %rem3A_751 = arith.remsi %select_n3A_729, %select_n3A_750 : i32
        %ne3A_752 = arith.constant 0 : i32
        %ne3A_753 = arith.cmpi ne, %rem3A_751, %ne3A_752 : i32
        %lt3A_754 = arith.constant 0 : i32
        %lt3A_755 = arith.cmpi slt, %rem3A_751, %lt3A_754 : i32
        %lt3A_756 = arith.constant 0 : i32
        %lt3A_757 = arith.cmpi slt, %select_n3A_750, %lt3A_756 : i32
        %ne3A_758 = arith.xori %lt3A_755, %lt3A_757 : i1
        %and3A_759 = arith.andi %ne3A_758, %ne3A_753 : i1
        %add3A_760 = arith.addi %rem3A_751, %select_n3A_750 : i32
        %select_n3A_761 = arith.select %and3A_759, %add3A_760, %rem3A_751 : i32
        %dma_start3A_762 = arith.constant 1 : i32
        %dma_start3A_763 = arith.constant 4 : i32
        %dma_start3A_764 = arith.constant 0 : i32
        %dma_start3A_765 = arith.constant 0 : i32
        %dma_start3A_766 = tpu.memref_slice %arg6[%dma_start3A_762, %dma_start3A_763, %dma_start3A_764, %dma_start3A_765] : memref<2x5x128x32xi32, #tpu.memory_space<vmem>> -> memref<1x1x128x32xi32, #tpu.memory_space<vmem>>
        %dma_start3A_767 = tpu.memref_squeeze %dma_start3A_766 : memref<1x1x128x32xi32, #tpu.memory_space<vmem>> -> memref<128x32xi32, #tpu.memory_space<vmem>>
        %dma_start3A_768 = arith.constant 0 : i32
        %dma_start3A_769 = tpu.memref_slice %arg5[%select_n3A_761, %select_n3A_745, %dma_start3A_768] : memref<2x40x128xi32, #tpu.memory_space<vmem>> -> memref<1x1x128xi32, #tpu.memory_space<vmem>>
        %dma_start3A_770 = tpu.memref_squeeze %dma_start3A_769 : memref<1x1x128xi32, #tpu.memory_space<vmem>> -> memref<128xi32, #tpu.memory_space<vmem>>
        %dma_start3A_771 = arith.constant 0 : i32
        %dma_start3A_772 = arith.constant 0 : i32
        %dma_start3A_773 = tpu.memref_slice %arg3[%dma_start3A_771, %dma_start3A_772] : memref<1007616x32xi32, #tpu.memory_space<hbm>> -> memref<1007616x32xi32, #tpu.memory_space<hbm>>
        tpu.enqueue_indirect_dma source(%dma_start3A_773 : memref<1007616x32xi32, #tpu.memory_space<hbm>>) target(%dma_start3A_767 : memref<128x32xi32, #tpu.memory_space<vmem>>) offsets(%dma_start3A_770 : memref<128xi32, #tpu.memory_space<vmem>>) semaphore(%arg10 : memref<!tpu.dma_semaphore, #tpu.memory_space<semaphore_mem>>)
        %dma_wait3A = arith.constant 0 : i32
        %dma_wait3A_774 = arith.constant 0 : i32
        %dma_wait3A_775 = arith.constant 0 : i32
        %dma_wait3A_776 = arith.constant 0 : i32
        %dma_wait3A_777 = tpu.memref_slice %arg6[%dma_wait3A, %dma_wait3A_774, %dma_wait3A_775, %dma_wait3A_776] : memref<2x5x128x32xi32, #tpu.memory_space<vmem>> -> memref<1x1x128x32xi32, #tpu.memory_space<vmem>>
        %dma_wait3A_778 = tpu.memref_squeeze %dma_wait3A_777 : memref<1x1x128x32xi32, #tpu.memory_space<vmem>> -> memref<128x32xi32, #tpu.memory_space<vmem>>
        %dma_wait3A_779 = arith.constant 0 : i32
        %dma_wait3A_780 = arith.constant 0 : i32
        %dma_wait3A_781 = tpu.memref_slice %arg3[%dma_wait3A_779, %dma_wait3A_780] : memref<1007616x32xi32, #tpu.memory_space<hbm>> -> memref<128x32xi32, #tpu.memory_space<hbm>>
        %dma_wait3A_782 = arith.constant 0 : i32
        %dma_wait3A_783 = arith.constant 0 : i32
        %dma_wait3A_784 = tpu.memref_slice %arg6[%dma_wait3A, %dma_wait3A_774, %dma_wait3A_782, %dma_wait3A_783] : memref<2x5x128x32xi32, #tpu.memory_space<vmem>> -> memref<1x1x128x32xi32, #tpu.memory_space<vmem>>
        %dma_wait3A_785 = tpu.memref_squeeze %dma_wait3A_784 : memref<1x1x128x32xi32, #tpu.memory_space<vmem>> -> memref<128x32xi32, #tpu.memory_space<vmem>>
        %dma_wait3A_786 = arith.constant 0 : i32
        %dma_wait3A_787 = arith.constant 0 : i32
        %dma_wait3A_788 = tpu.memref_slice %arg3[%dma_wait3A_786, %dma_wait3A_787] : memref<1007616x32xi32, #tpu.memory_space<hbm>> -> memref<128x32xi32, #tpu.memory_space<hbm>>
        tpu.wait_dma2 semaphore(%arg9 : memref<!tpu.dma_semaphore, #tpu.memory_space<semaphore_mem>>) src(%dma_wait3A_788 : memref<128x32xi32, #tpu.memory_space<hbm>>) dst(%dma_wait3A_785 : memref<128x32xi32, #tpu.memory_space<vmem>>)
        %dma_wait3A_789 = arith.constant 0 : i32
        %dma_wait3A_790 = arith.constant 1 : i32
        %dma_wait3A_791 = arith.constant 0 : i32
        %dma_wait3A_792 = arith.constant 0 : i32
        %dma_wait3A_793 = tpu.memref_slice %arg6[%dma_wait3A_789, %dma_wait3A_790, %dma_wait3A_791, %dma_wait3A_792] : memref<2x5x128x32xi32, #tpu.memory_space<vmem>> -> memref<1x1x128x32xi32, #tpu.memory_space<vmem>>
        %dma_wait3A_794 = tpu.memref_squeeze %dma_wait3A_793 : memref<1x1x128x32xi32, #tpu.memory_space<vmem>> -> memref<128x32xi32, #tpu.memory_space<vmem>>
        %dma_wait3A_795 = arith.constant 0 : i32
        %dma_wait3A_796 = arith.constant 0 : i32
        %dma_wait3A_797 = tpu.memref_slice %arg3[%dma_wait3A_795, %dma_wait3A_796] : memref<1007616x32xi32, #tpu.memory_space<hbm>> -> memref<128x32xi32, #tpu.memory_space<hbm>>
        %dma_wait3A_798 = arith.constant 0 : i32
        %dma_wait3A_799 = arith.constant 0 : i32
        %dma_wait3A_800 = tpu.memref_slice %arg6[%dma_wait3A_789, %dma_wait3A_790, %dma_wait3A_798, %dma_wait3A_799] : memref<2x5x128x32xi32, #tpu.memory_space<vmem>> -> memref<1x1x128x32xi32, #tpu.memory_space<vmem>>
        %dma_wait3A_801 = tpu.memref_squeeze %dma_wait3A_800 : memref<1x1x128x32xi32, #tpu.memory_space<vmem>> -> memref<128x32xi32, #tpu.memory_space<vmem>>
        %dma_wait3A_802 = arith.constant 0 : i32
        %dma_wait3A_803 = arith.constant 0 : i32
        %dma_wait3A_804 = tpu.memref_slice %arg3[%dma_wait3A_802, %dma_wait3A_803] : memref<1007616x32xi32, #tpu.memory_space<hbm>> -> memref<128x32xi32, #tpu.memory_space<hbm>>
        tpu.wait_dma2 semaphore(%arg9 : memref<!tpu.dma_semaphore, #tpu.memory_space<semaphore_mem>>) src(%dma_wait3A_804 : memref<128x32xi32, #tpu.memory_space<hbm>>) dst(%dma_wait3A_801 : memref<128x32xi32, #tpu.memory_space<vmem>>)
        %dma_wait3A_805 = arith.constant 0 : i32
        %dma_wait3A_806 = arith.constant 2 : i32
        %dma_wait3A_807 = arith.constant 0 : i32
        %dma_wait3A_808 = arith.constant 0 : i32
        %dma_wait3A_809 = tpu.memref_slice %arg6[%dma_wait3A_805, %dma_wait3A_806, %dma_wait3A_807, %dma_wait3A_808] : memref<2x5x128x32xi32, #tpu.memory_space<vmem>> -> memref<1x1x128x32xi32, #tpu.memory_space<vmem>>
        %dma_wait3A_810 = tpu.memref_squeeze %dma_wait3A_809 : memref<1x1x128x32xi32, #tpu.memory_space<vmem>> -> memref<128x32xi32, #tpu.memory_space<vmem>>
        %dma_wait3A_811 = arith.constant 0 : i32
        %dma_wait3A_812 = arith.constant 0 : i32
        %dma_wait3A_813 = tpu.memref_slice %arg3[%dma_wait3A_811, %dma_wait3A_812] : memref<1007616x32xi32, #tpu.memory_space<hbm>> -> memref<128x32xi32, #tpu.memory_space<hbm>>
        %dma_wait3A_814 = arith.constant 0 : i32
        %dma_wait3A_815 = arith.constant 0 : i32
        %dma_wait3A_816 = tpu.memref_slice %arg6[%dma_wait3A_805, %dma_wait3A_806, %dma_wait3A_814, %dma_wait3A_815] : memref<2x5x128x32xi32, #tpu.memory_space<vmem>> -> memref<1x1x128x32xi32, #tpu.memory_space<vmem>>
        %dma_wait3A_817 = tpu.memref_squeeze %dma_wait3A_816 : memref<1x1x128x32xi32, #tpu.memory_space<vmem>> -> memref<128x32xi32, #tpu.memory_space<vmem>>
        %dma_wait3A_818 = arith.constant 0 : i32
        %dma_wait3A_819 = arith.constant 0 : i32
        %dma_wait3A_820 = tpu.memref_slice %arg3[%dma_wait3A_818, %dma_wait3A_819] : memref<1007616x32xi32, #tpu.memory_space<hbm>> -> memref<128x32xi32, #tpu.memory_space<hbm>>
        tpu.wait_dma2 semaphore(%arg9 : memref<!tpu.dma_semaphore, #tpu.memory_space<semaphore_mem>>) src(%dma_wait3A_820 : memref<128x32xi32, #tpu.memory_space<hbm>>) dst(%dma_wait3A_817 : memref<128x32xi32, #tpu.memory_space<vmem>>)
        %dma_wait3A_821 = arith.constant 0 : i32
        %dma_wait3A_822 = arith.constant 3 : i32
        %dma_wait3A_823 = arith.constant 0 : i32
        %dma_wait3A_824 = arith.constant 0 : i32
        %dma_wait3A_825 = tpu.memref_slice %arg6[%dma_wait3A_821, %dma_wait3A_822, %dma_wait3A_823, %dma_wait3A_824] : memref<2x5x128x32xi32, #tpu.memory_space<vmem>> -> memref<1x1x128x32xi32, #tpu.memory_space<vmem>>
        %dma_wait3A_826 = tpu.memref_squeeze %dma_wait3A_825 : memref<1x1x128x32xi32, #tpu.memory_space<vmem>> -> memref<128x32xi32, #tpu.memory_space<vmem>>
        %dma_wait3A_827 = arith.constant 0 : i32
        %dma_wait3A_828 = arith.constant 0 : i32
        %dma_wait3A_829 = tpu.memref_slice %arg3[%dma_wait3A_827, %dma_wait3A_828] : memref<1007616x32xi32, #tpu.memory_space<hbm>> -> memref<128x32xi32, #tpu.memory_space<hbm>>
        %dma_wait3A_830 = arith.constant 0 : i32
        %dma_wait3A_831 = arith.constant 0 : i32
        %dma_wait3A_832 = tpu.memref_slice %arg6[%dma_wait3A_821, %dma_wait3A_822, %dma_wait3A_830, %dma_wait3A_831] : memref<2x5x128x32xi32, #tpu.memory_space<vmem>> -> memref<1x1x128x32xi32, #tpu.memory_space<vmem>>
        %dma_wait3A_833 = tpu.memref_squeeze %dma_wait3A_832 : memref<1x1x128x32xi32, #tpu.memory_space<vmem>> -> memref<128x32xi32, #tpu.memory_space<vmem>>
        %dma_wait3A_834 = arith.constant 0 : i32
        %dma_wait3A_835 = arith.constant 0 : i32
        %dma_wait3A_836 = tpu.memref_slice %arg3[%dma_wait3A_834, %dma_wait3A_835] : memref<1007616x32xi32, #tpu.memory_space<hbm>> -> memref<128x32xi32, #tpu.memory_space<hbm>>
        tpu.wait_dma2 semaphore(%arg9 : memref<!tpu.dma_semaphore, #tpu.memory_space<semaphore_mem>>) src(%dma_wait3A_836 : memref<128x32xi32, #tpu.memory_space<hbm>>) dst(%dma_wait3A_833 : memref<128x32xi32, #tpu.memory_space<vmem>>)
        %dma_wait3A_837 = arith.constant 0 : i32
        %dma_wait3A_838 = arith.constant 4 : i32
        %dma_wait3A_839 = arith.constant 0 : i32
        %dma_wait3A_840 = arith.constant 0 : i32
        %dma_wait3A_841 = tpu.memref_slice %arg6[%dma_wait3A_837, %dma_wait3A_838, %dma_wait3A_839, %dma_wait3A_840] : memref<2x5x128x32xi32, #tpu.memory_space<vmem>> -> memref<1x1x128x32xi32, #tpu.memory_space<vmem>>
        %dma_wait3A_842 = tpu.memref_squeeze %dma_wait3A_841 : memref<1x1x128x32xi32, #tpu.memory_space<vmem>> -> memref<128x32xi32, #tpu.memory_space<vmem>>
        %dma_wait3A_843 = arith.constant 0 : i32
        %dma_wait3A_844 = arith.constant 0 : i32
        %dma_wait3A_845 = tpu.memref_slice %arg3[%dma_wait3A_843, %dma_wait3A_844] : memref<1007616x32xi32, #tpu.memory_space<hbm>> -> memref<128x32xi32, #tpu.memory_space<hbm>>
        %dma_wait3A_846 = arith.constant 0 : i32
        %dma_wait3A_847 = arith.constant 0 : i32
        %dma_wait3A_848 = tpu.memref_slice %arg6[%dma_wait3A_837, %dma_wait3A_838, %dma_wait3A_846, %dma_wait3A_847] : memref<2x5x128x32xi32, #tpu.memory_space<vmem>> -> memref<1x1x128x32xi32, #tpu.memory_space<vmem>>
        %dma_wait3A_849 = tpu.memref_squeeze %dma_wait3A_848 : memref<1x1x128x32xi32, #tpu.memory_space<vmem>> -> memref<128x32xi32, #tpu.memory_space<vmem>>
        %dma_wait3A_850 = arith.constant 0 : i32
        %dma_wait3A_851 = arith.constant 0 : i32
        %dma_wait3A_852 = tpu.memref_slice %arg3[%dma_wait3A_850, %dma_wait3A_851] : memref<1007616x32xi32, #tpu.memory_space<hbm>> -> memref<128x32xi32, #tpu.memory_space<hbm>>
        tpu.wait_dma2 semaphore(%arg9 : memref<!tpu.dma_semaphore, #tpu.memory_space<semaphore_mem>>) src(%dma_wait3A_852 : memref<128x32xi32, #tpu.memory_space<hbm>>) dst(%dma_wait3A_849 : memref<128x32xi32, #tpu.memory_space<vmem>>)
        %scan3A_853 = arith.constant 0 : i32
        %scan3A_854 = arith.constant 0 : i32
        %scan3A_855 = arith.constant 64 : i32
        %scan3A_856 = arith.addi %scan3A_854, %scan3A_855 : i32
        %scan3A_857 = arith.constant 1 : i32
        %scan3A_858 = scf.for %scan3A_983 = %scan3A_854 to %scan3A_856 step %scan3A_857 iter_args(%scan3A_984 = %scan3A_853) -> (i32)  : i32 {
          %mul3A_985 = arith.constant 2 : i32
          %mul3A_986 = arith.muli %scan3A_983, %mul3A_985 : i32
          %add3A_987 = arith.constant 0 : i32
          %add3A_988 = arith.addi %mul3A_986, %add3A_987 : i32
          %get3A = arith.index_cast %add3A_988 : i32 to index
          %get3A_989 = arith.constant 0 : index
          %get3A_990 = tpu.vector_load %arg7[%get3A, %get3A_989] {strides = array<i32>} : memref<128x64xf32, #tpu.memory_space<vmem>>, vector<16xf32>,
          %get3A_991 = arith.index_cast %add3A_988 : i32 to index
          %get3A_992 = arith.constant 16 : index
          %get3A_993 = tpu.vector_load %arg7[%get3A_991, %get3A_992] {strides = array<i32>} : memref<128x64xf32, #tpu.memory_space<vmem>>, vector<16xf32>,
          %get3A_994 = arith.constant 0 : i32
          %get3A_995 = arith.constant 0 : i32
          %get3A_996 = arith.index_cast %get3A_994 : i32 to index
          %get3A_997 = arith.index_cast %get3A_995 : i32 to index
          %get3A_998 = arith.index_cast %add3A_988 : i32 to index
          %get3A_999 = arith.constant 0 : index
          %get3A_1000 = tpu.vector_load %arg6[%get3A_996, %get3A_997, %get3A_998, %get3A_999] {strides = array<i32>} : memref<2x5x128x32xi32, #tpu.memory_space<vmem>>, vector<16xi32>,
          %shift_left3A = arith.constant 16 : i32
          %shift_left3A_1001 = vector.broadcast %shift_left3A : i32 to vector<16xi32>
          %shift_left3A_1002 = arith.shli %get3A_1000, %shift_left3A_1001 : vector<16xi32>
          %bitcast3A = vector.bitcast %shift_left3A_1002 : vector<16xi32> to vector<16xf32>
          %and3A_1003 = arith.andi %get3A_1000, %broadcast_in_dim3A_5 : vector<16xi32>
          %bitcast3A_1004 = vector.bitcast %and3A_1003 : vector<16xi32> to vector<16xf32>
          %add3A_1005 = arith.addf %get3A_990, %bitcast3A : vector<16xf32>
          %add3A_1006 = arith.addf %get3A_993, %bitcast3A_1004 : vector<16xf32>
          %get3A_1007 = arith.constant 0 : i32
          %get3A_1008 = arith.constant 1 : i32
          %get3A_1009 = arith.index_cast %get3A_1007 : i32 to index
          %get3A_1010 = arith.index_cast %get3A_1008 : i32 to index
          %get3A_1011 = arith.index_cast %add3A_988 : i32 to index
          %get3A_1012 = arith.constant 0 : index
          %get3A_1013 = tpu.vector_load %arg6[%get3A_1009, %get3A_1010, %get3A_1011, %get3A_1012] {strides = array<i32>} : memref<2x5x128x32xi32, #tpu.memory_space<vmem>>, vector<16xi32>,
          %shift_left3A_1014 = arith.constant 16 : i32
          %shift_left3A_1015 = vector.broadcast %shift_left3A_1014 : i32 to vector<16xi32>
          %shift_left3A_1016 = arith.shli %get3A_1013, %shift_left3A_1015 : vector<16xi32>
          %bitcast3A_1017 = vector.bitcast %shift_left3A_1016 : vector<16xi32> to vector<16xf32>
          %and3A_1018 = arith.andi %get3A_1013, %broadcast_in_dim3A_5 : vector<16xi32>
          %bitcast3A_1019 = vector.bitcast %and3A_1018 : vector<16xi32> to vector<16xf32>
          %add3A_1020 = arith.addf %add3A_1005, %bitcast3A_1017 : vector<16xf32>
          %add3A_1021 = arith.addf %add3A_1006, %bitcast3A_1019 : vector<16xf32>
          %get3A_1022 = arith.constant 0 : i32
          %get3A_1023 = arith.constant 2 : i32
          %get3A_1024 = arith.index_cast %get3A_1022 : i32 to index
          %get3A_1025 = arith.index_cast %get3A_1023 : i32 to index
          %get3A_1026 = arith.index_cast %add3A_988 : i32 to index
          %get3A_1027 = arith.constant 0 : index
          %get3A_1028 = tpu.vector_load %arg6[%get3A_1024, %get3A_1025, %get3A_1026, %get3A_1027] {strides = array<i32>} : memref<2x5x128x32xi32, #tpu.memory_space<vmem>>, vector<16xi32>,
          %shift_left3A_1029 = arith.constant 16 : i32
          %shift_left3A_1030 = vector.broadcast %shift_left3A_1029 : i32 to vector<16xi32>
          %shift_left3A_1031 = arith.shli %get3A_1028, %shift_left3A_1030 : vector<16xi32>
          %bitcast3A_1032 = vector.bitcast %shift_left3A_1031 : vector<16xi32> to vector<16xf32>
          %and3A_1033 = arith.andi %get3A_1028, %broadcast_in_dim3A_5 : vector<16xi32>
          %bitcast3A_1034 = vector.bitcast %and3A_1033 : vector<16xi32> to vector<16xf32>
          %add3A_1035 = arith.addf %add3A_1020, %bitcast3A_1032 : vector<16xf32>
          %add3A_1036 = arith.addf %add3A_1021, %bitcast3A_1034 : vector<16xf32>
          %get3A_1037 = arith.constant 0 : i32
          %get3A_1038 = arith.constant 3 : i32
          %get3A_1039 = arith.index_cast %get3A_1037 : i32 to index
          %get3A_1040 = arith.index_cast %get3A_1038 : i32 to index
          %get3A_1041 = arith.index_cast %add3A_988 : i32 to index
          %get3A_1042 = arith.constant 0 : index
          %get3A_1043 = tpu.vector_load %arg6[%get3A_1039, %get3A_1040, %get3A_1041, %get3A_1042] {strides = array<i32>} : memref<2x5x128x32xi32, #tpu.memory_space<vmem>>, vector<16xi32>,
          %shift_left3A_1044 = arith.constant 16 : i32
          %shift_left3A_1045 = vector.broadcast %shift_left3A_1044 : i32 to vector<16xi32>
          %shift_left3A_1046 = arith.shli %get3A_1043, %shift_left3A_1045 : vector<16xi32>
          %bitcast3A_1047 = vector.bitcast %shift_left3A_1046 : vector<16xi32> to vector<16xf32>
          %and3A_1048 = arith.andi %get3A_1043, %broadcast_in_dim3A_5 : vector<16xi32>
          %bitcast3A_1049 = vector.bitcast %and3A_1048 : vector<16xi32> to vector<16xf32>
          %add3A_1050 = arith.addf %add3A_1035, %bitcast3A_1047 : vector<16xf32>
          %add3A_1051 = arith.addf %add3A_1036, %bitcast3A_1049 : vector<16xf32>
          %get3A_1052 = arith.constant 0 : i32
          %get3A_1053 = arith.constant 4 : i32
          %get3A_1054 = arith.index_cast %get3A_1052 : i32 to index
          %get3A_1055 = arith.index_cast %get3A_1053 : i32 to index
          %get3A_1056 = arith.index_cast %add3A_988 : i32 to index
          %get3A_1057 = arith.constant 0 : index
          %get3A_1058 = tpu.vector_load %arg6[%get3A_1054, %get3A_1055, %get3A_1056, %get3A_1057] {strides = array<i32>} : memref<2x5x128x32xi32, #tpu.memory_space<vmem>>, vector<16xi32>,
          %shift_left3A_1059 = arith.constant 16 : i32
          %shift_left3A_1060 = vector.broadcast %shift_left3A_1059 : i32 to vector<16xi32>
          %shift_left3A_1061 = arith.shli %get3A_1058, %shift_left3A_1060 : vector<16xi32>
          %bitcast3A_1062 = vector.bitcast %shift_left3A_1061 : vector<16xi32> to vector<16xf32>
          %and3A_1063 = arith.andi %get3A_1058, %broadcast_in_dim3A_5 : vector<16xi32>
          %bitcast3A_1064 = vector.bitcast %and3A_1063 : vector<16xi32> to vector<16xf32>
          %add3A_1065 = arith.addf %add3A_1050, %bitcast3A_1062 : vector<16xf32>
          %add3A_1066 = arith.addf %add3A_1051, %bitcast3A_1064 : vector<16xf32>
          %swap3A = arith.index_cast %add3A_988 : i32 to index
          %swap3A_1067 = arith.constant 0 : index
          %swap3A_1068 = tpu.vector_load %arg7[%swap3A, %swap3A_1067] {strides = array<i32>} : memref<128x64xf32, #tpu.memory_space<vmem>>, vector<16xf32>,
          tpu.vector_store %arg7[%swap3A, %swap3A_1067], %add3A_1065 {strides = array<i32>} : memref<128x64xf32, #tpu.memory_space<vmem>>, vector<16xf32>,
          %swap3A_1069 = arith.index_cast %add3A_988 : i32 to index
          %swap3A_1070 = arith.constant 16 : index
          %swap3A_1071 = tpu.vector_load %arg7[%swap3A_1069, %swap3A_1070] {strides = array<i32>} : memref<128x64xf32, #tpu.memory_space<vmem>>, vector<16xf32>,
          tpu.vector_store %arg7[%swap3A_1069, %swap3A_1070], %add3A_1066 {strides = array<i32>} : memref<128x64xf32, #tpu.memory_space<vmem>>, vector<16xf32>,
          %get3A_1072 = arith.index_cast %add3A_988 : i32 to index
          %get3A_1073 = arith.constant 32 : index
          %get3A_1074 = tpu.vector_load %arg7[%get3A_1072, %get3A_1073] {strides = array<i32>} : memref<128x64xf32, #tpu.memory_space<vmem>>, vector<16xf32>,
          %get3A_1075 = arith.index_cast %add3A_988 : i32 to index
          %get3A_1076 = arith.constant 48 : index
          %get3A_1077 = tpu.vector_load %arg7[%get3A_1075, %get3A_1076] {strides = array<i32>} : memref<128x64xf32, #tpu.memory_space<vmem>>, vector<16xf32>,
          %get3A_1078 = arith.constant 0 : i32
          %get3A_1079 = arith.constant 0 : i32
          %get3A_1080 = arith.index_cast %get3A_1078 : i32 to index
          %get3A_1081 = arith.index_cast %get3A_1079 : i32 to index
          %get3A_1082 = arith.index_cast %add3A_988 : i32 to index
          %get3A_1083 = arith.constant 16 : index
          %get3A_1084 = tpu.vector_load %arg6[%get3A_1080, %get3A_1081, %get3A_1082, %get3A_1083] {strides = array<i32>} : memref<2x5x128x32xi32, #tpu.memory_space<vmem>>, vector<16xi32>,
          %shift_left3A_1085 = arith.constant 16 : i32
          %shift_left3A_1086 = vector.broadcast %shift_left3A_1085 : i32 to vector<16xi32>
          %shift_left3A_1087 = arith.shli %get3A_1084, %shift_left3A_1086 : vector<16xi32>
          %bitcast3A_1088 = vector.bitcast %shift_left3A_1087 : vector<16xi32> to vector<16xf32>
          %and3A_1089 = arith.andi %get3A_1084, %broadcast_in_dim3A_5 : vector<16xi32>
          %bitcast3A_1090 = vector.bitcast %and3A_1089 : vector<16xi32> to vector<16xf32>
          %add3A_1091 = arith.addf %get3A_1074, %bitcast3A_1088 : vector<16xf32>
          %add3A_1092 = arith.addf %get3A_1077, %bitcast3A_1090 : vector<16xf32>
          %get3A_1093 = arith.constant 0 : i32
          %get3A_1094 = arith.constant 1 : i32
          %get3A_1095 = arith.index_cast %get3A_1093 : i32 to index
          %get3A_1096 = arith.index_cast %get3A_1094 : i32 to index
          %get3A_1097 = arith.index_cast %add3A_988 : i32 to index
          %get3A_1098 = arith.constant 16 : index
          %get3A_1099 = tpu.vector_load %arg6[%get3A_1095, %get3A_1096, %get3A_1097, %get3A_1098] {strides = array<i32>} : memref<2x5x128x32xi32, #tpu.memory_space<vmem>>, vector<16xi32>,
          %shift_left3A_1100 = arith.constant 16 : i32
          %shift_left3A_1101 = vector.broadcast %shift_left3A_1100 : i32 to vector<16xi32>
          %shift_left3A_1102 = arith.shli %get3A_1099, %shift_left3A_1101 : vector<16xi32>
          %bitcast3A_1103 = vector.bitcast %shift_left3A_1102 : vector<16xi32> to vector<16xf32>
          %and3A_1104 = arith.andi %get3A_1099, %broadcast_in_dim3A_5 : vector<16xi32>
          %bitcast3A_1105 = vector.bitcast %and3A_1104 : vector<16xi32> to vector<16xf32>
          %add3A_1106 = arith.addf %add3A_1091, %bitcast3A_1103 : vector<16xf32>
          %add3A_1107 = arith.addf %add3A_1092, %bitcast3A_1105 : vector<16xf32>
          %get3A_1108 = arith.constant 0 : i32
          %get3A_1109 = arith.constant 2 : i32
          %get3A_1110 = arith.index_cast %get3A_1108 : i32 to index
          %get3A_1111 = arith.index_cast %get3A_1109 : i32 to index
          %get3A_1112 = arith.index_cast %add3A_988 : i32 to index
          %get3A_1113 = arith.constant 16 : index
          %get3A_1114 = tpu.vector_load %arg6[%get3A_1110, %get3A_1111, %get3A_1112, %get3A_1113] {strides = array<i32>} : memref<2x5x128x32xi32, #tpu.memory_space<vmem>>, vector<16xi32>,
          %shift_left3A_1115 = arith.constant 16 : i32
          %shift_left3A_1116 = vector.broadcast %shift_left3A_1115 : i32 to vector<16xi32>
          %shift_left3A_1117 = arith.shli %get3A_1114, %shift_left3A_1116 : vector<16xi32>
          %bitcast3A_1118 = vector.bitcast %shift_left3A_1117 : vector<16xi32> to vector<16xf32>
          %and3A_1119 = arith.andi %get3A_1114, %broadcast_in_dim3A_5 : vector<16xi32>
          %bitcast3A_1120 = vector.bitcast %and3A_1119 : vector<16xi32> to vector<16xf32>
          %add3A_1121 = arith.addf %add3A_1106, %bitcast3A_1118 : vector<16xf32>
          %add3A_1122 = arith.addf %add3A_1107, %bitcast3A_1120 : vector<16xf32>
          %get3A_1123 = arith.constant 0 : i32
          %get3A_1124 = arith.constant 3 : i32
          %get3A_1125 = arith.index_cast %get3A_1123 : i32 to index
          %get3A_1126 = arith.index_cast %get3A_1124 : i32 to index
          %get3A_1127 = arith.index_cast %add3A_988 : i32 to index
          %get3A_1128 = arith.constant 16 : index
          %get3A_1129 = tpu.vector_load %arg6[%get3A_1125, %get3A_1126, %get3A_1127, %get3A_1128] {strides = array<i32>} : memref<2x5x128x32xi32, #tpu.memory_space<vmem>>, vector<16xi32>,
          %shift_left3A_1130 = arith.constant 16 : i32
          %shift_left3A_1131 = vector.broadcast %shift_left3A_1130 : i32 to vector<16xi32>
          %shift_left3A_1132 = arith.shli %get3A_1129, %shift_left3A_1131 : vector<16xi32>
          %bitcast3A_1133 = vector.bitcast %shift_left3A_1132 : vector<16xi32> to vector<16xf32>
          %and3A_1134 = arith.andi %get3A_1129, %broadcast_in_dim3A_5 : vector<16xi32>
          %bitcast3A_1135 = vector.bitcast %and3A_1134 : vector<16xi32> to vector<16xf32>
          %add3A_1136 = arith.addf %add3A_1121, %bitcast3A_1133 : vector<16xf32>
          %add3A_1137 = arith.addf %add3A_1122, %bitcast3A_1135 : vector<16xf32>
          %get3A_1138 = arith.constant 0 : i32
          %get3A_1139 = arith.constant 4 : i32
          %get3A_1140 = arith.index_cast %get3A_1138 : i32 to index
          %get3A_1141 = arith.index_cast %get3A_1139 : i32 to index
          %get3A_1142 = arith.index_cast %add3A_988 : i32 to index
          %get3A_1143 = arith.constant 16 : index
          %get3A_1144 = tpu.vector_load %arg6[%get3A_1140, %get3A_1141, %get3A_1142, %get3A_1143] {strides = array<i32>} : memref<2x5x128x32xi32, #tpu.memory_space<vmem>>, vector<16xi32>,
          %shift_left3A_1145 = arith.constant 16 : i32
          %shift_left3A_1146 = vector.broadcast %shift_left3A_1145 : i32 to vector<16xi32>
          %shift_left3A_1147 = arith.shli %get3A_1144, %shift_left3A_1146 : vector<16xi32>
          %bitcast3A_1148 = vector.bitcast %shift_left3A_1147 : vector<16xi32> to vector<16xf32>
          %and3A_1149 = arith.andi %get3A_1144, %broadcast_in_dim3A_5 : vector<16xi32>
          %bitcast3A_1150 = vector.bitcast %and3A_1149 : vector<16xi32> to vector<16xf32>
          %add3A_1151 = arith.addf %add3A_1136, %bitcast3A_1148 : vector<16xf32>
          %add3A_1152 = arith.addf %add3A_1137, %bitcast3A_1150 : vector<16xf32>
          %swap3A_1153 = arith.index_cast %add3A_988 : i32 to index
          %swap3A_1154 = arith.constant 32 : index
          %swap3A_1155 = tpu.vector_load %arg7[%swap3A_1153, %swap3A_1154] {strides = array<i32>} : memref<128x64xf32, #tpu.memory_space<vmem>>, vector<16xf32>,
          tpu.vector_store %arg7[%swap3A_1153, %swap3A_1154], %add3A_1151 {strides = array<i32>} : memref<128x64xf32, #tpu.memory_space<vmem>>, vector<16xf32>,
          %swap3A_1156 = arith.index_cast %add3A_988 : i32 to index
          %swap3A_1157 = arith.constant 48 : index
          %swap3A_1158 = tpu.vector_load %arg7[%swap3A_1156, %swap3A_1157] {strides = array<i32>} : memref<128x64xf32, #tpu.memory_space<vmem>>, vector<16xf32>,
          tpu.vector_store %arg7[%swap3A_1156, %swap3A_1157], %add3A_1152 {strides = array<i32>} : memref<128x64xf32, #tpu.memory_space<vmem>>, vector<16xf32>,
          %mul3A_1159 = arith.constant 2 : i32
          %mul3A_1160 = arith.muli %scan3A_983, %mul3A_1159 : i32
          %add3A_1161 = arith.constant 1 : i32
          %add3A_1162 = arith.addi %mul3A_1160, %add3A_1161 : i32
          %get3A_1163 = arith.index_cast %add3A_1162 : i32 to index
          %get3A_1164 = arith.constant 0 : index
          %get3A_1165 = tpu.vector_load %arg7[%get3A_1163, %get3A_1164] {strides = array<i32>} : memref<128x64xf32, #tpu.memory_space<vmem>>, vector<16xf32>,
          %get3A_1166 = arith.index_cast %add3A_1162 : i32 to index
          %get3A_1167 = arith.constant 16 : index
          %get3A_1168 = tpu.vector_load %arg7[%get3A_1166, %get3A_1167] {strides = array<i32>} : memref<128x64xf32, #tpu.memory_space<vmem>>, vector<16xf32>,
          %get3A_1169 = arith.constant 0 : i32
          %get3A_1170 = arith.constant 0 : i32
          %get3A_1171 = arith.index_cast %get3A_1169 : i32 to index
          %get3A_1172 = arith.index_cast %get3A_1170 : i32 to index
          %get3A_1173 = arith.index_cast %add3A_1162 : i32 to index
          %get3A_1174 = arith.constant 0 : index
          %get3A_1175 = tpu.vector_load %arg6[%get3A_1171, %get3A_1172, %get3A_1173, %get3A_1174] {strides = array<i32>} : memref<2x5x128x32xi32, #tpu.memory_space<vmem>>, vector<16xi32>,
          %shift_left3A_1176 = arith.constant 16 : i32
          %shift_left3A_1177 = vector.broadcast %shift_left3A_1176 : i32 to vector<16xi32>
          %shift_left3A_1178 = arith.shli %get3A_1175, %shift_left3A_1177 : vector<16xi32>
          %bitcast3A_1179 = vector.bitcast %shift_left3A_1178 : vector<16xi32> to vector<16xf32>
          %and3A_1180 = arith.andi %get3A_1175, %broadcast_in_dim3A_5 : vector<16xi32>
          %bitcast3A_1181 = vector.bitcast %and3A_1180 : vector<16xi32> to vector<16xf32>
          %add3A_1182 = arith.addf %get3A_1165, %bitcast3A_1179 : vector<16xf32>
          %add3A_1183 = arith.addf %get3A_1168, %bitcast3A_1181 : vector<16xf32>
          %get3A_1184 = arith.constant 0 : i32
          %get3A_1185 = arith.constant 1 : i32
          %get3A_1186 = arith.index_cast %get3A_1184 : i32 to index
          %get3A_1187 = arith.index_cast %get3A_1185 : i32 to index
          %get3A_1188 = arith.index_cast %add3A_1162 : i32 to index
          %get3A_1189 = arith.constant 0 : index
          %get3A_1190 = tpu.vector_load %arg6[%get3A_1186, %get3A_1187, %get3A_1188, %get3A_1189] {strides = array<i32>} : memref<2x5x128x32xi32, #tpu.memory_space<vmem>>, vector<16xi32>,
          %shift_left3A_1191 = arith.constant 16 : i32
          %shift_left3A_1192 = vector.broadcast %shift_left3A_1191 : i32 to vector<16xi32>
          %shift_left3A_1193 = arith.shli %get3A_1190, %shift_left3A_1192 : vector<16xi32>
          %bitcast3A_1194 = vector.bitcast %shift_left3A_1193 : vector<16xi32> to vector<16xf32>
          %and3A_1195 = arith.andi %get3A_1190, %broadcast_in_dim3A_5 : vector<16xi32>
          %bitcast3A_1196 = vector.bitcast %and3A_1195 : vector<16xi32> to vector<16xf32>
          %add3A_1197 = arith.addf %add3A_1182, %bitcast3A_1194 : vector<16xf32>
          %add3A_1198 = arith.addf %add3A_1183, %bitcast3A_1196 : vector<16xf32>
          %get3A_1199 = arith.constant 0 : i32
          %get3A_1200 = arith.constant 2 : i32
          %get3A_1201 = arith.index_cast %get3A_1199 : i32 to index
          %get3A_1202 = arith.index_cast %get3A_1200 : i32 to index
          %get3A_1203 = arith.index_cast %add3A_1162 : i32 to index
          %get3A_1204 = arith.constant 0 : index
          %get3A_1205 = tpu.vector_load %arg6[%get3A_1201, %get3A_1202, %get3A_1203, %get3A_1204] {strides = array<i32>} : memref<2x5x128x32xi32, #tpu.memory_space<vmem>>, vector<16xi32>,
          %shift_left3A_1206 = arith.constant 16 : i32
          %shift_left3A_1207 = vector.broadcast %shift_left3A_1206 : i32 to vector<16xi32>
          %shift_left3A_1208 = arith.shli %get3A_1205, %shift_left3A_1207 : vector<16xi32>
          %bitcast3A_1209 = vector.bitcast %shift_left3A_1208 : vector<16xi32> to vector<16xf32>
          %and3A_1210 = arith.andi %get3A_1205, %broadcast_in_dim3A_5 : vector<16xi32>
          %bitcast3A_1211 = vector.bitcast %and3A_1210 : vector<16xi32> to vector<16xf32>
          %add3A_1212 = arith.addf %add3A_1197, %bitcast3A_1209 : vector<16xf32>
          %add3A_1213 = arith.addf %add3A_1198, %bitcast3A_1211 : vector<16xf32>
          %get3A_1214 = arith.constant 0 : i32
          %get3A_1215 = arith.constant 3 : i32
          %get3A_1216 = arith.index_cast %get3A_1214 : i32 to index
          %get3A_1217 = arith.index_cast %get3A_1215 : i32 to index
          %get3A_1218 = arith.index_cast %add3A_1162 : i32 to index
          %get3A_1219 = arith.constant 0 : index
          %get3A_1220 = tpu.vector_load %arg6[%get3A_1216, %get3A_1217, %get3A_1218, %get3A_1219] {strides = array<i32>} : memref<2x5x128x32xi32, #tpu.memory_space<vmem>>, vector<16xi32>,
          %shift_left3A_1221 = arith.constant 16 : i32
          %shift_left3A_1222 = vector.broadcast %shift_left3A_1221 : i32 to vector<16xi32>
          %shift_left3A_1223 = arith.shli %get3A_1220, %shift_left3A_1222 : vector<16xi32>
          %bitcast3A_1224 = vector.bitcast %shift_left3A_1223 : vector<16xi32> to vector<16xf32>
          %and3A_1225 = arith.andi %get3A_1220, %broadcast_in_dim3A_5 : vector<16xi32>
          %bitcast3A_1226 = vector.bitcast %and3A_1225 : vector<16xi32> to vector<16xf32>
          %add3A_1227 = arith.addf %add3A_1212, %bitcast3A_1224 : vector<16xf32>
          %add3A_1228 = arith.addf %add3A_1213, %bitcast3A_1226 : vector<16xf32>
          %get3A_1229 = arith.constant 0 : i32
          %get3A_1230 = arith.constant 4 : i32
          %get3A_1231 = arith.index_cast %get3A_1229 : i32 to index
          %get3A_1232 = arith.index_cast %get3A_1230 : i32 to index
          %get3A_1233 = arith.index_cast %add3A_1162 : i32 to index
          %get3A_1234 = arith.constant 0 : index
          %get3A_1235 = tpu.vector_load %arg6[%get3A_1231, %get3A_1232, %get3A_1233, %get3A_1234] {strides = array<i32>} : memref<2x5x128x32xi32, #tpu.memory_space<vmem>>, vector<16xi32>,
          %shift_left3A_1236 = arith.constant 16 : i32
          %shift_left3A_1237 = vector.broadcast %shift_left3A_1236 : i32 to vector<16xi32>
          %shift_left3A_1238 = arith.shli %get3A_1235, %shift_left3A_1237 : vector<16xi32>
          %bitcast3A_1239 = vector.bitcast %shift_left3A_1238 : vector<16xi32> to vector<16xf32>
          %and3A_1240 = arith.andi %get3A_1235, %broadcast_in_dim3A_5 : vector<16xi32>
          %bitcast3A_1241 = vector.bitcast %and3A_1240 : vector<16xi32> to vector<16xf32>
          %add3A_1242 = arith.addf %add3A_1227, %bitcast3A_1239 : vector<16xf32>
          %add3A_1243 = arith.addf %add3A_1228, %bitcast3A_1241 : vector<16xf32>
          %swap3A_1244 = arith.index_cast %add3A_1162 : i32 to index
          %swap3A_1245 = arith.constant 0 : index
          %swap3A_1246 = tpu.vector_load %arg7[%swap3A_1244, %swap3A_1245] {strides = array<i32>} : memref<128x64xf32, #tpu.memory_space<vmem>>, vector<16xf32>,
          tpu.vector_store %arg7[%swap3A_1244, %swap3A_1245], %add3A_1242 {strides = array<i32>} : memref<128x64xf32, #tpu.memory_space<vmem>>, vector<16xf32>,
          %swap3A_1247 = arith.index_cast %add3A_1162 : i32 to index
          %swap3A_1248 = arith.constant 16 : index
          %swap3A_1249 = tpu.vector_load %arg7[%swap3A_1247, %swap3A_1248] {strides = array<i32>} : memref<128x64xf32, #tpu.memory_space<vmem>>, vector<16xf32>,
          tpu.vector_store %arg7[%swap3A_1247, %swap3A_1248], %add3A_1243 {strides = array<i32>} : memref<128x64xf32, #tpu.memory_space<vmem>>, vector<16xf32>,
          %get3A_1250 = arith.index_cast %add3A_1162 : i32 to index
          %get3A_1251 = arith.constant 32 : index
          %get3A_1252 = tpu.vector_load %arg7[%get3A_1250, %get3A_1251] {strides = array<i32>} : memref<128x64xf32, #tpu.memory_space<vmem>>, vector<16xf32>,
          %get3A_1253 = arith.index_cast %add3A_1162 : i32 to index
          %get3A_1254 = arith.constant 48 : index
          %get3A_1255 = tpu.vector_load %arg7[%get3A_1253, %get3A_1254] {strides = array<i32>} : memref<128x64xf32, #tpu.memory_space<vmem>>, vector<16xf32>,
          %get3A_1256 = arith.constant 0 : i32
          %get3A_1257 = arith.constant 0 : i32
          %get3A_1258 = arith.index_cast %get3A_1256 : i32 to index
          %get3A_1259 = arith.index_cast %get3A_1257 : i32 to index
          %get3A_1260 = arith.index_cast %add3A_1162 : i32 to index
          %get3A_1261 = arith.constant 16 : index
          %get3A_1262 = tpu.vector_load %arg6[%get3A_1258, %get3A_1259, %get3A_1260, %get3A_1261] {strides = array<i32>} : memref<2x5x128x32xi32, #tpu.memory_space<vmem>>, vector<16xi32>,
          %shift_left3A_1263 = arith.constant 16 : i32
          %shift_left3A_1264 = vector.broadcast %shift_left3A_1263 : i32 to vector<16xi32>
          %shift_left3A_1265 = arith.shli %get3A_1262, %shift_left3A_1264 : vector<16xi32>
          %bitcast3A_1266 = vector.bitcast %shift_left3A_1265 : vector<16xi32> to vector<16xf32>
          %and3A_1267 = arith.andi %get3A_1262, %broadcast_in_dim3A_5 : vector<16xi32>
          %bitcast3A_1268 = vector.bitcast %and3A_1267 : vector<16xi32> to vector<16xf32>
          %add3A_1269 = arith.addf %get3A_1252, %bitcast3A_1266 : vector<16xf32>
          %add3A_1270 = arith.addf %get3A_1255, %bitcast3A_1268 : vector<16xf32>
          %get3A_1271 = arith.constant 0 : i32
          %get3A_1272 = arith.constant 1 : i32
          %get3A_1273 = arith.index_cast %get3A_1271 : i32 to index
          %get3A_1274 = arith.index_cast %get3A_1272 : i32 to index
          %get3A_1275 = arith.index_cast %add3A_1162 : i32 to index
          %get3A_1276 = arith.constant 16 : index
          %get3A_1277 = tpu.vector_load %arg6[%get3A_1273, %get3A_1274, %get3A_1275, %get3A_1276] {strides = array<i32>} : memref<2x5x128x32xi32, #tpu.memory_space<vmem>>, vector<16xi32>,
          %shift_left3A_1278 = arith.constant 16 : i32
          %shift_left3A_1279 = vector.broadcast %shift_left3A_1278 : i32 to vector<16xi32>
          %shift_left3A_1280 = arith.shli %get3A_1277, %shift_left3A_1279 : vector<16xi32>
          %bitcast3A_1281 = vector.bitcast %shift_left3A_1280 : vector<16xi32> to vector<16xf32>
          %and3A_1282 = arith.andi %get3A_1277, %broadcast_in_dim3A_5 : vector<16xi32>
          %bitcast3A_1283 = vector.bitcast %and3A_1282 : vector<16xi32> to vector<16xf32>
          %add3A_1284 = arith.addf %add3A_1269, %bitcast3A_1281 : vector<16xf32>
          %add3A_1285 = arith.addf %add3A_1270, %bitcast3A_1283 : vector<16xf32>
          %get3A_1286 = arith.constant 0 : i32
          %get3A_1287 = arith.constant 2 : i32
          %get3A_1288 = arith.index_cast %get3A_1286 : i32 to index
          %get3A_1289 = arith.index_cast %get3A_1287 : i32 to index
          %get3A_1290 = arith.index_cast %add3A_1162 : i32 to index
          %get3A_1291 = arith.constant 16 : index
          %get3A_1292 = tpu.vector_load %arg6[%get3A_1288, %get3A_1289, %get3A_1290, %get3A_1291] {strides = array<i32>} : memref<2x5x128x32xi32, #tpu.memory_space<vmem>>, vector<16xi32>,
          %shift_left3A_1293 = arith.constant 16 : i32
          %shift_left3A_1294 = vector.broadcast %shift_left3A_1293 : i32 to vector<16xi32>
          %shift_left3A_1295 = arith.shli %get3A_1292, %shift_left3A_1294 : vector<16xi32>
          %bitcast3A_1296 = vector.bitcast %shift_left3A_1295 : vector<16xi32> to vector<16xf32>
          %and3A_1297 = arith.andi %get3A_1292, %broadcast_in_dim3A_5 : vector<16xi32>
          %bitcast3A_1298 = vector.bitcast %and3A_1297 : vector<16xi32> to vector<16xf32>
          %add3A_1299 = arith.addf %add3A_1284, %bitcast3A_1296 : vector<16xf32>
          %add3A_1300 = arith.addf %add3A_1285, %bitcast3A_1298 : vector<16xf32>
          %get3A_1301 = arith.constant 0 : i32
          %get3A_1302 = arith.constant 3 : i32
          %get3A_1303 = arith.index_cast %get3A_1301 : i32 to index
          %get3A_1304 = arith.index_cast %get3A_1302 : i32 to index
          %get3A_1305 = arith.index_cast %add3A_1162 : i32 to index
          %get3A_1306 = arith.constant 16 : index
          %get3A_1307 = tpu.vector_load %arg6[%get3A_1303, %get3A_1304, %get3A_1305, %get3A_1306] {strides = array<i32>} : memref<2x5x128x32xi32, #tpu.memory_space<vmem>>, vector<16xi32>,
          %shift_left3A_1308 = arith.constant 16 : i32
          %shift_left3A_1309 = vector.broadcast %shift_left3A_1308 : i32 to vector<16xi32>
          %shift_left3A_1310 = arith.shli %get3A_1307, %shift_left3A_1309 : vector<16xi32>
          %bitcast3A_1311 = vector.bitcast %shift_left3A_1310 : vector<16xi32> to vector<16xf32>
          %and3A_1312 = arith.andi %get3A_1307, %broadcast_in_dim3A_5 : vector<16xi32>
          %bitcast3A_1313 = vector.bitcast %and3A_1312 : vector<16xi32> to vector<16xf32>
          %add3A_1314 = arith.addf %add3A_1299, %bitcast3A_1311 : vector<16xf32>
          %add3A_1315 = arith.addf %add3A_1300, %bitcast3A_1313 : vector<16xf32>
          %get3A_1316 = arith.constant 0 : i32
          %get3A_1317 = arith.constant 4 : i32
          %get3A_1318 = arith.index_cast %get3A_1316 : i32 to index
          %get3A_1319 = arith.index_cast %get3A_1317 : i32 to index
          %get3A_1320 = arith.index_cast %add3A_1162 : i32 to index
          %get3A_1321 = arith.constant 16 : index
          %get3A_1322 = tpu.vector_load %arg6[%get3A_1318, %get3A_1319, %get3A_1320, %get3A_1321] {strides = array<i32>} : memref<2x5x128x32xi32, #tpu.memory_space<vmem>>, vector<16xi32>,
          %shift_left3A_1323 = arith.constant 16 : i32
          %shift_left3A_1324 = vector.broadcast %shift_left3A_1323 : i32 to vector<16xi32>
          %shift_left3A_1325 = arith.shli %get3A_1322, %shift_left3A_1324 : vector<16xi32>
          %bitcast3A_1326 = vector.bitcast %shift_left3A_1325 : vector<16xi32> to vector<16xf32>
          %and3A_1327 = arith.andi %get3A_1322, %broadcast_in_dim3A_5 : vector<16xi32>
          %bitcast3A_1328 = vector.bitcast %and3A_1327 : vector<16xi32> to vector<16xf32>
          %add3A_1329 = arith.addf %add3A_1314, %bitcast3A_1326 : vector<16xf32>
          %add3A_1330 = arith.addf %add3A_1315, %bitcast3A_1328 : vector<16xf32>
          %swap3A_1331 = arith.index_cast %add3A_1162 : i32 to index
          %swap3A_1332 = arith.constant 32 : index
          %swap3A_1333 = tpu.vector_load %arg7[%swap3A_1331, %swap3A_1332] {strides = array<i32>} : memref<128x64xf32, #tpu.memory_space<vmem>>, vector<16xf32>,
          tpu.vector_store %arg7[%swap3A_1331, %swap3A_1332], %add3A_1329 {strides = array<i32>} : memref<128x64xf32, #tpu.memory_space<vmem>>, vector<16xf32>,
          %swap3A_1334 = arith.index_cast %add3A_1162 : i32 to index
          %swap3A_1335 = arith.constant 48 : index
          %swap3A_1336 = tpu.vector_load %arg7[%swap3A_1334, %swap3A_1335] {strides = array<i32>} : memref<128x64xf32, #tpu.memory_space<vmem>>, vector<16xf32>,
          tpu.vector_store %arg7[%swap3A_1334, %swap3A_1335], %add3A_1330 {strides = array<i32>} : memref<128x64xf32, #tpu.memory_space<vmem>>, vector<16xf32>,
          %scan3A_1337 = arith.constant 0 : i32
          scf.yield %scan3A_1337 : i32
        }
        %scan3A_859 = arith.constant 64 : i32
        %add3A_860 = arith.constant 2 : i32
        %add3A_861 = arith.addi %mul3A_389, %add3A_860 : i32
        %jit3A_862 = arith.constant 8 : i32
        %eq3A_863 = arith.constant 0 : i32
        %eq3A_864 = arith.cmpi eq, %jit3A_862, %eq3A_863 : i32
        %jit3A_865 = arith.constant 1 : i32
        %select_n3A_866 = arith.select %eq3A_864, %jit3A_865, %jit3A_862 : i32
        %rem3A_867 = arith.remsi %add3A_861, %select_n3A_866 : i32
        %ne3A_868 = arith.constant 0 : i32
        %ne3A_869 = arith.cmpi ne, %rem3A_867, %ne3A_868 : i32
        %lt3A_870 = arith.constant 0 : i32
        %lt3A_871 = arith.cmpi slt, %rem3A_867, %lt3A_870 : i32
        %lt3A_872 = arith.constant 0 : i32
        %lt3A_873 = arith.cmpi slt, %select_n3A_866, %lt3A_872 : i32
        %ne3A_874 = arith.xori %lt3A_871, %lt3A_873 : i1
        %and3A_875 = arith.andi %ne3A_874, %ne3A_869 : i1
        %add3A_876 = arith.addi %rem3A_867, %select_n3A_866 : i32
        %select_n3A_877 = arith.select %and3A_875, %add3A_876, %rem3A_867 : i32
        %eq3A_878 = arith.constant 0 : i32
        %eq3A_879 = arith.cmpi eq, %select_n3A_877, %eq3A_878 : i32
        %add3A_880 = arith.constant 2 : i32
        %add3A_881 = arith.addi %mul3A_389, %add3A_880 : i32
        %lt3A_882 = arith.constant 40 : i32
        %lt3A_883 = arith.cmpi slt, %add3A_881, %lt3A_882 : i32
        %and3A_884 = arith.andi %eq3A_879, %lt3A_883 : i1
        %convert_element_type3A_885 = arith.extui %and3A_884 : i1 to i32
        %cond3A_886 = arith.constant 0 : i32
        %cond3A_887 = arith.cmpi ne, %convert_element_type3A_885, %cond3A_886 : i32
        scf.if %cond3A_887 {
          %add3A_983 = arith.constant 2 : i32
          %add3A_984 = arith.addi %mul3A_389, %add3A_983 : i32
          %jit3A_985 = arith.constant 8 : i32
          %div3A_986 = arith.divsi %add3A_984, %jit3A_985 : i32
          %sign3A_987 = arith.constant 0 : i32
          %sign3A_988 = arith.cmpi sgt, %add3A_984, %sign3A_987 : i32
          %sign3A_989 = arith.extui %sign3A_988 : i1 to i32
          %sign3A_990 = arith.constant 0 : i32
          %sign3A_991 = arith.cmpi slt, %add3A_984, %sign3A_990 : i32
          %sign3A_992 = arith.extui %sign3A_991 : i1 to i32
          %sign3A_993 = arith.subi %sign3A_989, %sign3A_992 : i32
          %sign3A_994 = arith.constant 0 : i32
          %sign3A_995 = arith.cmpi sgt, %jit3A_985, %sign3A_994 : i32
          %sign3A_996 = arith.extui %sign3A_995 : i1 to i32
          %sign3A_997 = arith.constant 0 : i32
          %sign3A_998 = arith.cmpi slt, %jit3A_985, %sign3A_997 : i32
          %sign3A_999 = arith.extui %sign3A_998 : i1 to i32
          %sign3A_1000 = arith.subi %sign3A_996, %sign3A_999 : i32
          %ne3A_1001 = arith.cmpi ne, %sign3A_993, %sign3A_1000 : i32
          %rem3A_1002 = arith.remsi %add3A_984, %jit3A_985 : i32
          %ne3A_1003 = arith.constant 0 : i32
          %ne3A_1004 = arith.cmpi ne, %rem3A_1002, %ne3A_1003 : i32
          %and3A_1005 = arith.andi %ne3A_1001, %ne3A_1004 : i1
          %sub3A_1006 = arith.constant 1 : i32
          %sub3A_1007 = arith.subi %div3A_986, %sub3A_1006 : i32
          %select_n3A_1008 = arith.select %and3A_1005, %sub3A_1007, %div3A_986 : i32
          %jit3A_1009 = arith.constant 2 : i32
          %eq3A_1010 = arith.constant 0 : i32
          %eq3A_1011 = arith.cmpi eq, %jit3A_1009, %eq3A_1010 : i32
          %jit3A_1012 = arith.constant 1 : i32
          %select_n3A_1013 = arith.select %eq3A_1011, %jit3A_1012, %jit3A_1009 : i32
          %rem3A_1014 = arith.remsi %select_n3A_1008, %select_n3A_1013 : i32
          %ne3A_1015 = arith.constant 0 : i32
          %ne3A_1016 = arith.cmpi ne, %rem3A_1014, %ne3A_1015 : i32
          %lt3A_1017 = arith.constant 0 : i32
          %lt3A_1018 = arith.cmpi slt, %rem3A_1014, %lt3A_1017 : i32
          %lt3A_1019 = arith.constant 0 : i32
          %lt3A_1020 = arith.cmpi slt, %select_n3A_1013, %lt3A_1019 : i32
          %ne3A_1021 = arith.xori %lt3A_1018, %lt3A_1020 : i1
          %and3A_1022 = arith.andi %ne3A_1021, %ne3A_1016 : i1
          %add3A_1023 = arith.addi %rem3A_1014, %select_n3A_1013 : i32
          %select_n3A_1024 = arith.select %and3A_1022, %add3A_1023, %rem3A_1014 : i32
          %dma_wait3A_1025 = arith.constant 0 : i32
          %dma_wait3A_1026 = arith.constant 0 : i32
          %dma_wait3A_1027 = tpu.memref_slice %arg5[%select_n3A_1024, %dma_wait3A_1025, %dma_wait3A_1026] : memref<2x40x128xi32, #tpu.memory_space<vmem>> -> memref<1x40x128xi32, #tpu.memory_space<vmem>>
          %dma_wait3A_1028 = tpu.memref_squeeze %dma_wait3A_1027 : memref<1x40x128xi32, #tpu.memory_space<vmem>> -> memref<40x128xi32, #tpu.memory_space<vmem>>
          %dma_wait3A_1029 = arith.constant 0 : i32
          %dma_wait3A_1030 = arith.constant 0 : i32
          %dma_wait3A_1031 = tpu.memref_slice %arg2[%dma_wait3A_1029, %dma_wait3A_1030] : memref<200x16384xi32, #tpu.memory_space<hbm>> -> memref<40x128xi32, #tpu.memory_space<hbm>>
          %dma_wait3A_1032 = arith.constant 0 : i32
          %dma_wait3A_1033 = arith.constant 0 : i32
          %dma_wait3A_1034 = tpu.memref_slice %arg5[%select_n3A_1024, %dma_wait3A_1032, %dma_wait3A_1033] : memref<2x40x128xi32, #tpu.memory_space<vmem>> -> memref<1x40x128xi32, #tpu.memory_space<vmem>>
          %dma_wait3A_1035 = tpu.memref_squeeze %dma_wait3A_1034 : memref<1x40x128xi32, #tpu.memory_space<vmem>> -> memref<40x128xi32, #tpu.memory_space<vmem>>
          %dma_wait3A_1036 = arith.constant 0 : i32
          %dma_wait3A_1037 = arith.constant 0 : i32
          %dma_wait3A_1038 = tpu.memref_slice %arg2[%dma_wait3A_1036, %dma_wait3A_1037] : memref<200x16384xi32, #tpu.memory_space<hbm>> -> memref<40x128xi32, #tpu.memory_space<hbm>>
          tpu.wait_dma2 semaphore(%arg8 : memref<!tpu.dma_semaphore, #tpu.memory_space<semaphore_mem>>) src(%dma_wait3A_1038 : memref<40x128xi32, #tpu.memory_space<hbm>>) dst(%dma_wait3A_1035 : memref<40x128xi32, #tpu.memory_space<vmem>>)
        } else {
        }
        %add3A_888 = arith.constant 2 : i32
        %add3A_889 = arith.addi %mul3A_389, %add3A_888 : i32
        %lt3A_890 = arith.constant 40 : i32
        %lt3A_891 = arith.cmpi slt, %add3A_889, %lt3A_890 : i32
        %convert_element_type3A_892 = arith.extui %lt3A_891 : i1 to i32
        %cond3A_893 = arith.constant 0 : i32
        %cond3A_894 = arith.cmpi ne, %convert_element_type3A_892, %cond3A_893 : i32
        scf.if %cond3A_894 {
          %add3A_983 = arith.constant 2 : i32
          %add3A_984 = arith.addi %mul3A_389, %add3A_983 : i32
          %mul3A_985 = arith.constant 5 : i32
          %mul3A_986 = arith.muli %add3A_984, %mul3A_985 : i32
          %add3A_987 = arith.constant 0 : i32
          %add3A_988 = arith.addi %mul3A_986, %add3A_987 : i32
          %jit3A_989 = arith.constant 40 : i32
          %div3A_990 = arith.divsi %add3A_988, %jit3A_989 : i32
          %sign3A_991 = arith.constant 0 : i32
          %sign3A_992 = arith.cmpi sgt, %add3A_988, %sign3A_991 : i32
          %sign3A_993 = arith.extui %sign3A_992 : i1 to i32
          %sign3A_994 = arith.constant 0 : i32
          %sign3A_995 = arith.cmpi slt, %add3A_988, %sign3A_994 : i32
          %sign3A_996 = arith.extui %sign3A_995 : i1 to i32
          %sign3A_997 = arith.subi %sign3A_993, %sign3A_996 : i32
          %sign3A_998 = arith.constant 0 : i32
          %sign3A_999 = arith.cmpi sgt, %jit3A_989, %sign3A_998 : i32
          %sign3A_1000 = arith.extui %sign3A_999 : i1 to i32
          %sign3A_1001 = arith.constant 0 : i32
          %sign3A_1002 = arith.cmpi slt, %jit3A_989, %sign3A_1001 : i32
          %sign3A_1003 = arith.extui %sign3A_1002 : i1 to i32
          %sign3A_1004 = arith.subi %sign3A_1000, %sign3A_1003 : i32
          %ne3A_1005 = arith.cmpi ne, %sign3A_997, %sign3A_1004 : i32
          %rem3A_1006 = arith.remsi %add3A_988, %jit3A_989 : i32
          %ne3A_1007 = arith.constant 0 : i32
          %ne3A_1008 = arith.cmpi ne, %rem3A_1006, %ne3A_1007 : i32
          %and3A_1009 = arith.andi %ne3A_1005, %ne3A_1008 : i1
          %sub3A_1010 = arith.constant 1 : i32
          %sub3A_1011 = arith.subi %div3A_990, %sub3A_1010 : i32
          %select_n3A_1012 = arith.select %and3A_1009, %sub3A_1011, %div3A_990 : i32
          %jit3A_1013 = arith.constant 40 : i32
          %eq3A_1014 = arith.constant 0 : i32
          %eq3A_1015 = arith.cmpi eq, %jit3A_1013, %eq3A_1014 : i32
          %jit3A_1016 = arith.constant 1 : i32
          %select_n3A_1017 = arith.select %eq3A_1015, %jit3A_1016, %jit3A_1013 : i32
          %rem3A_1018 = arith.remsi %add3A_988, %select_n3A_1017 : i32
          %ne3A_1019 = arith.constant 0 : i32
          %ne3A_1020 = arith.cmpi ne, %rem3A_1018, %ne3A_1019 : i32
          %lt3A_1021 = arith.constant 0 : i32
          %lt3A_1022 = arith.cmpi slt, %rem3A_1018, %lt3A_1021 : i32
          %lt3A_1023 = arith.constant 0 : i32
          %lt3A_1024 = arith.cmpi slt, %select_n3A_1017, %lt3A_1023 : i32
          %ne3A_1025 = arith.xori %lt3A_1022, %lt3A_1024 : i1
          %and3A_1026 = arith.andi %ne3A_1025, %ne3A_1020 : i1
          %add3A_1027 = arith.addi %rem3A_1018, %select_n3A_1017 : i32
          %select_n3A_1028 = arith.select %and3A_1026, %add3A_1027, %rem3A_1018 : i32
          %jit3A_1029 = arith.constant 2 : i32
          %eq3A_1030 = arith.constant 0 : i32
          %eq3A_1031 = arith.cmpi eq, %jit3A_1029, %eq3A_1030 : i32
          %jit3A_1032 = arith.constant 1 : i32
          %select_n3A_1033 = arith.select %eq3A_1031, %jit3A_1032, %jit3A_1029 : i32
          %rem3A_1034 = arith.remsi %select_n3A_1012, %select_n3A_1033 : i32
          %ne3A_1035 = arith.constant 0 : i32
          %ne3A_1036 = arith.cmpi ne, %rem3A_1034, %ne3A_1035 : i32
          %lt3A_1037 = arith.constant 0 : i32
          %lt3A_1038 = arith.cmpi slt, %rem3A_1034, %lt3A_1037 : i32
          %lt3A_1039 = arith.constant 0 : i32
          %lt3A_1040 = arith.cmpi slt, %select_n3A_1033, %lt3A_1039 : i32
          %ne3A_1041 = arith.xori %lt3A_1038, %lt3A_1040 : i1
          %and3A_1042 = arith.andi %ne3A_1041, %ne3A_1036 : i1
          %add3A_1043 = arith.addi %rem3A_1034, %select_n3A_1033 : i32
          %select_n3A_1044 = arith.select %and3A_1042, %add3A_1043, %rem3A_1034 : i32
          %dma_start3A_1045 = arith.constant 0 : i32
          %dma_start3A_1046 = arith.constant 0 : i32
          %dma_start3A_1047 = arith.constant 0 : i32
          %dma_start3A_1048 = arith.constant 0 : i32
          %dma_start3A_1049 = tpu.memref_slice %arg6[%dma_start3A_1045, %dma_start3A_1046, %dma_start3A_1047, %dma_start3A_1048] : memref<2x5x128x32xi32, #tpu.memory_space<vmem>> -> memref<1x1x128x32xi32, #tpu.memory_space<vmem>>
          %dma_start3A_1050 = tpu.memref_squeeze %dma_start3A_1049 : memref<1x1x128x32xi32, #tpu.memory_space<vmem>> -> memref<128x32xi32, #tpu.memory_space<vmem>>
          %dma_start3A_1051 = arith.constant 0 : i32
          %dma_start3A_1052 = tpu.memref_slice %arg5[%select_n3A_1044, %select_n3A_1028, %dma_start3A_1051] : memref<2x40x128xi32, #tpu.memory_space<vmem>> -> memref<1x1x128xi32, #tpu.memory_space<vmem>>
          %dma_start3A_1053 = tpu.memref_squeeze %dma_start3A_1052 : memref<1x1x128xi32, #tpu.memory_space<vmem>> -> memref<128xi32, #tpu.memory_space<vmem>>
          %dma_start3A_1054 = arith.constant 0 : i32
          %dma_start3A_1055 = arith.constant 0 : i32
          %dma_start3A_1056 = tpu.memref_slice %arg3[%dma_start3A_1054, %dma_start3A_1055] : memref<1007616x32xi32, #tpu.memory_space<hbm>> -> memref<1007616x32xi32, #tpu.memory_space<hbm>>
          tpu.enqueue_indirect_dma source(%dma_start3A_1056 : memref<1007616x32xi32, #tpu.memory_space<hbm>>) target(%dma_start3A_1050 : memref<128x32xi32, #tpu.memory_space<vmem>>) offsets(%dma_start3A_1053 : memref<128xi32, #tpu.memory_space<vmem>>) semaphore(%arg9 : memref<!tpu.dma_semaphore, #tpu.memory_space<semaphore_mem>>)
          %mul3A_1057 = arith.constant 5 : i32
          %mul3A_1058 = arith.muli %add3A_984, %mul3A_1057 : i32
          %add3A_1059 = arith.constant 1 : i32
          %add3A_1060 = arith.addi %mul3A_1058, %add3A_1059 : i32
          %jit3A_1061 = arith.constant 40 : i32
          %div3A_1062 = arith.divsi %add3A_1060, %jit3A_1061 : i32
          %sign3A_1063 = arith.constant 0 : i32
          %sign3A_1064 = arith.cmpi sgt, %add3A_1060, %sign3A_1063 : i32
          %sign3A_1065 = arith.extui %sign3A_1064 : i1 to i32
          %sign3A_1066 = arith.constant 0 : i32
          %sign3A_1067 = arith.cmpi slt, %add3A_1060, %sign3A_1066 : i32
          %sign3A_1068 = arith.extui %sign3A_1067 : i1 to i32
          %sign3A_1069 = arith.subi %sign3A_1065, %sign3A_1068 : i32
          %sign3A_1070 = arith.constant 0 : i32
          %sign3A_1071 = arith.cmpi sgt, %jit3A_1061, %sign3A_1070 : i32
          %sign3A_1072 = arith.extui %sign3A_1071 : i1 to i32
          %sign3A_1073 = arith.constant 0 : i32
          %sign3A_1074 = arith.cmpi slt, %jit3A_1061, %sign3A_1073 : i32
          %sign3A_1075 = arith.extui %sign3A_1074 : i1 to i32
          %sign3A_1076 = arith.subi %sign3A_1072, %sign3A_1075 : i32
          %ne3A_1077 = arith.cmpi ne, %sign3A_1069, %sign3A_1076 : i32
          %rem3A_1078 = arith.remsi %add3A_1060, %jit3A_1061 : i32
          %ne3A_1079 = arith.constant 0 : i32
          %ne3A_1080 = arith.cmpi ne, %rem3A_1078, %ne3A_1079 : i32
          %and3A_1081 = arith.andi %ne3A_1077, %ne3A_1080 : i1
          %sub3A_1082 = arith.constant 1 : i32
          %sub3A_1083 = arith.subi %div3A_1062, %sub3A_1082 : i32
          %select_n3A_1084 = arith.select %and3A_1081, %sub3A_1083, %div3A_1062 : i32
          %jit3A_1085 = arith.constant 40 : i32
          %eq3A_1086 = arith.constant 0 : i32
          %eq3A_1087 = arith.cmpi eq, %jit3A_1085, %eq3A_1086 : i32
          %jit3A_1088 = arith.constant 1 : i32
          %select_n3A_1089 = arith.select %eq3A_1087, %jit3A_1088, %jit3A_1085 : i32
          %rem3A_1090 = arith.remsi %add3A_1060, %select_n3A_1089 : i32
          %ne3A_1091 = arith.constant 0 : i32
          %ne3A_1092 = arith.cmpi ne, %rem3A_1090, %ne3A_1091 : i32
          %lt3A_1093 = arith.constant 0 : i32
          %lt3A_1094 = arith.cmpi slt, %rem3A_1090, %lt3A_1093 : i32
          %lt3A_1095 = arith.constant 0 : i32
          %lt3A_1096 = arith.cmpi slt, %select_n3A_1089, %lt3A_1095 : i32
          %ne3A_1097 = arith.xori %lt3A_1094, %lt3A_1096 : i1
          %and3A_1098 = arith.andi %ne3A_1097, %ne3A_1092 : i1
          %add3A_1099 = arith.addi %rem3A_1090, %select_n3A_1089 : i32
          %select_n3A_1100 = arith.select %and3A_1098, %add3A_1099, %rem3A_1090 : i32
          %jit3A_1101 = arith.constant 2 : i32
          %eq3A_1102 = arith.constant 0 : i32
          %eq3A_1103 = arith.cmpi eq, %jit3A_1101, %eq3A_1102 : i32
          %jit3A_1104 = arith.constant 1 : i32
          %select_n3A_1105 = arith.select %eq3A_1103, %jit3A_1104, %jit3A_1101 : i32
          %rem3A_1106 = arith.remsi %select_n3A_1084, %select_n3A_1105 : i32
          %ne3A_1107 = arith.constant 0 : i32
          %ne3A_1108 = arith.cmpi ne, %rem3A_1106, %ne3A_1107 : i32
          %lt3A_1109 = arith.constant 0 : i32
          %lt3A_1110 = arith.cmpi slt, %rem3A_1106, %lt3A_1109 : i32
          %lt3A_1111 = arith.constant 0 : i32
          %lt3A_1112 = arith.cmpi slt, %select_n3A_1105, %lt3A_1111 : i32
          %ne3A_1113 = arith.xori %lt3A_1110, %lt3A_1112 : i1
          %and3A_1114 = arith.andi %ne3A_1113, %ne3A_1108 : i1
          %add3A_1115 = arith.addi %rem3A_1106, %select_n3A_1105 : i32
          %select_n3A_1116 = arith.select %and3A_1114, %add3A_1115, %rem3A_1106 : i32
          %dma_start3A_1117 = arith.constant 0 : i32
          %dma_start3A_1118 = arith.constant 1 : i32
          %dma_start3A_1119 = arith.constant 0 : i32
          %dma_start3A_1120 = arith.constant 0 : i32
          %dma_start3A_1121 = tpu.memref_slice %arg6[%dma_start3A_1117, %dma_start3A_1118, %dma_start3A_1119, %dma_start3A_1120] : memref<2x5x128x32xi32, #tpu.memory_space<vmem>> -> memref<1x1x128x32xi32, #tpu.memory_space<vmem>>
          %dma_start3A_1122 = tpu.memref_squeeze %dma_start3A_1121 : memref<1x1x128x32xi32, #tpu.memory_space<vmem>> -> memref<128x32xi32, #tpu.memory_space<vmem>>
          %dma_start3A_1123 = arith.constant 0 : i32
          %dma_start3A_1124 = tpu.memref_slice %arg5[%select_n3A_1116, %select_n3A_1100, %dma_start3A_1123] : memref<2x40x128xi32, #tpu.memory_space<vmem>> -> memref<1x1x128xi32, #tpu.memory_space<vmem>>
          %dma_start3A_1125 = tpu.memref_squeeze %dma_start3A_1124 : memref<1x1x128xi32, #tpu.memory_space<vmem>> -> memref<128xi32, #tpu.memory_space<vmem>>
          %dma_start3A_1126 = arith.constant 0 : i32
          %dma_start3A_1127 = arith.constant 0 : i32
          %dma_start3A_1128 = tpu.memref_slice %arg3[%dma_start3A_1126, %dma_start3A_1127] : memref<1007616x32xi32, #tpu.memory_space<hbm>> -> memref<1007616x32xi32, #tpu.memory_space<hbm>>
          tpu.enqueue_indirect_dma source(%dma_start3A_1128 : memref<1007616x32xi32, #tpu.memory_space<hbm>>) target(%dma_start3A_1122 : memref<128x32xi32, #tpu.memory_space<vmem>>) offsets(%dma_start3A_1125 : memref<128xi32, #tpu.memory_space<vmem>>) semaphore(%arg9 : memref<!tpu.dma_semaphore, #tpu.memory_space<semaphore_mem>>)
          %mul3A_1129 = arith.constant 5 : i32
          %mul3A_1130 = arith.muli %add3A_984, %mul3A_1129 : i32
          %add3A_1131 = arith.constant 2 : i32
          %add3A_1132 = arith.addi %mul3A_1130, %add3A_1131 : i32
          %jit3A_1133 = arith.constant 40 : i32
          %div3A_1134 = arith.divsi %add3A_1132, %jit3A_1133 : i32
          %sign3A_1135 = arith.constant 0 : i32
          %sign3A_1136 = arith.cmpi sgt, %add3A_1132, %sign3A_1135 : i32
          %sign3A_1137 = arith.extui %sign3A_1136 : i1 to i32
          %sign3A_1138 = arith.constant 0 : i32
          %sign3A_1139 = arith.cmpi slt, %add3A_1132, %sign3A_1138 : i32
          %sign3A_1140 = arith.extui %sign3A_1139 : i1 to i32
          %sign3A_1141 = arith.subi %sign3A_1137, %sign3A_1140 : i32
          %sign3A_1142 = arith.constant 0 : i32
          %sign3A_1143 = arith.cmpi sgt, %jit3A_1133, %sign3A_1142 : i32
          %sign3A_1144 = arith.extui %sign3A_1143 : i1 to i32
          %sign3A_1145 = arith.constant 0 : i32
          %sign3A_1146 = arith.cmpi slt, %jit3A_1133, %sign3A_1145 : i32
          %sign3A_1147 = arith.extui %sign3A_1146 : i1 to i32
          %sign3A_1148 = arith.subi %sign3A_1144, %sign3A_1147 : i32
          %ne3A_1149 = arith.cmpi ne, %sign3A_1141, %sign3A_1148 : i32
          %rem3A_1150 = arith.remsi %add3A_1132, %jit3A_1133 : i32
          %ne3A_1151 = arith.constant 0 : i32
          %ne3A_1152 = arith.cmpi ne, %rem3A_1150, %ne3A_1151 : i32
          %and3A_1153 = arith.andi %ne3A_1149, %ne3A_1152 : i1
          %sub3A_1154 = arith.constant 1 : i32
          %sub3A_1155 = arith.subi %div3A_1134, %sub3A_1154 : i32
          %select_n3A_1156 = arith.select %and3A_1153, %sub3A_1155, %div3A_1134 : i32
          %jit3A_1157 = arith.constant 40 : i32
          %eq3A_1158 = arith.constant 0 : i32
          %eq3A_1159 = arith.cmpi eq, %jit3A_1157, %eq3A_1158 : i32
          %jit3A_1160 = arith.constant 1 : i32
          %select_n3A_1161 = arith.select %eq3A_1159, %jit3A_1160, %jit3A_1157 : i32
          %rem3A_1162 = arith.remsi %add3A_1132, %select_n3A_1161 : i32
          %ne3A_1163 = arith.constant 0 : i32
          %ne3A_1164 = arith.cmpi ne, %rem3A_1162, %ne3A_1163 : i32
          %lt3A_1165 = arith.constant 0 : i32
          %lt3A_1166 = arith.cmpi slt, %rem3A_1162, %lt3A_1165 : i32
          %lt3A_1167 = arith.constant 0 : i32
          %lt3A_1168 = arith.cmpi slt, %select_n3A_1161, %lt3A_1167 : i32
          %ne3A_1169 = arith.xori %lt3A_1166, %lt3A_1168 : i1
          %and3A_1170 = arith.andi %ne3A_1169, %ne3A_1164 : i1
          %add3A_1171 = arith.addi %rem3A_1162, %select_n3A_1161 : i32
          %select_n3A_1172 = arith.select %and3A_1170, %add3A_1171, %rem3A_1162 : i32
          %jit3A_1173 = arith.constant 2 : i32
          %eq3A_1174 = arith.constant 0 : i32
          %eq3A_1175 = arith.cmpi eq, %jit3A_1173, %eq3A_1174 : i32
          %jit3A_1176 = arith.constant 1 : i32
          %select_n3A_1177 = arith.select %eq3A_1175, %jit3A_1176, %jit3A_1173 : i32
          %rem3A_1178 = arith.remsi %select_n3A_1156, %select_n3A_1177 : i32
          %ne3A_1179 = arith.constant 0 : i32
          %ne3A_1180 = arith.cmpi ne, %rem3A_1178, %ne3A_1179 : i32
          %lt3A_1181 = arith.constant 0 : i32
          %lt3A_1182 = arith.cmpi slt, %rem3A_1178, %lt3A_1181 : i32
          %lt3A_1183 = arith.constant 0 : i32
          %lt3A_1184 = arith.cmpi slt, %select_n3A_1177, %lt3A_1183 : i32
          %ne3A_1185 = arith.xori %lt3A_1182, %lt3A_1184 : i1
          %and3A_1186 = arith.andi %ne3A_1185, %ne3A_1180 : i1
          %add3A_1187 = arith.addi %rem3A_1178, %select_n3A_1177 : i32
          %select_n3A_1188 = arith.select %and3A_1186, %add3A_1187, %rem3A_1178 : i32
          %dma_start3A_1189 = arith.constant 0 : i32
          %dma_start3A_1190 = arith.constant 2 : i32
          %dma_start3A_1191 = arith.constant 0 : i32
          %dma_start3A_1192 = arith.constant 0 : i32
          %dma_start3A_1193 = tpu.memref_slice %arg6[%dma_start3A_1189, %dma_start3A_1190, %dma_start3A_1191, %dma_start3A_1192] : memref<2x5x128x32xi32, #tpu.memory_space<vmem>> -> memref<1x1x128x32xi32, #tpu.memory_space<vmem>>
          %dma_start3A_1194 = tpu.memref_squeeze %dma_start3A_1193 : memref<1x1x128x32xi32, #tpu.memory_space<vmem>> -> memref<128x32xi32, #tpu.memory_space<vmem>>
          %dma_start3A_1195 = arith.constant 0 : i32
          %dma_start3A_1196 = tpu.memref_slice %arg5[%select_n3A_1188, %select_n3A_1172, %dma_start3A_1195] : memref<2x40x128xi32, #tpu.memory_space<vmem>> -> memref<1x1x128xi32, #tpu.memory_space<vmem>>
          %dma_start3A_1197 = tpu.memref_squeeze %dma_start3A_1196 : memref<1x1x128xi32, #tpu.memory_space<vmem>> -> memref<128xi32, #tpu.memory_space<vmem>>
          %dma_start3A_1198 = arith.constant 0 : i32
          %dma_start3A_1199 = arith.constant 0 : i32
          %dma_start3A_1200 = tpu.memref_slice %arg3[%dma_start3A_1198, %dma_start3A_1199] : memref<1007616x32xi32, #tpu.memory_space<hbm>> -> memref<1007616x32xi32, #tpu.memory_space<hbm>>
          tpu.enqueue_indirect_dma source(%dma_start3A_1200 : memref<1007616x32xi32, #tpu.memory_space<hbm>>) target(%dma_start3A_1194 : memref<128x32xi32, #tpu.memory_space<vmem>>) offsets(%dma_start3A_1197 : memref<128xi32, #tpu.memory_space<vmem>>) semaphore(%arg9 : memref<!tpu.dma_semaphore, #tpu.memory_space<semaphore_mem>>)
          %mul3A_1201 = arith.constant 5 : i32
          %mul3A_1202 = arith.muli %add3A_984, %mul3A_1201 : i32
          %add3A_1203 = arith.constant 3 : i32
          %add3A_1204 = arith.addi %mul3A_1202, %add3A_1203 : i32
          %jit3A_1205 = arith.constant 40 : i32
          %div3A_1206 = arith.divsi %add3A_1204, %jit3A_1205 : i32
          %sign3A_1207 = arith.constant 0 : i32
          %sign3A_1208 = arith.cmpi sgt, %add3A_1204, %sign3A_1207 : i32
          %sign3A_1209 = arith.extui %sign3A_1208 : i1 to i32
          %sign3A_1210 = arith.constant 0 : i32
          %sign3A_1211 = arith.cmpi slt, %add3A_1204, %sign3A_1210 : i32
          %sign3A_1212 = arith.extui %sign3A_1211 : i1 to i32
          %sign3A_1213 = arith.subi %sign3A_1209, %sign3A_1212 : i32
          %sign3A_1214 = arith.constant 0 : i32
          %sign3A_1215 = arith.cmpi sgt, %jit3A_1205, %sign3A_1214 : i32
          %sign3A_1216 = arith.extui %sign3A_1215 : i1 to i32
          %sign3A_1217 = arith.constant 0 : i32
          %sign3A_1218 = arith.cmpi slt, %jit3A_1205, %sign3A_1217 : i32
          %sign3A_1219 = arith.extui %sign3A_1218 : i1 to i32
          %sign3A_1220 = arith.subi %sign3A_1216, %sign3A_1219 : i32
          %ne3A_1221 = arith.cmpi ne, %sign3A_1213, %sign3A_1220 : i32
          %rem3A_1222 = arith.remsi %add3A_1204, %jit3A_1205 : i32
          %ne3A_1223 = arith.constant 0 : i32
          %ne3A_1224 = arith.cmpi ne, %rem3A_1222, %ne3A_1223 : i32
          %and3A_1225 = arith.andi %ne3A_1221, %ne3A_1224 : i1
          %sub3A_1226 = arith.constant 1 : i32
          %sub3A_1227 = arith.subi %div3A_1206, %sub3A_1226 : i32
          %select_n3A_1228 = arith.select %and3A_1225, %sub3A_1227, %div3A_1206 : i32
          %jit3A_1229 = arith.constant 40 : i32
          %eq3A_1230 = arith.constant 0 : i32
          %eq3A_1231 = arith.cmpi eq, %jit3A_1229, %eq3A_1230 : i32
          %jit3A_1232 = arith.constant 1 : i32
          %select_n3A_1233 = arith.select %eq3A_1231, %jit3A_1232, %jit3A_1229 : i32
          %rem3A_1234 = arith.remsi %add3A_1204, %select_n3A_1233 : i32
          %ne3A_1235 = arith.constant 0 : i32
          %ne3A_1236 = arith.cmpi ne, %rem3A_1234, %ne3A_1235 : i32
          %lt3A_1237 = arith.constant 0 : i32
          %lt3A_1238 = arith.cmpi slt, %rem3A_1234, %lt3A_1237 : i32
          %lt3A_1239 = arith.constant 0 : i32
          %lt3A_1240 = arith.cmpi slt, %select_n3A_1233, %lt3A_1239 : i32
          %ne3A_1241 = arith.xori %lt3A_1238, %lt3A_1240 : i1
          %and3A_1242 = arith.andi %ne3A_1241, %ne3A_1236 : i1
          %add3A_1243 = arith.addi %rem3A_1234, %select_n3A_1233 : i32
          %select_n3A_1244 = arith.select %and3A_1242, %add3A_1243, %rem3A_1234 : i32
          %jit3A_1245 = arith.constant 2 : i32
          %eq3A_1246 = arith.constant 0 : i32
          %eq3A_1247 = arith.cmpi eq, %jit3A_1245, %eq3A_1246 : i32
          %jit3A_1248 = arith.constant 1 : i32
          %select_n3A_1249 = arith.select %eq3A_1247, %jit3A_1248, %jit3A_1245 : i32
          %rem3A_1250 = arith.remsi %select_n3A_1228, %select_n3A_1249 : i32
          %ne3A_1251 = arith.constant 0 : i32
          %ne3A_1252 = arith.cmpi ne, %rem3A_1250, %ne3A_1251 : i32
          %lt3A_1253 = arith.constant 0 : i32
          %lt3A_1254 = arith.cmpi slt, %rem3A_1250, %lt3A_1253 : i32
          %lt3A_1255 = arith.constant 0 : i32
          %lt3A_1256 = arith.cmpi slt, %select_n3A_1249, %lt3A_1255 : i32
          %ne3A_1257 = arith.xori %lt3A_1254, %lt3A_1256 : i1
          %and3A_1258 = arith.andi %ne3A_1257, %ne3A_1252 : i1
          %add3A_1259 = arith.addi %rem3A_1250, %select_n3A_1249 : i32
          %select_n3A_1260 = arith.select %and3A_1258, %add3A_1259, %rem3A_1250 : i32
          %dma_start3A_1261 = arith.constant 0 : i32
          %dma_start3A_1262 = arith.constant 3 : i32
          %dma_start3A_1263 = arith.constant 0 : i32
          %dma_start3A_1264 = arith.constant 0 : i32
          %dma_start3A_1265 = tpu.memref_slice %arg6[%dma_start3A_1261, %dma_start3A_1262, %dma_start3A_1263, %dma_start3A_1264] : memref<2x5x128x32xi32, #tpu.memory_space<vmem>> -> memref<1x1x128x32xi32, #tpu.memory_space<vmem>>
          %dma_start3A_1266 = tpu.memref_squeeze %dma_start3A_1265 : memref<1x1x128x32xi32, #tpu.memory_space<vmem>> -> memref<128x32xi32, #tpu.memory_space<vmem>>
          %dma_start3A_1267 = arith.constant 0 : i32
          %dma_start3A_1268 = tpu.memref_slice %arg5[%select_n3A_1260, %select_n3A_1244, %dma_start3A_1267] : memref<2x40x128xi32, #tpu.memory_space<vmem>> -> memref<1x1x128xi32, #tpu.memory_space<vmem>>
          %dma_start3A_1269 = tpu.memref_squeeze %dma_start3A_1268 : memref<1x1x128xi32, #tpu.memory_space<vmem>> -> memref<128xi32, #tpu.memory_space<vmem>>
          %dma_start3A_1270 = arith.constant 0 : i32
          %dma_start3A_1271 = arith.constant 0 : i32
          %dma_start3A_1272 = tpu.memref_slice %arg3[%dma_start3A_1270, %dma_start3A_1271] : memref<1007616x32xi32, #tpu.memory_space<hbm>> -> memref<1007616x32xi32, #tpu.memory_space<hbm>>
          tpu.enqueue_indirect_dma source(%dma_start3A_1272 : memref<1007616x32xi32, #tpu.memory_space<hbm>>) target(%dma_start3A_1266 : memref<128x32xi32, #tpu.memory_space<vmem>>) offsets(%dma_start3A_1269 : memref<128xi32, #tpu.memory_space<vmem>>) semaphore(%arg9 : memref<!tpu.dma_semaphore, #tpu.memory_space<semaphore_mem>>)
          %mul3A_1273 = arith.constant 5 : i32
          %mul3A_1274 = arith.muli %add3A_984, %mul3A_1273 : i32
          %add3A_1275 = arith.constant 4 : i32
          %add3A_1276 = arith.addi %mul3A_1274, %add3A_1275 : i32
          %jit3A_1277 = arith.constant 40 : i32
          %div3A_1278 = arith.divsi %add3A_1276, %jit3A_1277 : i32
          %sign3A_1279 = arith.constant 0 : i32
          %sign3A_1280 = arith.cmpi sgt, %add3A_1276, %sign3A_1279 : i32
          %sign3A_1281 = arith.extui %sign3A_1280 : i1 to i32
          %sign3A_1282 = arith.constant 0 : i32
          %sign3A_1283 = arith.cmpi slt, %add3A_1276, %sign3A_1282 : i32
          %sign3A_1284 = arith.extui %sign3A_1283 : i1 to i32
          %sign3A_1285 = arith.subi %sign3A_1281, %sign3A_1284 : i32
          %sign3A_1286 = arith.constant 0 : i32
          %sign3A_1287 = arith.cmpi sgt, %jit3A_1277, %sign3A_1286 : i32
          %sign3A_1288 = arith.extui %sign3A_1287 : i1 to i32
          %sign3A_1289 = arith.constant 0 : i32
          %sign3A_1290 = arith.cmpi slt, %jit3A_1277, %sign3A_1289 : i32
          %sign3A_1291 = arith.extui %sign3A_1290 : i1 to i32
          %sign3A_1292 = arith.subi %sign3A_1288, %sign3A_1291 : i32
          %ne3A_1293 = arith.cmpi ne, %sign3A_1285, %sign3A_1292 : i32
          %rem3A_1294 = arith.remsi %add3A_1276, %jit3A_1277 : i32
          %ne3A_1295 = arith.constant 0 : i32
          %ne3A_1296 = arith.cmpi ne, %rem3A_1294, %ne3A_1295 : i32
          %and3A_1297 = arith.andi %ne3A_1293, %ne3A_1296 : i1
          %sub3A_1298 = arith.constant 1 : i32
          %sub3A_1299 = arith.subi %div3A_1278, %sub3A_1298 : i32
          %select_n3A_1300 = arith.select %and3A_1297, %sub3A_1299, %div3A_1278 : i32
          %jit3A_1301 = arith.constant 40 : i32
          %eq3A_1302 = arith.constant 0 : i32
          %eq3A_1303 = arith.cmpi eq, %jit3A_1301, %eq3A_1302 : i32
          %jit3A_1304 = arith.constant 1 : i32
          %select_n3A_1305 = arith.select %eq3A_1303, %jit3A_1304, %jit3A_1301 : i32
          %rem3A_1306 = arith.remsi %add3A_1276, %select_n3A_1305 : i32
          %ne3A_1307 = arith.constant 0 : i32
          %ne3A_1308 = arith.cmpi ne, %rem3A_1306, %ne3A_1307 : i32
          %lt3A_1309 = arith.constant 0 : i32
          %lt3A_1310 = arith.cmpi slt, %rem3A_1306, %lt3A_1309 : i32
          %lt3A_1311 = arith.constant 0 : i32
          %lt3A_1312 = arith.cmpi slt, %select_n3A_1305, %lt3A_1311 : i32
          %ne3A_1313 = arith.xori %lt3A_1310, %lt3A_1312 : i1
          %and3A_1314 = arith.andi %ne3A_1313, %ne3A_1308 : i1
          %add3A_1315 = arith.addi %rem3A_1306, %select_n3A_1305 : i32
          %select_n3A_1316 = arith.select %and3A_1314, %add3A_1315, %rem3A_1306 : i32
          %jit3A_1317 = arith.constant 2 : i32
          %eq3A_1318 = arith.constant 0 : i32
          %eq3A_1319 = arith.cmpi eq, %jit3A_1317, %eq3A_1318 : i32
          %jit3A_1320 = arith.constant 1 : i32
          %select_n3A_1321 = arith.select %eq3A_1319, %jit3A_1320, %jit3A_1317 : i32
          %rem3A_1322 = arith.remsi %select_n3A_1300, %select_n3A_1321 : i32
          %ne3A_1323 = arith.constant 0 : i32
          %ne3A_1324 = arith.cmpi ne, %rem3A_1322, %ne3A_1323 : i32
          %lt3A_1325 = arith.constant 0 : i32
          %lt3A_1326 = arith.cmpi slt, %rem3A_1322, %lt3A_1325 : i32
          %lt3A_1327 = arith.constant 0 : i32
          %lt3A_1328 = arith.cmpi slt, %select_n3A_1321, %lt3A_1327 : i32
          %ne3A_1329 = arith.xori %lt3A_1326, %lt3A_1328 : i1
          %and3A_1330 = arith.andi %ne3A_1329, %ne3A_1324 : i1
          %add3A_1331 = arith.addi %rem3A_1322, %select_n3A_1321 : i32
          %select_n3A_1332 = arith.select %and3A_1330, %add3A_1331, %rem3A_1322 : i32
          %dma_start3A_1333 = arith.constant 0 : i32
          %dma_start3A_1334 = arith.constant 4 : i32
          %dma_start3A_1335 = arith.constant 0 : i32
          %dma_start3A_1336 = arith.constant 0 : i32
          %dma_start3A_1337 = tpu.memref_slice %arg6[%dma_start3A_1333, %dma_start3A_1334, %dma_start3A_1335, %dma_start3A_1336] : memref<2x5x128x32xi32, #tpu.memory_space<vmem>> -> memref<1x1x128x32xi32, #tpu.memory_space<vmem>>
          %dma_start3A_1338 = tpu.memref_squeeze %dma_start3A_1337 : memref<1x1x128x32xi32, #tpu.memory_space<vmem>> -> memref<128x32xi32, #tpu.memory_space<vmem>>
          %dma_start3A_1339 = arith.constant 0 : i32
          %dma_start3A_1340 = tpu.memref_slice %arg5[%select_n3A_1332, %select_n3A_1316, %dma_start3A_1339] : memref<2x40x128xi32, #tpu.memory_space<vmem>> -> memref<1x1x128xi32, #tpu.memory_space<vmem>>
          %dma_start3A_1341 = tpu.memref_squeeze %dma_start3A_1340 : memref<1x1x128xi32, #tpu.memory_space<vmem>> -> memref<128xi32, #tpu.memory_space<vmem>>
          %dma_start3A_1342 = arith.constant 0 : i32
          %dma_start3A_1343 = arith.constant 0 : i32
          %dma_start3A_1344 = tpu.memref_slice %arg3[%dma_start3A_1342, %dma_start3A_1343] : memref<1007616x32xi32, #tpu.memory_space<hbm>> -> memref<1007616x32xi32, #tpu.memory_space<hbm>>
          tpu.enqueue_indirect_dma source(%dma_start3A_1344 : memref<1007616x32xi32, #tpu.memory_space<hbm>>) target(%dma_start3A_1338 : memref<128x32xi32, #tpu.memory_space<vmem>>) offsets(%dma_start3A_1341 : memref<128xi32, #tpu.memory_space<vmem>>) semaphore(%arg9 : memref<!tpu.dma_semaphore, #tpu.memory_space<semaphore_mem>>)
        } else {
        }
        %dma_wait3A_895 = arith.constant 1 : i32
        %dma_wait3A_896 = arith.constant 0 : i32
        %dma_wait3A_897 = arith.constant 0 : i32
        %dma_wait3A_898 = arith.constant 0 : i32
        %dma_wait3A_899 = tpu.memref_slice %arg6[%dma_wait3A_895, %dma_wait3A_896, %dma_wait3A_897, %dma_wait3A_898] : memref<2x5x128x32xi32, #tpu.memory_space<vmem>> -> memref<1x1x128x32xi32, #tpu.memory_space<vmem>>
        %dma_wait3A_900 = tpu.memref_squeeze %dma_wait3A_899 : memref<1x1x128x32xi32, #tpu.memory_space<vmem>> -> memref<128x32xi32, #tpu.memory_space<vmem>>
        %dma_wait3A_901 = arith.constant 0 : i32
        %dma_wait3A_902 = arith.constant 0 : i32
        %dma_wait3A_903 = tpu.memref_slice %arg3[%dma_wait3A_901, %dma_wait3A_902] : memref<1007616x32xi32, #tpu.memory_space<hbm>> -> memref<128x32xi32, #tpu.memory_space<hbm>>
        %dma_wait3A_904 = arith.constant 0 : i32
        %dma_wait3A_905 = arith.constant 0 : i32
        %dma_wait3A_906 = tpu.memref_slice %arg6[%dma_wait3A_895, %dma_wait3A_896, %dma_wait3A_904, %dma_wait3A_905] : memref<2x5x128x32xi32, #tpu.memory_space<vmem>> -> memref<1x1x128x32xi32, #tpu.memory_space<vmem>>
        %dma_wait3A_907 = tpu.memref_squeeze %dma_wait3A_906 : memref<1x1x128x32xi32, #tpu.memory_space<vmem>> -> memref<128x32xi32, #tpu.memory_space<vmem>>
        %dma_wait3A_908 = arith.constant 0 : i32
        %dma_wait3A_909 = arith.constant 0 : i32
        %dma_wait3A_910 = tpu.memref_slice %arg3[%dma_wait3A_908, %dma_wait3A_909] : memref<1007616x32xi32, #tpu.memory_space<hbm>> -> memref<128x32xi32, #tpu.memory_space<hbm>>
        tpu.wait_dma2 semaphore(%arg10 : memref<!tpu.dma_semaphore, #tpu.memory_space<semaphore_mem>>) src(%dma_wait3A_910 : memref<128x32xi32, #tpu.memory_space<hbm>>) dst(%dma_wait3A_907 : memref<128x32xi32, #tpu.memory_space<vmem>>)
        %dma_wait3A_911 = arith.constant 1 : i32
        %dma_wait3A_912 = arith.constant 1 : i32
        %dma_wait3A_913 = arith.constant 0 : i32
        %dma_wait3A_914 = arith.constant 0 : i32
        %dma_wait3A_915 = tpu.memref_slice %arg6[%dma_wait3A_911, %dma_wait3A_912, %dma_wait3A_913, %dma_wait3A_914] : memref<2x5x128x32xi32, #tpu.memory_space<vmem>> -> memref<1x1x128x32xi32, #tpu.memory_space<vmem>>
        %dma_wait3A_916 = tpu.memref_squeeze %dma_wait3A_915 : memref<1x1x128x32xi32, #tpu.memory_space<vmem>> -> memref<128x32xi32, #tpu.memory_space<vmem>>
        %dma_wait3A_917 = arith.constant 0 : i32
        %dma_wait3A_918 = arith.constant 0 : i32
        %dma_wait3A_919 = tpu.memref_slice %arg3[%dma_wait3A_917, %dma_wait3A_918] : memref<1007616x32xi32, #tpu.memory_space<hbm>> -> memref<128x32xi32, #tpu.memory_space<hbm>>
        %dma_wait3A_920 = arith.constant 0 : i32
        %dma_wait3A_921 = arith.constant 0 : i32
        %dma_wait3A_922 = tpu.memref_slice %arg6[%dma_wait3A_911, %dma_wait3A_912, %dma_wait3A_920, %dma_wait3A_921] : memref<2x5x128x32xi32, #tpu.memory_space<vmem>> -> memref<1x1x128x32xi32, #tpu.memory_space<vmem>>
        %dma_wait3A_923 = tpu.memref_squeeze %dma_wait3A_922 : memref<1x1x128x32xi32, #tpu.memory_space<vmem>> -> memref<128x32xi32, #tpu.memory_space<vmem>>
        %dma_wait3A_924 = arith.constant 0 : i32
        %dma_wait3A_925 = arith.constant 0 : i32
        %dma_wait3A_926 = tpu.memref_slice %arg3[%dma_wait3A_924, %dma_wait3A_925] : memref<1007616x32xi32, #tpu.memory_space<hbm>> -> memref<128x32xi32, #tpu.memory_space<hbm>>
        tpu.wait_dma2 semaphore(%arg10 : memref<!tpu.dma_semaphore, #tpu.memory_space<semaphore_mem>>) src(%dma_wait3A_926 : memref<128x32xi32, #tpu.memory_space<hbm>>) dst(%dma_wait3A_923 : memref<128x32xi32, #tpu.memory_space<vmem>>)
        %dma_wait3A_927 = arith.constant 1 : i32
        %dma_wait3A_928 = arith.constant 2 : i32
        %dma_wait3A_929 = arith.constant 0 : i32
        %dma_wait3A_930 = arith.constant 0 : i32
        %dma_wait3A_931 = tpu.memref_slice %arg6[%dma_wait3A_927, %dma_wait3A_928, %dma_wait3A_929, %dma_wait3A_930] : memref<2x5x128x32xi32, #tpu.memory_space<vmem>> -> memref<1x1x128x32xi32, #tpu.memory_space<vmem>>
        %dma_wait3A_932 = tpu.memref_squeeze %dma_wait3A_931 : memref<1x1x128x32xi32, #tpu.memory_space<vmem>> -> memref<128x32xi32, #tpu.memory_space<vmem>>
        %dma_wait3A_933 = arith.constant 0 : i32
        %dma_wait3A_934 = arith.constant 0 : i32
        %dma_wait3A_935 = tpu.memref_slice %arg3[%dma_wait3A_933, %dma_wait3A_934] : memref<1007616x32xi32, #tpu.memory_space<hbm>> -> memref<128x32xi32, #tpu.memory_space<hbm>>
        %dma_wait3A_936 = arith.constant 0 : i32
        %dma_wait3A_937 = arith.constant 0 : i32
        %dma_wait3A_938 = tpu.memref_slice %arg6[%dma_wait3A_927, %dma_wait3A_928, %dma_wait3A_936, %dma_wait3A_937] : memref<2x5x128x32xi32, #tpu.memory_space<vmem>> -> memref<1x1x128x32xi32, #tpu.memory_space<vmem>>
        %dma_wait3A_939 = tpu.memref_squeeze %dma_wait3A_938 : memref<1x1x128x32xi32, #tpu.memory_space<vmem>> -> memref<128x32xi32, #tpu.memory_space<vmem>>
        %dma_wait3A_940 = arith.constant 0 : i32
        %dma_wait3A_941 = arith.constant 0 : i32
        %dma_wait3A_942 = tpu.memref_slice %arg3[%dma_wait3A_940, %dma_wait3A_941] : memref<1007616x32xi32, #tpu.memory_space<hbm>> -> memref<128x32xi32, #tpu.memory_space<hbm>>
        tpu.wait_dma2 semaphore(%arg10 : memref<!tpu.dma_semaphore, #tpu.memory_space<semaphore_mem>>) src(%dma_wait3A_942 : memref<128x32xi32, #tpu.memory_space<hbm>>) dst(%dma_wait3A_939 : memref<128x32xi32, #tpu.memory_space<vmem>>)
        %dma_wait3A_943 = arith.constant 1 : i32
        %dma_wait3A_944 = arith.constant 3 : i32
        %dma_wait3A_945 = arith.constant 0 : i32
        %dma_wait3A_946 = arith.constant 0 : i32
        %dma_wait3A_947 = tpu.memref_slice %arg6[%dma_wait3A_943, %dma_wait3A_944, %dma_wait3A_945, %dma_wait3A_946] : memref<2x5x128x32xi32, #tpu.memory_space<vmem>> -> memref<1x1x128x32xi32, #tpu.memory_space<vmem>>
        %dma_wait3A_948 = tpu.memref_squeeze %dma_wait3A_947 : memref<1x1x128x32xi32, #tpu.memory_space<vmem>> -> memref<128x32xi32, #tpu.memory_space<vmem>>
        %dma_wait3A_949 = arith.constant 0 : i32
        %dma_wait3A_950 = arith.constant 0 : i32
        %dma_wait3A_951 = tpu.memref_slice %arg3[%dma_wait3A_949, %dma_wait3A_950] : memref<1007616x32xi32, #tpu.memory_space<hbm>> -> memref<128x32xi32, #tpu.memory_space<hbm>>
        %dma_wait3A_952 = arith.constant 0 : i32
        %dma_wait3A_953 = arith.constant 0 : i32
        %dma_wait3A_954 = tpu.memref_slice %arg6[%dma_wait3A_943, %dma_wait3A_944, %dma_wait3A_952, %dma_wait3A_953] : memref<2x5x128x32xi32, #tpu.memory_space<vmem>> -> memref<1x1x128x32xi32, #tpu.memory_space<vmem>>
        %dma_wait3A_955 = tpu.memref_squeeze %dma_wait3A_954 : memref<1x1x128x32xi32, #tpu.memory_space<vmem>> -> memref<128x32xi32, #tpu.memory_space<vmem>>
        %dma_wait3A_956 = arith.constant 0 : i32
        %dma_wait3A_957 = arith.constant 0 : i32
        %dma_wait3A_958 = tpu.memref_slice %arg3[%dma_wait3A_956, %dma_wait3A_957] : memref<1007616x32xi32, #tpu.memory_space<hbm>> -> memref<128x32xi32, #tpu.memory_space<hbm>>
        tpu.wait_dma2 semaphore(%arg10 : memref<!tpu.dma_semaphore, #tpu.memory_space<semaphore_mem>>) src(%dma_wait3A_958 : memref<128x32xi32, #tpu.memory_space<hbm>>) dst(%dma_wait3A_955 : memref<128x32xi32, #tpu.memory_space<vmem>>)
        %dma_wait3A_959 = arith.constant 1 : i32
        %dma_wait3A_960 = arith.constant 4 : i32
        %dma_wait3A_961 = arith.constant 0 : i32
        %dma_wait3A_962 = arith.constant 0 : i32
        %dma_wait3A_963 = tpu.memref_slice %arg6[%dma_wait3A_959, %dma_wait3A_960, %dma_wait3A_961, %dma_wait3A_962] : memref<2x5x128x32xi32, #tpu.memory_space<vmem>> -> memref<1x1x128x32xi32, #tpu.memory_space<vmem>>
        %dma_wait3A_964 = tpu.memref_squeeze %dma_wait3A_963 : memref<1x1x128x32xi32, #tpu.memory_space<vmem>> -> memref<128x32xi32, #tpu.memory_space<vmem>>
        %dma_wait3A_965 = arith.constant 0 : i32
        %dma_wait3A_966 = arith.constant 0 : i32
        %dma_wait3A_967 = tpu.memref_slice %arg3[%dma_wait3A_965, %dma_wait3A_966] : memref<1007616x32xi32, #tpu.memory_space<hbm>> -> memref<128x32xi32, #tpu.memory_space<hbm>>
        %dma_wait3A_968 = arith.constant 0 : i32
        %dma_wait3A_969 = arith.constant 0 : i32
        %dma_wait3A_970 = tpu.memref_slice %arg6[%dma_wait3A_959, %dma_wait3A_960, %dma_wait3A_968, %dma_wait3A_969] : memref<2x5x128x32xi32, #tpu.memory_space<vmem>> -> memref<1x1x128x32xi32, #tpu.memory_space<vmem>>
        %dma_wait3A_971 = tpu.memref_squeeze %dma_wait3A_970 : memref<1x1x128x32xi32, #tpu.memory_space<vmem>> -> memref<128x32xi32, #tpu.memory_space<vmem>>
        %dma_wait3A_972 = arith.constant 0 : i32
        %dma_wait3A_973 = arith.constant 0 : i32
        %dma_wait3A_974 = tpu.memref_slice %arg3[%dma_wait3A_972, %dma_wait3A_973] : memref<1007616x32xi32, #tpu.memory_space<hbm>> -> memref<128x32xi32, #tpu.memory_space<hbm>>
        tpu.wait_dma2 semaphore(%arg10 : memref<!tpu.dma_semaphore, #tpu.memory_space<semaphore_mem>>) src(%dma_wait3A_974 : memref<128x32xi32, #tpu.memory_space<hbm>>) dst(%dma_wait3A_971 : memref<128x32xi32, #tpu.memory_space<vmem>>)
        %scan3A_975 = arith.constant 0 : i32
        %scan3A_976 = arith.constant 0 : i32
        %scan3A_977 = arith.constant 64 : i32
        %scan3A_978 = arith.addi %scan3A_976, %scan3A_977 : i32
        %scan3A_979 = arith.constant 1 : i32
        %scan3A_980 = scf.for %scan3A_983 = %scan3A_976 to %scan3A_978 step %scan3A_979 iter_args(%scan3A_984 = %scan3A_975) -> (i32)  : i32 {
          %mul3A_985 = arith.constant 2 : i32
          %mul3A_986 = arith.muli %scan3A_983, %mul3A_985 : i32
          %add3A_987 = arith.constant 0 : i32
          %add3A_988 = arith.addi %mul3A_986, %add3A_987 : i32
          %get3A = arith.index_cast %add3A_988 : i32 to index
          %get3A_989 = arith.constant 0 : index
          %get3A_990 = tpu.vector_load %arg7[%get3A, %get3A_989] {strides = array<i32>} : memref<128x64xf32, #tpu.memory_space<vmem>>, vector<16xf32>,
          %get3A_991 = arith.index_cast %add3A_988 : i32 to index
          %get3A_992 = arith.constant 16 : index
          %get3A_993 = tpu.vector_load %arg7[%get3A_991, %get3A_992] {strides = array<i32>} : memref<128x64xf32, #tpu.memory_space<vmem>>, vector<16xf32>,
          %get3A_994 = arith.constant 1 : i32
          %get3A_995 = arith.constant 0 : i32
          %get3A_996 = arith.index_cast %get3A_994 : i32 to index
          %get3A_997 = arith.index_cast %get3A_995 : i32 to index
          %get3A_998 = arith.index_cast %add3A_988 : i32 to index
          %get3A_999 = arith.constant 0 : index
          %get3A_1000 = tpu.vector_load %arg6[%get3A_996, %get3A_997, %get3A_998, %get3A_999] {strides = array<i32>} : memref<2x5x128x32xi32, #tpu.memory_space<vmem>>, vector<16xi32>,
          %shift_left3A = arith.constant 16 : i32
          %shift_left3A_1001 = vector.broadcast %shift_left3A : i32 to vector<16xi32>
          %shift_left3A_1002 = arith.shli %get3A_1000, %shift_left3A_1001 : vector<16xi32>
          %bitcast3A = vector.bitcast %shift_left3A_1002 : vector<16xi32> to vector<16xf32>
          %and3A_1003 = arith.andi %get3A_1000, %broadcast_in_dim3A_5 : vector<16xi32>
          %bitcast3A_1004 = vector.bitcast %and3A_1003 : vector<16xi32> to vector<16xf32>
          %add3A_1005 = arith.addf %get3A_990, %bitcast3A : vector<16xf32>
          %add3A_1006 = arith.addf %get3A_993, %bitcast3A_1004 : vector<16xf32>
          %get3A_1007 = arith.constant 1 : i32
          %get3A_1008 = arith.constant 1 : i32
          %get3A_1009 = arith.index_cast %get3A_1007 : i32 to index
          %get3A_1010 = arith.index_cast %get3A_1008 : i32 to index
          %get3A_1011 = arith.index_cast %add3A_988 : i32 to index
          %get3A_1012 = arith.constant 0 : index
          %get3A_1013 = tpu.vector_load %arg6[%get3A_1009, %get3A_1010, %get3A_1011, %get3A_1012] {strides = array<i32>} : memref<2x5x128x32xi32, #tpu.memory_space<vmem>>, vector<16xi32>,
          %shift_left3A_1014 = arith.constant 16 : i32
          %shift_left3A_1015 = vector.broadcast %shift_left3A_1014 : i32 to vector<16xi32>
          %shift_left3A_1016 = arith.shli %get3A_1013, %shift_left3A_1015 : vector<16xi32>
          %bitcast3A_1017 = vector.bitcast %shift_left3A_1016 : vector<16xi32> to vector<16xf32>
          %and3A_1018 = arith.andi %get3A_1013, %broadcast_in_dim3A_5 : vector<16xi32>
          %bitcast3A_1019 = vector.bitcast %and3A_1018 : vector<16xi32> to vector<16xf32>
          %add3A_1020 = arith.addf %add3A_1005, %bitcast3A_1017 : vector<16xf32>
          %add3A_1021 = arith.addf %add3A_1006, %bitcast3A_1019 : vector<16xf32>
          %get3A_1022 = arith.constant 1 : i32
          %get3A_1023 = arith.constant 2 : i32
          %get3A_1024 = arith.index_cast %get3A_1022 : i32 to index
          %get3A_1025 = arith.index_cast %get3A_1023 : i32 to index
          %get3A_1026 = arith.index_cast %add3A_988 : i32 to index
          %get3A_1027 = arith.constant 0 : index
          %get3A_1028 = tpu.vector_load %arg6[%get3A_1024, %get3A_1025, %get3A_1026, %get3A_1027] {strides = array<i32>} : memref<2x5x128x32xi32, #tpu.memory_space<vmem>>, vector<16xi32>,
          %shift_left3A_1029 = arith.constant 16 : i32
          %shift_left3A_1030 = vector.broadcast %shift_left3A_1029 : i32 to vector<16xi32>
          %shift_left3A_1031 = arith.shli %get3A_1028, %shift_left3A_1030 : vector<16xi32>
          %bitcast3A_1032 = vector.bitcast %shift_left3A_1031 : vector<16xi32> to vector<16xf32>
          %and3A_1033 = arith.andi %get3A_1028, %broadcast_in_dim3A_5 : vector<16xi32>
          %bitcast3A_1034 = vector.bitcast %and3A_1033 : vector<16xi32> to vector<16xf32>
          %add3A_1035 = arith.addf %add3A_1020, %bitcast3A_1032 : vector<16xf32>
          %add3A_1036 = arith.addf %add3A_1021, %bitcast3A_1034 : vector<16xf32>
          %get3A_1037 = arith.constant 1 : i32
          %get3A_1038 = arith.constant 3 : i32
          %get3A_1039 = arith.index_cast %get3A_1037 : i32 to index
          %get3A_1040 = arith.index_cast %get3A_1038 : i32 to index
          %get3A_1041 = arith.index_cast %add3A_988 : i32 to index
          %get3A_1042 = arith.constant 0 : index
          %get3A_1043 = tpu.vector_load %arg6[%get3A_1039, %get3A_1040, %get3A_1041, %get3A_1042] {strides = array<i32>} : memref<2x5x128x32xi32, #tpu.memory_space<vmem>>, vector<16xi32>,
          %shift_left3A_1044 = arith.constant 16 : i32
          %shift_left3A_1045 = vector.broadcast %shift_left3A_1044 : i32 to vector<16xi32>
          %shift_left3A_1046 = arith.shli %get3A_1043, %shift_left3A_1045 : vector<16xi32>
          %bitcast3A_1047 = vector.bitcast %shift_left3A_1046 : vector<16xi32> to vector<16xf32>
          %and3A_1048 = arith.andi %get3A_1043, %broadcast_in_dim3A_5 : vector<16xi32>
          %bitcast3A_1049 = vector.bitcast %and3A_1048 : vector<16xi32> to vector<16xf32>
          %add3A_1050 = arith.addf %add3A_1035, %bitcast3A_1047 : vector<16xf32>
          %add3A_1051 = arith.addf %add3A_1036, %bitcast3A_1049 : vector<16xf32>
          %get3A_1052 = arith.constant 1 : i32
          %get3A_1053 = arith.constant 4 : i32
          %get3A_1054 = arith.index_cast %get3A_1052 : i32 to index
          %get3A_1055 = arith.index_cast %get3A_1053 : i32 to index
          %get3A_1056 = arith.index_cast %add3A_988 : i32 to index
          %get3A_1057 = arith.constant 0 : index
          %get3A_1058 = tpu.vector_load %arg6[%get3A_1054, %get3A_1055, %get3A_1056, %get3A_1057] {strides = array<i32>} : memref<2x5x128x32xi32, #tpu.memory_space<vmem>>, vector<16xi32>,
          %shift_left3A_1059 = arith.constant 16 : i32
          %shift_left3A_1060 = vector.broadcast %shift_left3A_1059 : i32 to vector<16xi32>
          %shift_left3A_1061 = arith.shli %get3A_1058, %shift_left3A_1060 : vector<16xi32>
          %bitcast3A_1062 = vector.bitcast %shift_left3A_1061 : vector<16xi32> to vector<16xf32>
          %and3A_1063 = arith.andi %get3A_1058, %broadcast_in_dim3A_5 : vector<16xi32>
          %bitcast3A_1064 = vector.bitcast %and3A_1063 : vector<16xi32> to vector<16xf32>
          %add3A_1065 = arith.addf %add3A_1050, %bitcast3A_1062 : vector<16xf32>
          %add3A_1066 = arith.addf %add3A_1051, %bitcast3A_1064 : vector<16xf32>
          %swap3A = arith.index_cast %add3A_988 : i32 to index
          %swap3A_1067 = arith.constant 0 : index
          %swap3A_1068 = tpu.vector_load %arg7[%swap3A, %swap3A_1067] {strides = array<i32>} : memref<128x64xf32, #tpu.memory_space<vmem>>, vector<16xf32>,
          tpu.vector_store %arg7[%swap3A, %swap3A_1067], %add3A_1065 {strides = array<i32>} : memref<128x64xf32, #tpu.memory_space<vmem>>, vector<16xf32>,
          %swap3A_1069 = arith.index_cast %add3A_988 : i32 to index
          %swap3A_1070 = arith.constant 16 : index
          %swap3A_1071 = tpu.vector_load %arg7[%swap3A_1069, %swap3A_1070] {strides = array<i32>} : memref<128x64xf32, #tpu.memory_space<vmem>>, vector<16xf32>,
          tpu.vector_store %arg7[%swap3A_1069, %swap3A_1070], %add3A_1066 {strides = array<i32>} : memref<128x64xf32, #tpu.memory_space<vmem>>, vector<16xf32>,
          %get3A_1072 = arith.index_cast %add3A_988 : i32 to index
          %get3A_1073 = arith.constant 32 : index
          %get3A_1074 = tpu.vector_load %arg7[%get3A_1072, %get3A_1073] {strides = array<i32>} : memref<128x64xf32, #tpu.memory_space<vmem>>, vector<16xf32>,
          %get3A_1075 = arith.index_cast %add3A_988 : i32 to index
          %get3A_1076 = arith.constant 48 : index
          %get3A_1077 = tpu.vector_load %arg7[%get3A_1075, %get3A_1076] {strides = array<i32>} : memref<128x64xf32, #tpu.memory_space<vmem>>, vector<16xf32>,
          %get3A_1078 = arith.constant 1 : i32
          %get3A_1079 = arith.constant 0 : i32
          %get3A_1080 = arith.index_cast %get3A_1078 : i32 to index
          %get3A_1081 = arith.index_cast %get3A_1079 : i32 to index
          %get3A_1082 = arith.index_cast %add3A_988 : i32 to index
          %get3A_1083 = arith.constant 16 : index
          %get3A_1084 = tpu.vector_load %arg6[%get3A_1080, %get3A_1081, %get3A_1082, %get3A_1083] {strides = array<i32>} : memref<2x5x128x32xi32, #tpu.memory_space<vmem>>, vector<16xi32>,
          %shift_left3A_1085 = arith.constant 16 : i32
          %shift_left3A_1086 = vector.broadcast %shift_left3A_1085 : i32 to vector<16xi32>
          %shift_left3A_1087 = arith.shli %get3A_1084, %shift_left3A_1086 : vector<16xi32>
          %bitcast3A_1088 = vector.bitcast %shift_left3A_1087 : vector<16xi32> to vector<16xf32>
          %and3A_1089 = arith.andi %get3A_1084, %broadcast_in_dim3A_5 : vector<16xi32>
          %bitcast3A_1090 = vector.bitcast %and3A_1089 : vector<16xi32> to vector<16xf32>
          %add3A_1091 = arith.addf %get3A_1074, %bitcast3A_1088 : vector<16xf32>
          %add3A_1092 = arith.addf %get3A_1077, %bitcast3A_1090 : vector<16xf32>
          %get3A_1093 = arith.constant 1 : i32
          %get3A_1094 = arith.constant 1 : i32
          %get3A_1095 = arith.index_cast %get3A_1093 : i32 to index
          %get3A_1096 = arith.index_cast %get3A_1094 : i32 to index
          %get3A_1097 = arith.index_cast %add3A_988 : i32 to index
          %get3A_1098 = arith.constant 16 : index
          %get3A_1099 = tpu.vector_load %arg6[%get3A_1095, %get3A_1096, %get3A_1097, %get3A_1098] {strides = array<i32>} : memref<2x5x128x32xi32, #tpu.memory_space<vmem>>, vector<16xi32>,
          %shift_left3A_1100 = arith.constant 16 : i32
          %shift_left3A_1101 = vector.broadcast %shift_left3A_1100 : i32 to vector<16xi32>
          %shift_left3A_1102 = arith.shli %get3A_1099, %shift_left3A_1101 : vector<16xi32>
          %bitcast3A_1103 = vector.bitcast %shift_left3A_1102 : vector<16xi32> to vector<16xf32>
          %and3A_1104 = arith.andi %get3A_1099, %broadcast_in_dim3A_5 : vector<16xi32>
          %bitcast3A_1105 = vector.bitcast %and3A_1104 : vector<16xi32> to vector<16xf32>
          %add3A_1106 = arith.addf %add3A_1091, %bitcast3A_1103 : vector<16xf32>
          %add3A_1107 = arith.addf %add3A_1092, %bitcast3A_1105 : vector<16xf32>
          %get3A_1108 = arith.constant 1 : i32
          %get3A_1109 = arith.constant 2 : i32
          %get3A_1110 = arith.index_cast %get3A_1108 : i32 to index
          %get3A_1111 = arith.index_cast %get3A_1109 : i32 to index
          %get3A_1112 = arith.index_cast %add3A_988 : i32 to index
          %get3A_1113 = arith.constant 16 : index
          %get3A_1114 = tpu.vector_load %arg6[%get3A_1110, %get3A_1111, %get3A_1112, %get3A_1113] {strides = array<i32>} : memref<2x5x128x32xi32, #tpu.memory_space<vmem>>, vector<16xi32>,
          %shift_left3A_1115 = arith.constant 16 : i32
          %shift_left3A_1116 = vector.broadcast %shift_left3A_1115 : i32 to vector<16xi32>
          %shift_left3A_1117 = arith.shli %get3A_1114, %shift_left3A_1116 : vector<16xi32>
          %bitcast3A_1118 = vector.bitcast %shift_left3A_1117 : vector<16xi32> to vector<16xf32>
          %and3A_1119 = arith.andi %get3A_1114, %broadcast_in_dim3A_5 : vector<16xi32>
          %bitcast3A_1120 = vector.bitcast %and3A_1119 : vector<16xi32> to vector<16xf32>
          %add3A_1121 = arith.addf %add3A_1106, %bitcast3A_1118 : vector<16xf32>
          %add3A_1122 = arith.addf %add3A_1107, %bitcast3A_1120 : vector<16xf32>
          %get3A_1123 = arith.constant 1 : i32
          %get3A_1124 = arith.constant 3 : i32
          %get3A_1125 = arith.index_cast %get3A_1123 : i32 to index
          %get3A_1126 = arith.index_cast %get3A_1124 : i32 to index
          %get3A_1127 = arith.index_cast %add3A_988 : i32 to index
          %get3A_1128 = arith.constant 16 : index
          %get3A_1129 = tpu.vector_load %arg6[%get3A_1125, %get3A_1126, %get3A_1127, %get3A_1128] {strides = array<i32>} : memref<2x5x128x32xi32, #tpu.memory_space<vmem>>, vector<16xi32>,
          %shift_left3A_1130 = arith.constant 16 : i32
          %shift_left3A_1131 = vector.broadcast %shift_left3A_1130 : i32 to vector<16xi32>
          %shift_left3A_1132 = arith.shli %get3A_1129, %shift_left3A_1131 : vector<16xi32>
          %bitcast3A_1133 = vector.bitcast %shift_left3A_1132 : vector<16xi32> to vector<16xf32>
          %and3A_1134 = arith.andi %get3A_1129, %broadcast_in_dim3A_5 : vector<16xi32>
          %bitcast3A_1135 = vector.bitcast %and3A_1134 : vector<16xi32> to vector<16xf32>
          %add3A_1136 = arith.addf %add3A_1121, %bitcast3A_1133 : vector<16xf32>
          %add3A_1137 = arith.addf %add3A_1122, %bitcast3A_1135 : vector<16xf32>
          %get3A_1138 = arith.constant 1 : i32
          %get3A_1139 = arith.constant 4 : i32
          %get3A_1140 = arith.index_cast %get3A_1138 : i32 to index
          %get3A_1141 = arith.index_cast %get3A_1139 : i32 to index
          %get3A_1142 = arith.index_cast %add3A_988 : i32 to index
          %get3A_1143 = arith.constant 16 : index
          %get3A_1144 = tpu.vector_load %arg6[%get3A_1140, %get3A_1141, %get3A_1142, %get3A_1143] {strides = array<i32>} : memref<2x5x128x32xi32, #tpu.memory_space<vmem>>, vector<16xi32>,
          %shift_left3A_1145 = arith.constant 16 : i32
          %shift_left3A_1146 = vector.broadcast %shift_left3A_1145 : i32 to vector<16xi32>
          %shift_left3A_1147 = arith.shli %get3A_1144, %shift_left3A_1146 : vector<16xi32>
          %bitcast3A_1148 = vector.bitcast %shift_left3A_1147 : vector<16xi32> to vector<16xf32>
          %and3A_1149 = arith.andi %get3A_1144, %broadcast_in_dim3A_5 : vector<16xi32>
          %bitcast3A_1150 = vector.bitcast %and3A_1149 : vector<16xi32> to vector<16xf32>
          %add3A_1151 = arith.addf %add3A_1136, %bitcast3A_1148 : vector<16xf32>
          %add3A_1152 = arith.addf %add3A_1137, %bitcast3A_1150 : vector<16xf32>
          %swap3A_1153 = arith.index_cast %add3A_988 : i32 to index
          %swap3A_1154 = arith.constant 32 : index
          %swap3A_1155 = tpu.vector_load %arg7[%swap3A_1153, %swap3A_1154] {strides = array<i32>} : memref<128x64xf32, #tpu.memory_space<vmem>>, vector<16xf32>,
          tpu.vector_store %arg7[%swap3A_1153, %swap3A_1154], %add3A_1151 {strides = array<i32>} : memref<128x64xf32, #tpu.memory_space<vmem>>, vector<16xf32>,
          %swap3A_1156 = arith.index_cast %add3A_988 : i32 to index
          %swap3A_1157 = arith.constant 48 : index
          %swap3A_1158 = tpu.vector_load %arg7[%swap3A_1156, %swap3A_1157] {strides = array<i32>} : memref<128x64xf32, #tpu.memory_space<vmem>>, vector<16xf32>,
          tpu.vector_store %arg7[%swap3A_1156, %swap3A_1157], %add3A_1152 {strides = array<i32>} : memref<128x64xf32, #tpu.memory_space<vmem>>, vector<16xf32>,
          %mul3A_1159 = arith.constant 2 : i32
          %mul3A_1160 = arith.muli %scan3A_983, %mul3A_1159 : i32
          %add3A_1161 = arith.constant 1 : i32
          %add3A_1162 = arith.addi %mul3A_1160, %add3A_1161 : i32
          %get3A_1163 = arith.index_cast %add3A_1162 : i32 to index
          %get3A_1164 = arith.constant 0 : index
          %get3A_1165 = tpu.vector_load %arg7[%get3A_1163, %get3A_1164] {strides = array<i32>} : memref<128x64xf32, #tpu.memory_space<vmem>>, vector<16xf32>,
          %get3A_1166 = arith.index_cast %add3A_1162 : i32 to index
          %get3A_1167 = arith.constant 16 : index
          %get3A_1168 = tpu.vector_load %arg7[%get3A_1166, %get3A_1167] {strides = array<i32>} : memref<128x64xf32, #tpu.memory_space<vmem>>, vector<16xf32>,
          %get3A_1169 = arith.constant 1 : i32
          %get3A_1170 = arith.constant 0 : i32
          %get3A_1171 = arith.index_cast %get3A_1169 : i32 to index
          %get3A_1172 = arith.index_cast %get3A_1170 : i32 to index
          %get3A_1173 = arith.index_cast %add3A_1162 : i32 to index
          %get3A_1174 = arith.constant 0 : index
          %get3A_1175 = tpu.vector_load %arg6[%get3A_1171, %get3A_1172, %get3A_1173, %get3A_1174] {strides = array<i32>} : memref<2x5x128x32xi32, #tpu.memory_space<vmem>>, vector<16xi32>,
          %shift_left3A_1176 = arith.constant 16 : i32
          %shift_left3A_1177 = vector.broadcast %shift_left3A_1176 : i32 to vector<16xi32>
          %shift_left3A_1178 = arith.shli %get3A_1175, %shift_left3A_1177 : vector<16xi32>
          %bitcast3A_1179 = vector.bitcast %shift_left3A_1178 : vector<16xi32> to vector<16xf32>
          %and3A_1180 = arith.andi %get3A_1175, %broadcast_in_dim3A_5 : vector<16xi32>
          %bitcast3A_1181 = vector.bitcast %and3A_1180 : vector<16xi32> to vector<16xf32>
          %add3A_1182 = arith.addf %get3A_1165, %bitcast3A_1179 : vector<16xf32>
          %add3A_1183 = arith.addf %get3A_1168, %bitcast3A_1181 : vector<16xf32>
          %get3A_1184 = arith.constant 1 : i32
          %get3A_1185 = arith.constant 1 : i32
          %get3A_1186 = arith.index_cast %get3A_1184 : i32 to index
          %get3A_1187 = arith.index_cast %get3A_1185 : i32 to index
          %get3A_1188 = arith.index_cast %add3A_1162 : i32 to index
          %get3A_1189 = arith.constant 0 : index
          %get3A_1190 = tpu.vector_load %arg6[%get3A_1186, %get3A_1187, %get3A_1188, %get3A_1189] {strides = array<i32>} : memref<2x5x128x32xi32, #tpu.memory_space<vmem>>, vector<16xi32>,
          %shift_left3A_1191 = arith.constant 16 : i32
          %shift_left3A_1192 = vector.broadcast %shift_left3A_1191 : i32 to vector<16xi32>
          %shift_left3A_1193 = arith.shli %get3A_1190, %shift_left3A_1192 : vector<16xi32>
          %bitcast3A_1194 = vector.bitcast %shift_left3A_1193 : vector<16xi32> to vector<16xf32>
          %and3A_1195 = arith.andi %get3A_1190, %broadcast_in_dim3A_5 : vector<16xi32>
          %bitcast3A_1196 = vector.bitcast %and3A_1195 : vector<16xi32> to vector<16xf32>
          %add3A_1197 = arith.addf %add3A_1182, %bitcast3A_1194 : vector<16xf32>
          %add3A_1198 = arith.addf %add3A_1183, %bitcast3A_1196 : vector<16xf32>
          %get3A_1199 = arith.constant 1 : i32
          %get3A_1200 = arith.constant 2 : i32
          %get3A_1201 = arith.index_cast %get3A_1199 : i32 to index
          %get3A_1202 = arith.index_cast %get3A_1200 : i32 to index
          %get3A_1203 = arith.index_cast %add3A_1162 : i32 to index
          %get3A_1204 = arith.constant 0 : index
          %get3A_1205 = tpu.vector_load %arg6[%get3A_1201, %get3A_1202, %get3A_1203, %get3A_1204] {strides = array<i32>} : memref<2x5x128x32xi32, #tpu.memory_space<vmem>>, vector<16xi32>,
          %shift_left3A_1206 = arith.constant 16 : i32
          %shift_left3A_1207 = vector.broadcast %shift_left3A_1206 : i32 to vector<16xi32>
          %shift_left3A_1208 = arith.shli %get3A_1205, %shift_left3A_1207 : vector<16xi32>
          %bitcast3A_1209 = vector.bitcast %shift_left3A_1208 : vector<16xi32> to vector<16xf32>
          %and3A_1210 = arith.andi %get3A_1205, %broadcast_in_dim3A_5 : vector<16xi32>
          %bitcast3A_1211 = vector.bitcast %and3A_1210 : vector<16xi32> to vector<16xf32>
          %add3A_1212 = arith.addf %add3A_1197, %bitcast3A_1209 : vector<16xf32>
          %add3A_1213 = arith.addf %add3A_1198, %bitcast3A_1211 : vector<16xf32>
          %get3A_1214 = arith.constant 1 : i32
          %get3A_1215 = arith.constant 3 : i32
          %get3A_1216 = arith.index_cast %get3A_1214 : i32 to index
          %get3A_1217 = arith.index_cast %get3A_1215 : i32 to index
          %get3A_1218 = arith.index_cast %add3A_1162 : i32 to index
          %get3A_1219 = arith.constant 0 : index
          %get3A_1220 = tpu.vector_load %arg6[%get3A_1216, %get3A_1217, %get3A_1218, %get3A_1219] {strides = array<i32>} : memref<2x5x128x32xi32, #tpu.memory_space<vmem>>, vector<16xi32>,
          %shift_left3A_1221 = arith.constant 16 : i32
          %shift_left3A_1222 = vector.broadcast %shift_left3A_1221 : i32 to vector<16xi32>
          %shift_left3A_1223 = arith.shli %get3A_1220, %shift_left3A_1222 : vector<16xi32>
          %bitcast3A_1224 = vector.bitcast %shift_left3A_1223 : vector<16xi32> to vector<16xf32>
          %and3A_1225 = arith.andi %get3A_1220, %broadcast_in_dim3A_5 : vector<16xi32>
          %bitcast3A_1226 = vector.bitcast %and3A_1225 : vector<16xi32> to vector<16xf32>
          %add3A_1227 = arith.addf %add3A_1212, %bitcast3A_1224 : vector<16xf32>
          %add3A_1228 = arith.addf %add3A_1213, %bitcast3A_1226 : vector<16xf32>
          %get3A_1229 = arith.constant 1 : i32
          %get3A_1230 = arith.constant 4 : i32
          %get3A_1231 = arith.index_cast %get3A_1229 : i32 to index
          %get3A_1232 = arith.index_cast %get3A_1230 : i32 to index
          %get3A_1233 = arith.index_cast %add3A_1162 : i32 to index
          %get3A_1234 = arith.constant 0 : index
          %get3A_1235 = tpu.vector_load %arg6[%get3A_1231, %get3A_1232, %get3A_1233, %get3A_1234] {strides = array<i32>} : memref<2x5x128x32xi32, #tpu.memory_space<vmem>>, vector<16xi32>,
          %shift_left3A_1236 = arith.constant 16 : i32
          %shift_left3A_1237 = vector.broadcast %shift_left3A_1236 : i32 to vector<16xi32>
          %shift_left3A_1238 = arith.shli %get3A_1235, %shift_left3A_1237 : vector<16xi32>
          %bitcast3A_1239 = vector.bitcast %shift_left3A_1238 : vector<16xi32> to vector<16xf32>
          %and3A_1240 = arith.andi %get3A_1235, %broadcast_in_dim3A_5 : vector<16xi32>
          %bitcast3A_1241 = vector.bitcast %and3A_1240 : vector<16xi32> to vector<16xf32>
          %add3A_1242 = arith.addf %add3A_1227, %bitcast3A_1239 : vector<16xf32>
          %add3A_1243 = arith.addf %add3A_1228, %bitcast3A_1241 : vector<16xf32>
          %swap3A_1244 = arith.index_cast %add3A_1162 : i32 to index
          %swap3A_1245 = arith.constant 0 : index
          %swap3A_1246 = tpu.vector_load %arg7[%swap3A_1244, %swap3A_1245] {strides = array<i32>} : memref<128x64xf32, #tpu.memory_space<vmem>>, vector<16xf32>,
          tpu.vector_store %arg7[%swap3A_1244, %swap3A_1245], %add3A_1242 {strides = array<i32>} : memref<128x64xf32, #tpu.memory_space<vmem>>, vector<16xf32>,
          %swap3A_1247 = arith.index_cast %add3A_1162 : i32 to index
          %swap3A_1248 = arith.constant 16 : index
          %swap3A_1249 = tpu.vector_load %arg7[%swap3A_1247, %swap3A_1248] {strides = array<i32>} : memref<128x64xf32, #tpu.memory_space<vmem>>, vector<16xf32>,
          tpu.vector_store %arg7[%swap3A_1247, %swap3A_1248], %add3A_1243 {strides = array<i32>} : memref<128x64xf32, #tpu.memory_space<vmem>>, vector<16xf32>,
          %get3A_1250 = arith.index_cast %add3A_1162 : i32 to index
          %get3A_1251 = arith.constant 32 : index
          %get3A_1252 = tpu.vector_load %arg7[%get3A_1250, %get3A_1251] {strides = array<i32>} : memref<128x64xf32, #tpu.memory_space<vmem>>, vector<16xf32>,
          %get3A_1253 = arith.index_cast %add3A_1162 : i32 to index
          %get3A_1254 = arith.constant 48 : index
          %get3A_1255 = tpu.vector_load %arg7[%get3A_1253, %get3A_1254] {strides = array<i32>} : memref<128x64xf32, #tpu.memory_space<vmem>>, vector<16xf32>,
          %get3A_1256 = arith.constant 1 : i32
          %get3A_1257 = arith.constant 0 : i32
          %get3A_1258 = arith.index_cast %get3A_1256 : i32 to index
          %get3A_1259 = arith.index_cast %get3A_1257 : i32 to index
          %get3A_1260 = arith.index_cast %add3A_1162 : i32 to index
          %get3A_1261 = arith.constant 16 : index
          %get3A_1262 = tpu.vector_load %arg6[%get3A_1258, %get3A_1259, %get3A_1260, %get3A_1261] {strides = array<i32>} : memref<2x5x128x32xi32, #tpu.memory_space<vmem>>, vector<16xi32>,
          %shift_left3A_1263 = arith.constant 16 : i32
          %shift_left3A_1264 = vector.broadcast %shift_left3A_1263 : i32 to vector<16xi32>
          %shift_left3A_1265 = arith.shli %get3A_1262, %shift_left3A_1264 : vector<16xi32>
          %bitcast3A_1266 = vector.bitcast %shift_left3A_1265 : vector<16xi32> to vector<16xf32>
          %and3A_1267 = arith.andi %get3A_1262, %broadcast_in_dim3A_5 : vector<16xi32>
          %bitcast3A_1268 = vector.bitcast %and3A_1267 : vector<16xi32> to vector<16xf32>
          %add3A_1269 = arith.addf %get3A_1252, %bitcast3A_1266 : vector<16xf32>
          %add3A_1270 = arith.addf %get3A_1255, %bitcast3A_1268 : vector<16xf32>
          %get3A_1271 = arith.constant 1 : i32
          %get3A_1272 = arith.constant 1 : i32
          %get3A_1273 = arith.index_cast %get3A_1271 : i32 to index
          %get3A_1274 = arith.index_cast %get3A_1272 : i32 to index
          %get3A_1275 = arith.index_cast %add3A_1162 : i32 to index
          %get3A_1276 = arith.constant 16 : index
          %get3A_1277 = tpu.vector_load %arg6[%get3A_1273, %get3A_1274, %get3A_1275, %get3A_1276] {strides = array<i32>} : memref<2x5x128x32xi32, #tpu.memory_space<vmem>>, vector<16xi32>,
          %shift_left3A_1278 = arith.constant 16 : i32
          %shift_left3A_1279 = vector.broadcast %shift_left3A_1278 : i32 to vector<16xi32>
          %shift_left3A_1280 = arith.shli %get3A_1277, %shift_left3A_1279 : vector<16xi32>
          %bitcast3A_1281 = vector.bitcast %shift_left3A_1280 : vector<16xi32> to vector<16xf32>
          %and3A_1282 = arith.andi %get3A_1277, %broadcast_in_dim3A_5 : vector<16xi32>
          %bitcast3A_1283 = vector.bitcast %and3A_1282 : vector<16xi32> to vector<16xf32>
          %add3A_1284 = arith.addf %add3A_1269, %bitcast3A_1281 : vector<16xf32>
          %add3A_1285 = arith.addf %add3A_1270, %bitcast3A_1283 : vector<16xf32>
          %get3A_1286 = arith.constant 1 : i32
          %get3A_1287 = arith.constant 2 : i32
          %get3A_1288 = arith.index_cast %get3A_1286 : i32 to index
          %get3A_1289 = arith.index_cast %get3A_1287 : i32 to index
          %get3A_1290 = arith.index_cast %add3A_1162 : i32 to index
          %get3A_1291 = arith.constant 16 : index
          %get3A_1292 = tpu.vector_load %arg6[%get3A_1288, %get3A_1289, %get3A_1290, %get3A_1291] {strides = array<i32>} : memref<2x5x128x32xi32, #tpu.memory_space<vmem>>, vector<16xi32>,
          %shift_left3A_1293 = arith.constant 16 : i32
          %shift_left3A_1294 = vector.broadcast %shift_left3A_1293 : i32 to vector<16xi32>
          %shift_left3A_1295 = arith.shli %get3A_1292, %shift_left3A_1294 : vector<16xi32>
          %bitcast3A_1296 = vector.bitcast %shift_left3A_1295 : vector<16xi32> to vector<16xf32>
          %and3A_1297 = arith.andi %get3A_1292, %broadcast_in_dim3A_5 : vector<16xi32>
          %bitcast3A_1298 = vector.bitcast %and3A_1297 : vector<16xi32> to vector<16xf32>
          %add3A_1299 = arith.addf %add3A_1284, %bitcast3A_1296 : vector<16xf32>
          %add3A_1300 = arith.addf %add3A_1285, %bitcast3A_1298 : vector<16xf32>
          %get3A_1301 = arith.constant 1 : i32
          %get3A_1302 = arith.constant 3 : i32
          %get3A_1303 = arith.index_cast %get3A_1301 : i32 to index
          %get3A_1304 = arith.index_cast %get3A_1302 : i32 to index
          %get3A_1305 = arith.index_cast %add3A_1162 : i32 to index
          %get3A_1306 = arith.constant 16 : index
          %get3A_1307 = tpu.vector_load %arg6[%get3A_1303, %get3A_1304, %get3A_1305, %get3A_1306] {strides = array<i32>} : memref<2x5x128x32xi32, #tpu.memory_space<vmem>>, vector<16xi32>,
          %shift_left3A_1308 = arith.constant 16 : i32
          %shift_left3A_1309 = vector.broadcast %shift_left3A_1308 : i32 to vector<16xi32>
          %shift_left3A_1310 = arith.shli %get3A_1307, %shift_left3A_1309 : vector<16xi32>
          %bitcast3A_1311 = vector.bitcast %shift_left3A_1310 : vector<16xi32> to vector<16xf32>
          %and3A_1312 = arith.andi %get3A_1307, %broadcast_in_dim3A_5 : vector<16xi32>
          %bitcast3A_1313 = vector.bitcast %and3A_1312 : vector<16xi32> to vector<16xf32>
          %add3A_1314 = arith.addf %add3A_1299, %bitcast3A_1311 : vector<16xf32>
          %add3A_1315 = arith.addf %add3A_1300, %bitcast3A_1313 : vector<16xf32>
          %get3A_1316 = arith.constant 1 : i32
          %get3A_1317 = arith.constant 4 : i32
          %get3A_1318 = arith.index_cast %get3A_1316 : i32 to index
          %get3A_1319 = arith.index_cast %get3A_1317 : i32 to index
          %get3A_1320 = arith.index_cast %add3A_1162 : i32 to index
          %get3A_1321 = arith.constant 16 : index
          %get3A_1322 = tpu.vector_load %arg6[%get3A_1318, %get3A_1319, %get3A_1320, %get3A_1321] {strides = array<i32>} : memref<2x5x128x32xi32, #tpu.memory_space<vmem>>, vector<16xi32>,
          %shift_left3A_1323 = arith.constant 16 : i32
          %shift_left3A_1324 = vector.broadcast %shift_left3A_1323 : i32 to vector<16xi32>
          %shift_left3A_1325 = arith.shli %get3A_1322, %shift_left3A_1324 : vector<16xi32>
          %bitcast3A_1326 = vector.bitcast %shift_left3A_1325 : vector<16xi32> to vector<16xf32>
          %and3A_1327 = arith.andi %get3A_1322, %broadcast_in_dim3A_5 : vector<16xi32>
          %bitcast3A_1328 = vector.bitcast %and3A_1327 : vector<16xi32> to vector<16xf32>
          %add3A_1329 = arith.addf %add3A_1314, %bitcast3A_1326 : vector<16xf32>
          %add3A_1330 = arith.addf %add3A_1315, %bitcast3A_1328 : vector<16xf32>
          %swap3A_1331 = arith.index_cast %add3A_1162 : i32 to index
          %swap3A_1332 = arith.constant 32 : index
          %swap3A_1333 = tpu.vector_load %arg7[%swap3A_1331, %swap3A_1332] {strides = array<i32>} : memref<128x64xf32, #tpu.memory_space<vmem>>, vector<16xf32>,
          tpu.vector_store %arg7[%swap3A_1331, %swap3A_1332], %add3A_1329 {strides = array<i32>} : memref<128x64xf32, #tpu.memory_space<vmem>>, vector<16xf32>,
          %swap3A_1334 = arith.index_cast %add3A_1162 : i32 to index
          %swap3A_1335 = arith.constant 48 : index
          %swap3A_1336 = tpu.vector_load %arg7[%swap3A_1334, %swap3A_1335] {strides = array<i32>} : memref<128x64xf32, #tpu.memory_space<vmem>>, vector<16xf32>,
          tpu.vector_store %arg7[%swap3A_1334, %swap3A_1335], %add3A_1330 {strides = array<i32>} : memref<128x64xf32, #tpu.memory_space<vmem>>, vector<16xf32>,
          %scan3A_1337 = arith.constant 0 : i32
          scf.yield %scan3A_1337 : i32
        }
        %scan3A_981 = arith.constant 64 : i32
        %scan3A_982 = arith.constant 0 : i32
        scf.yield %scan3A_982 : i32
      }
      %scan3A_384 = arith.constant 20 : i32
      "tpu.region"() ({
        %run_scoped3A_386 = tpu.sem_alloc : memref<!tpu.dma_semaphore, #tpu.memory_space<semaphore_mem>>
        %dma_start3A_387 = arith.constant 0 : i32
        %dma_start3A_388 = tpu.memref_slice %arg4[%add3A_16, %dma_start3A_387] : memref<16384x64xf32, #tpu.memory_space<hbm>> -> memref<128x64xf32, #tpu.memory_space<hbm>>
        %dma_start3A_389 = arith.constant 0 : i32
        %dma_start3A_390 = tpu.memref_slice %arg4[%add3A_16, %dma_start3A_389] : memref<16384x64xf32, #tpu.memory_space<hbm>> -> memref<128x64xf32, #tpu.memory_space<hbm>>
        tpu.enqueue_dma source(%arg7 : memref<128x64xf32, #tpu.memory_space<vmem>>) target(%dma_start3A_390 : memref<128x64xf32, #tpu.memory_space<hbm>>) target_semaphore(%run_scoped3A_386 : memref<!tpu.dma_semaphore, #tpu.memory_space<semaphore_mem>>)
        %dma_wait3A = arith.constant 0 : i32
        %dma_wait3A_391 = tpu.memref_slice %arg4[%add3A_16, %dma_wait3A] : memref<16384x64xf32, #tpu.memory_space<hbm>> -> memref<128x64xf32, #tpu.memory_space<hbm>>
        %dma_wait3A_392 = arith.constant 0 : i32
        %dma_wait3A_393 = tpu.memref_slice %arg4[%add3A_16, %dma_wait3A_392] : memref<16384x64xf32, #tpu.memory_space<hbm>> -> memref<128x64xf32, #tpu.memory_space<hbm>>
        tpu.wait_dma2 semaphore(%run_scoped3A_386 : memref<!tpu.dma_semaphore, #tpu.memory_space<semaphore_mem>>) src(%arg7 : memref<128x64xf32, #tpu.memory_space<vmem>>) dst(%dma_wait3A_393 : memref<128x64xf32, #tpu.memory_space<hbm>>)
        tpu.yield
      }) : () -> ()
      %scan3A_385 = arith.constant 0 : i32
      scf.yield %scan3A_385 : i32
    }
    %scan3A_11 = arith.constant 4 : i32
    return
  }
}

module attributes {stable_mosaic.version = 14 : i64} {
  func.func @body(%arg0: i32, %arg1: memref<64x8192xf32, #tpu.memory_space<vmem>>, %arg2: memref<64x32xf32, #tpu.memory_space<vmem>>, %arg3: memref<64x32xf32, #tpu.memory_space<vmem>>, %arg4: memref<2048x128xi32, #tpu.memory_space<vmem>>) attributes {dimension_semantics = [#tpu.dimension_semantics<arbitrary>], iteration_bounds = array<i64: 123>, scalar_prefetch = 0 : i64, scratch_operands = 0 : i64, tpu.core_type = #tpu.core_type<tc>, window_params = [{transform_indices = @transform_0, window_bounds = array<i64: 64, 8192>}, {pipeline_mode = #tpu.pipeline_mode<synchronous>, transform_indices = @transform_1, window_bounds = array<i64: 64, 32>}, {pipeline_mode = #tpu.pipeline_mode<synchronous>, transform_indices = @transform_2, window_bounds = array<i64: 64, 32>}, {transform_indices = @transform_3, window_bounds = array<i64: 2048, 128>}]} {
    %get3A = arith.constant 0 : index
    %get3A_0 = arith.constant 0 : index
    %get3A_1 = vector.load %arg1[%get3A, %get3A_0] : memref<64x8192xf32, #tpu.memory_space<vmem>>, vector<64x8192xf32>
    %get3A_2 = arith.constant 0 : index
    %get3A_3 = arith.constant 0 : index
    %get3A_4 = vector.load %arg2[%get3A_2, %get3A_3] : memref<64x32xf32, #tpu.memory_space<vmem>>, vector<64x32xf32>
    %dot_general3A = arith.constant dense<0.000000e+00> : vector<8192x32xf32>
    %dot_general3A_5 = tpu.matmul %get3A_1, %get3A_4, %dot_general3A {dimension_numbers = #tpu.dot_dimension_numbers<[0], [0], [1], [1], [0, 1, 1, 1], [], []>, transpose_lhs_hint = false} : vector<64x8192xf32>, vector<64x32xf32>, vector<8192x32xf32> -> vector<8192x32xf32>
    %get3A_6 = arith.constant 0 : index
    %get3A_7 = arith.constant 0 : index
    %get3A_8 = vector.load %arg3[%get3A_6, %get3A_7] : memref<64x32xf32, #tpu.memory_space<vmem>>, vector<64x32xf32>
    %dot_general3A_9 = arith.constant dense<0.000000e+00> : vector<8192x32xf32>
    %dot_general3A_10 = tpu.matmul %get3A_1, %get3A_8, %dot_general3A_9 {dimension_numbers = #tpu.dot_dimension_numbers<[0], [0], [1], [1], [0, 1, 1, 1], [], []>, transpose_lhs_hint = false} : vector<64x8192xf32>, vector<64x32xf32>, vector<8192x32xf32> -> vector<8192x32xf32>
    %convert_element_type3A = arith.truncf %dot_general3A_5 : vector<8192x32xf32> to vector<8192x32xbf16>
    %bitcast_convert_type3A = tpu.bitcast %convert_element_type3A : vector<8192x32xbf16> -> vector<8192x32xi16>
    %convert_element_type3A_11 = arith.extui %bitcast_convert_type3A : vector<8192x32xi16> to vector<8192x32xi32>
    %convert_element_type3A_12 = arith.truncf %dot_general3A_10 : vector<8192x32xf32> to vector<8192x32xbf16>
    %bitcast_convert_type3A_13 = tpu.bitcast %convert_element_type3A_12 : vector<8192x32xbf16> -> vector<8192x32xi16>
    %convert_element_type3A_14 = arith.extui %bitcast_convert_type3A_13 : vector<8192x32xi16> to vector<8192x32xi32>
    %shift_left3A = arith.constant 16 : i32
    %shift_left3A_15 = vector.broadcast %shift_left3A : i32 to vector<8192x32xi32>
    %shift_left3A_16 = arith.shli %convert_element_type3A_14, %shift_left3A_15 : vector<8192x32xi32>
    %or3A = arith.ori %convert_element_type3A_11, %shift_left3A_16 : vector<8192x32xi32>
    %slice3A = vector.extract_strided_slice %or3A {offsets = [0, 0], sizes = [2048, 32], strides = [1, 1]} : vector<8192x32xi32> to vector<2048x32xi32>
    %slice3A_17 = vector.extract_strided_slice %or3A {offsets = [2048, 0], sizes = [2048, 32], strides = [1, 1]} : vector<8192x32xi32> to vector<2048x32xi32>
    %slice3A_18 = vector.extract_strided_slice %or3A {offsets = [4096, 0], sizes = [2048, 32], strides = [1, 1]} : vector<8192x32xi32> to vector<2048x32xi32>
    %slice3A_19 = vector.extract_strided_slice %or3A {offsets = [6144, 0], sizes = [2048, 32], strides = [1, 1]} : vector<8192x32xi32> to vector<2048x32xi32>
    %concatenate3A = tpu.concatenate %slice3A, %slice3A_17, %slice3A_18, %slice3A_19 in 1 : vector<2048x32xi32>, vector<2048x32xi32>, vector<2048x32xi32>, vector<2048x32xi32> -> vector<2048x128xi32>
    %swap3A = arith.constant 0 : index
    %swap3A_20 = arith.constant 0 : index
    %swap3A_21 = vector.load %arg4[%swap3A, %swap3A_20] : memref<2048x128xi32, #tpu.memory_space<vmem>>, vector<2048x128xi32>
    tpu.vector_store %arg4[%swap3A, %swap3A_20], %concatenate3A {strides = array<i32>} : memref<2048x128xi32, #tpu.memory_space<vmem>>, vector<2048x128xi32>,
    return
  }
  func.func @transform_0(%arg0: i32) -> (i32, i32) {
    %c0_i32 = arith.constant 0 : i32
    %c0_i32_0 = arith.constant 0 : i32
    return %c0_i32, %arg0 : i32, i32
  }
  func.func @transform_1(%arg0: i32) -> (i32, i32) {
    %c0_i32 = arith.constant 0 : i32
    %c0_i32_0 = arith.constant 0 : i32
    %c0_i32_1 = arith.constant 0 : i32
    return %c0_i32, %c0_i32_0 : i32, i32
  }
  func.func @transform_2(%arg0: i32) -> (i32, i32) {
    %c0_i32 = arith.constant 0 : i32
    %c0_i32_0 = arith.constant 0 : i32
    %c0_i32_1 = arith.constant 0 : i32
    return %c0_i32, %c0_i32_0 : i32, i32
  }
  func.func @transform_3(%arg0: i32) -> (i32, i32) {
    %c0_i32 = arith.constant 0 : i32
    %c0_i32_0 = arith.constant 0 : i32
    return %arg0, %c0_i32 : i32, i32
  }
}

module attributes {stable_mosaic.version = 14 : i64} {
  func.func @body(%arg0: i32, %arg1: memref<2048x64xf32, #tpu.memory_space<vmem>>, %arg2: memref<46x64xf32, #tpu.memory_space<vmem>>, %arg3: memref<1x46xf32, #tpu.memory_space<vmem>>, %arg4: memref<2048x46xf32, #tpu.memory_space<vmem>>) attributes {dimension_semantics = [#tpu.dimension_semantics<arbitrary>], iteration_bounds = array<i64: 8>, scalar_prefetch = 0 : i64, scratch_operands = 0 : i64, tpu.core_type = #tpu.core_type<tc>, window_params = [{transform_indices = @transform_0, window_bounds = array<i64: 2048, 64>}, {pipeline_mode = #tpu.pipeline_mode<synchronous>, transform_indices = @transform_1, window_bounds = array<i64: 46, 64>}, {pipeline_mode = #tpu.pipeline_mode<synchronous>, transform_indices = @transform_2, window_bounds = array<i64: 1, 46>}, {transform_indices = @transform_3, window_bounds = array<i64: 2048, 46>}]} {
    %get3A = arith.constant 0 : index
    %get3A_0 = arith.constant 0 : index
    %get3A_1 = vector.load %arg1[%get3A, %get3A_0] : memref<2048x64xf32, #tpu.memory_space<vmem>>, vector<2048x64xf32>
    %get3A_2 = arith.constant 0 : index
    %get3A_3 = arith.constant 0 : index
    %get3A_4 = vector.load %arg2[%get3A_2, %get3A_3] : memref<46x64xf32, #tpu.memory_space<vmem>>, vector<46x64xf32>
    %dot_general3A = arith.constant dense<0.000000e+00> : vector<2048x46xf32>
    %dot_general3A_5 = tpu.matmul %get3A_1, %get3A_4, %dot_general3A {dimension_numbers = #tpu.dot_dimension_numbers<[1], [1], [0], [0], [0, 0, 1, 0], [], []>, transpose_lhs_hint = false} : vector<2048x64xf32>, vector<46x64xf32>, vector<2048x46xf32> -> vector<2048x46xf32>
    %get3A_6 = arith.constant 0 : index
    %get3A_7 = arith.constant 0 : index
    %get3A_8 = vector.load %arg3[%get3A_6, %get3A_7] : memref<1x46xf32, #tpu.memory_space<vmem>>, vector<1x46xf32>
    %add3A = vector.broadcast %get3A_8 : vector<1x46xf32> to vector<2048x46xf32>
    %add3A_9 = arith.addf %dot_general3A_5, %add3A : vector<2048x46xf32>
    %swap3A = arith.constant 0 : index
    %swap3A_10 = arith.constant 0 : index
    %swap3A_11 = vector.load %arg4[%swap3A, %swap3A_10] : memref<2048x46xf32, #tpu.memory_space<vmem>>, vector<2048x46xf32>
    tpu.vector_store %arg4[%swap3A, %swap3A_10], %add3A_9 {strides = array<i32>} : memref<2048x46xf32, #tpu.memory_space<vmem>>, vector<2048x46xf32>,
    return
  }
  func.func @transform_0(%arg0: i32) -> (i32, i32) {
    %c0_i32 = arith.constant 0 : i32
    %c0_i32_0 = arith.constant 0 : i32
    return %arg0, %c0_i32 : i32, i32
  }
  func.func @transform_1(%arg0: i32) -> (i32, i32) {
    %c0_i32 = arith.constant 0 : i32
    %c0_i32_0 = arith.constant 0 : i32
    %c0_i32_1 = arith.constant 0 : i32
    return %c0_i32, %c0_i32_0 : i32, i32
  }
  func.func @transform_2(%arg0: i32) -> (i32, i32) {
    %c0_i32 = arith.constant 0 : i32
    %c0_i32_0 = arith.constant 0 : i32
    %c0_i32_1 = arith.constant 0 : i32
    return %c0_i32, %c0_i32_0 : i32, i32
  }
  func.func @transform_3(%arg0: i32) -> (i32, i32) {
    %c0_i32 = arith.constant 0 : i32
    %c0_i32_0 = arith.constant 0 : i32
    return %arg0, %c0_i32 : i32, i32
  }
}

</mosaic_0001>

<sc_bundles>
// kernel: kernel.5.cloned.1.call-start
scs
__scs_entry_jumppad:
0x0: {  	(pc) =	sbr.rel $0x88, $3  }
0x1: {  	(tag) =	ssettag $0x0;
	lr =	simm.s32 $0x1  }
0x2: {  	[smem:$0x3F9D] =	sst lr;
	_ =	strace $0xD0000000  }
0x3: {  	_ = 	snop  }
0x4: {  	_ = 	snop  }
0x5: {  	_ = 	snop  }
0x6: {  	_ = 	snop  }
0x7: {  	_ = 	snop  }
__scs_overlays_trampoline_lowered:
0x8: {  	[smem:$0x3FAC] =	sst s0  }
0x9: {  	[smem:$0x3FAD] =	sst s1  }
0xa: {  	[smem:$0x3FAE] =	sst s2  }
0xb: {  	[smem:$0x3FAF] =	sst s3  }
0xc: {  	[smem:$0x3FB0] =	sst s4  }
0xd: {  	[smem:$0x3FB1] =	sst s5  }
0xe: {  	[smem:$0x3FB2] =	sst s6  }
0xf: {  	[smem:$0x3FB3] =	sst s7  }
0x10: {  	[smem:$0x3FB4] =	sst s8  }
0x11: {  	[smem:$0x3FB5] =	sst s9;
	s0 =	simm.s32 @!p0 $0x0  }
0x12: {  	s1 =	sld [smem:$0x3F9B];
	s0 =	simm.s32 @p0 $0x1  }
0x13: {  	[smem:$0x3FB6] =	sst s0;
	s0 =	simm.s32 @!p1 $0x0  }
0x14: {  	s2 =	sld [smem:$0x3F9A];
	s0 =	simm.s32 @p1 $0x1  }
0x15: {  	[smem:$0x3FB7] =	sst s0;
	s0 =	simm.s32 @!p2 $0x0  }
0x16: {  	s3 =	sld [smem:$0x3FDB];
	s0 =	simm.s32 @p2 $0x1  }
0x17: {  	s4 =	simm.s32 $0x1BF5;
	[smem:$0x3FB9] =	sst s0  }
0x18: {  	s0 =	sld [smem:$0x3F9C];
	_ =	swait.ge [sflag:s4], $0x0  }
0x19: {  	s7 =	sld [smem:$0x3F9D]  }
0x1a: {  	s8 =	sadd.s32 $0xFFFFE003, lr  }
0x1b: {  	s9 =	sadd.s32 $0xFFFFFEF7, lr;
	s5 =	simm.s32 $0xFFFFFFFF;
	p2 =	slt.u32 s8, $0xFFFFF086  }
0x1c: {  	p1 =	slt.u32 s9, $0xF7A;
	s5 =	simm.s32 @!p2 $0x0  }
0x1d: {  	s5 =	simm.s32 @p1 $0x1;
	p0 =	seq.s32 s7, s2  }
0x1e: {  	s7 =	smul.u32 @!p0 $0xF7A, s2;
	p2 =	seq.s32 @!p0 s5, $0x0  }
0x1f: {  	s9 =	smul.u32 $0xF7A, s1;
	s8 =	simm.s32 @!p0 $0x1BF5;
	p2 =	por !p2, p0  }
0x20: {  	[sflag:s8] =	ssyncset.s32 @!p0 $0xFFFFF086;
	s6 =	sadd.s32 @!p0 s3, s7;
	s7 =	simm.s32 @!p0 $0x108  }
0x21: {  	s3 =	sadd.s32 s3, s9;
	s6 =	sadd.s32 @!p0 $0x88, s6;
	s7 =	simm.s32 @p2 $0x1082  }
0x22: {  	[simem:s7], [sflag:s8] =	dma.local @!p0 [hbm:s6], $0xF7A  }
0x23: {  	s9 =	sor.u32 $0xD0000000, s2;
	s6 =	simm.s32 $0x108;
	_ =	swait.ge @!p0 [sflag:s8], $0x0  }
0x24: {  	s3 =	sadd.s32 $0x88, s3;
	s6 =	simm.s32 @!p1 $0x1082;
	[sflag:s4] =	ssyncset.s32 $0xFFFFF086  }
0x25: {  	[simem:s6], [sflag:s4] =	dma.local [hbm:s3], $0xF7A  }
0x26: {  	[smem:$0x3F9D] =	sst s1;
	(tag) =	ssettag s2;
	_ =	strace s9  }
0x27: {  	s1 =	sld [smem:$0x3FAD]  }
0x28: {  	s2 =	sld [smem:$0x3FAE]  }
0x29: {  	s4 =	sld [smem:$0x3FB0]  }
0x2a: {  	p0 =	seq.s32 s5, $0x0;
	s5 =	sld [smem:$0x3FB1]  }
0x2b: {  	s6 =	sld [smem:$0x3FB2]  }
0x2c: {  	s7 =	sld [smem:$0x3FB3]  }
0x2d: {  	s3 =	simm.s32 $0x108;
	s8 =	sld [smem:$0x3FB4]  }
0x2e: {  	s3 =	simm.s32 @!p0 $0x1082;
	s9 =	sld [smem:$0x3FB5]  }
0x2f: {  	lr =	sadd.s32 s0, s3;
	s0 =	sld [smem:$0x3FAC]  }
0x30: {  	s3 =	sld [smem:$0x3FAF]  }
0x31: {  	[smem:$0x3FB8] =	sst s10  }
0x32: {  	s10 =	sld [smem:$0x3FB6];
	_ =	sdelay $0x3  }
0x33: {  	p0 =	seq.s32 s10, $0x1;
	s10 =	sld [smem:$0x3FB8];
	_ =	sdelay $0x3  }
0x34: {  	[smem:$0x3FB8] =	sst s10  }
0x35: {  	s10 =	sld [smem:$0x3FB7];
	_ =	sdelay $0x3  }
0x36: {  	p1 =	seq.s32 s10, $0x1;
	s10 =	sld [smem:$0x3FB8];
	_ =	sdelay $0x3  }
0x37: {  	[smem:$0x3FB8] =	sst s10  }
0x38: {  	s10 =	sld [smem:$0x3FB9]  }
0x39: {  	_ = 	snop;
	(pc) =	sbr.ind lr, $3  }
0x3a: {  	_ = 	snop  }
0x3b: {  	_ = 	snop  }
0x3c: {  	p2 =	seq.s32 s10, $0x1;
	s10 =	sld [smem:$0x3FB8]  }
0x3d: {  	_ =	shalt  }
0x3e: {  	_ =	shalt  }
0x3f: {  	_ =	shalt  }
0x40: {  	_ =	shalt  }
0x41: {  	_ =	shalt  }
0x42: {  	_ =	shalt  }
0x43: {  	_ =	shalt  }
0x44: {  	_ =	shalt  }
0x45: {  	_ =	shalt  }
0x46: {  	_ =	shalt  }
0x47: {  	_ =	shalt  }
0x48: {  	_ =	shalt  }
0x49: {  	_ =	shalt  }
0x4a: {  	_ =	shalt  }
0x4b: {  	_ =	shalt  }
0x4c: {  	_ =	shalt  }
0x4d: {  	_ =	shalt  }
0x4e: {  	_ =	shalt  }
0x4f: {  	_ =	shalt  }
0x50: {  	_ =	shalt  }
0x51: {  	_ =	shalt  }
0x52: {  	_ =	shalt  }
0x53: {  	_ =	shalt  }
0x54: {  	_ =	shalt  }
0x55: {  	_ =	shalt  }
0x56: {  	_ =	shalt  }
0x57: {  	_ =	shalt  }
0x58: {  	_ =	shalt  }
0x59: {  	_ =	shalt  }
0x5a: {  	_ =	shalt  }
0x5b: {  	_ =	shalt  }
0x5c: {  	_ =	shalt  }
0x5d: {  	_ =	shalt  }
0x5e: {  	_ =	shalt  }
0x5f: {  	_ =	shalt  }
0x60: {  	_ =	shalt  }
0x61: {  	_ =	shalt  }
0x62: {  	_ =	shalt  }
0x63: {  	_ =	shalt  }
0x64: {  	_ =	shalt  }
0x65: {  	_ =	shalt  }
0x66: {  	_ =	shalt  }
0x67: {  	_ =	shalt  }
0x68: {  	_ =	shalt  }
0x69: {  	_ =	shalt  }
0x6a: {  	_ =	shalt  }
0x6b: {  	_ =	shalt  }
0x6c: {  	_ =	shalt  }
0x6d: {  	_ =	shalt  }
0x6e: {  	_ =	shalt  }
0x6f: {  	_ =	shalt  }
0x70: {  	_ =	shalt  }
0x71: {  	_ =	shalt  }
0x72: {  	_ =	shalt  }
0x73: {  	_ =	shalt  }
0x74: {  	_ =	shalt  }
0x75: {  	_ =	shalt  }
0x76: {  	_ =	shalt  }
0x77: {  	_ =	shalt  }
0x78: {  	_ =	shalt  }
0x79: {  	_ =	shalt  }
0x7a: {  	_ =	shalt  }
0x7b: {  	_ =	shalt  }
0x7c: {  	_ =	shalt  }
0x7d: {  	_ =	shalt  }
0x7e: {  	_ =	shalt  }
0x7f: {  	_ =	shalt  }
0x80: {  	_ =	shalt  }
0x81: {  	_ =	shalt  }
0x82: {  	_ =	shalt  }
0x83: {  	_ =	shalt  }
0x84: {  	_ =	shalt  }
0x85: {  	_ =	shalt  }
0x86: {  	_ =	shalt  }
0x87: {  	_ =	shalt  }
.Lfunc_end0:
.L_simem_size_0:
called_computation_lowered:
.L_overlay_start_0:
0x88: {  	s2 =	sld [smem:$0x3FD9]  }
0x89: {  	s3 =	sld [smem:$0x3FFE];
	_ =	sdelay $0x1  }
0x8a: {  	s1 =	srdreg.scid  }
0x8b: {  	s0 =	sand.u32 $0x1, s1  }
0x8c: {  	s16 =	sshll.u32 s0, $0xA;
	s2 =	sadd.s32 s3, s2  }
0x8d: {  	s2 =	sadd.s32 s2, s16  }
0x8e: {  	[smem:$0x3FC4] =	sst s2  }
0x8f: {  	_ = 	snop  }
0x90: {  	(tm) =	ssettm $0x1  }
0x91: {  	s17 =	sld [smem:$0x3FFB];
	_ =	sdelay $0x3  }
0x92: {  	_ =	strace s17  }
0x93: {  	s2 =	sld [smem:$0x3FFC];
	_ =	sdelay $0x3  }
0x94: {  	_ =	strace s2  }
0x95: {  	s2 =	sld [smem:$0x3FFD];
	_ =	sdelay $0x3  }
0x96: {  	_ =	strace s2  }
0x97: {  	_ =	strace $0x8FFFFFFF  }
0x98: {  	s18 =	sld [smem:$0x3FDB];
	_ =	sdelay $0x1  }
0x99: {  	s19 =	simm.s32 $_scs_section_size  }
0x9a: {  	s4 =	simm.s32 $_size__tile_overlayer_lowered;
	s5 =	simm.s32 $_tile_overlayer_lowered  }
0x9b: {  	s22 =	simm.s32 $0x1BFF;
	s21 =	sshll.u32 s5, $0x1;
	s2 =	sadd.s32 s19, s18  }
0x9c: {  	s6 =	simm.s32 $0x0;
	s20 =	sshll.u32 s4, $0x1;
	s4 =	sadd.s32 s21, s2  }
0x9d: {  	[timem:s6], [sflag:s22] =	dma.local [hbm:s4], s20  }
0x9e: {  	_ =	swait.ge [sflag:s22], s20  }
0x9f: {  	s3 =	ssub.s32 $0x0, s20;
	[sflag:s22] =	ssyncset.done $0x0  }
0xa0: {  	[sflag:s22] =	ssyncadd.s32 s3;
	_ =	sdelay $0x1  }
0xa1: {  	s23 =	simm.s32 $0x1B8B  }
0xa2: {  	_ =	swait.ge [sflag:s23], $0x1  }
0xa3: {  	[sflag:s23] =	ssyncset.done $0x0  }
0xa4: {  	s25 =	simm.s32 $0x1B8E;
	s24 =	sld [smem:$0x3FFE];
	[sflag:s23] =	ssyncadd.s32 $0xFFFFFFFF  }
0xa5: {  	s26 =	simm.s32 $execute0_lowered;
	[smem:$0x3FD2] =	sst s25  }
0xa6: {  	s4 =	sshll.u32 s26, $0x1;
	_ =	strace $0x80000046;
	[dreg:$0x1] =	wrdreg $0xFFFFFFFF  }
0xa7: {  	s28 =	simm.s32 $_size_execute0_lowered;
	s2 =	sadd.s32 s2, s4;
	[dreg:$0x0] =	wrdreg $0x0  }
0xa8: {  	s4 =	sshll.u32 s28, $0x1;
	[dreg:$0x2] =	wrdreg s2  }
0xa9: {  	[dreg:$0x3] =	wrdreg s4  }
0xaa: {  	[dreg:$0x4] =	wrdreg $0xC0  }
0xab: {  	_ =	task [dreg:s6], $0x5FFFF  }
0xac: {  	[dreg:$0x1] =	wrdreg $0xFFFFFFFF  }
0xad: {  	[dreg:$0x0] =	wrdreg $0x60  }
0xae: {  	[dreg:$0x2] =	wrdreg s24  }
0xaf: {  	[dreg:$0x3] =	wrdreg $0x9  }
0xb0: {  	_ =	task.clear_ibuf [dreg:s6], $0x4FFFF;
	_ =	strace $0x90000046  }
0xb1: {  	s29 =	simm.s32 $0x9;
	_ =	strace $0x80000048  }
0xb2: {  	_ =	swait.ge [sflag:s29], $0x1  }
0xb3: {  	[sflag:s29] =	ssyncadd.s32 $0xFFFFFFFF  }
0xb4: {  	_ =	strace $0x90000048  }
0xb5: {  	_ =	sfence  }
0xb6: {  	s30 =	sld [smem:$0x0];
	_ =	sdelay $0x2  }
0xb7: {  	s31 =	sshll.u32 s1, $0xD;
	s1 =	sshrl.u32 s1, $0x2  }
0xb8: {  	s3 =	sand.u32 $0x4000, s31;
	s1 =	sadd.s32 s1, s30  }
0xb9: {  	s0 =	sor.u32 s3, s0;
	s1 =	sshll.u32 s1, $0x11  }
0xba: {  	s0 =	sor.u32 s1, s0  }
0xbb: {  	s0 =	sadd.s32 $0x8F2B, s0  }
0xbc: {  	[sflag:s0] =	ssyncadd.remote.s32 $0x1  }
0xbd: {  	_ =	sfence.sel $0xFFFF  }
0xbe: {  	[dreg:$0x0] =	wrdreg $0xFFFFFFFF;
	(pc) =	sbr.abs _section_cstart, $3  }
0xbf: {  	[dreg:$0x1] =	wrdreg $0xFFFFFFFF  }
0xc0: {  	_ =	task.clear_ibuf [dreg:s6], $0x2FFFF;
	_ =	strace $0x9FFFFFFF  }
0xc1: {  	(tm) =	ssettm $0x7FFFFFFF  }
tec
execute0_lowered:
.L_overlay_start_1:
0x0: {  	(tag) =	ssettag $0x1  }
0x1: {  	s0 =	rddreg [dreg:$0x0];
	s2 =	simm.s32 $0x0;
	s1 =	srdreg.scid  }
0x2: {  	s6 =	stileid.u32;
	s8 =	simm.s32 $0x80;
	s10 =	simm.s32 $0x4  }
0x3: {  	s11 =	simm.s32 $0x2800;
	s12 =	simm.s32 $0x3800;
	s14 =	simm.s32 $0x4800  }
0x4: {  	s16 =	simm.s32 $0x5800;
	s18 =	simm.s32 $0x6800;
	s19 =	simm.s32 $0x7800  }
0x5: {  	s20 =	simm.s32 $0x8800;
	s21 =	simm.s32 $0x9800;
	s22 =	simm.s32 $0xA800  }
0x6: {  	s23 =	simm.s32 $0xB800;
	s24 =	simm.s32 $0x2;
	s25 =	simm.s32 $0x1  }
0x7: {  	s26 =	simm.s32 $0x3;
	s28 =	simm.s32 $0xC800;
	s1 =	sand.u32 $0x1, s1  }
.Ltmp0:
0x8: {  	[smem:$0x7FF] =	sst s2;
	s30 =	ssub.s32 $0x2, s1;
	(pc) =	sbr.rel .LBB2_1-.Ltmp0, $4  }
0x9: {  	s3 =	sadd.s32 $0xC00, s0;
	s4 =	sadd.s32 $0x64C00, s0;
	s5 =	sshrl.u32 s30, $0x1  }
0xa: {  	s6 =	sshll.u32 s6, $0xA;
	s1 =	sshll.u32 s1, $0x9;
	s2 =	ssub.s32 s30, s5  }
0xb: {  	_ =	strace $0x80000047;
	s6 =	sor.u32 s1, s6;
	s31 =	smax.u32 s2, $0x1  }
0xc: {  	v0 =	vimm.f32 $0.0e+00;
	s1 =	simm.s32 $0x0;
	s5 =	sadd.s32 $0x43CC00, s0;
	[dreg:$0x2] =	wrdreg s31  }
.LBB2_15:
0xd: {  	s1 =	rddreg [dreg:$0x3]  }
0xe: {  	s0 =	rddreg [dreg:$0x2];
	s1 =	sadd.s32 $0x1, s1  }
0xf: {  	p0 =	sne.s32 s1, s0  }
.Ltmp1:
0x10: {  	_ = 	snop;
	(pc) =	sbr.rel @!p0 .LBB2_16-.Ltmp1, $1  }
0x11: {  	_ =	sdelay $0x3  }
.LBB2_1:
.Ltmp2:
0x12: {  	(pc) =	sbr.rel .LBB2_2-.Ltmp2, $2  }
0x13: {  	_ =	sdelay $0x2  }
0x14: {  	[dreg:$0x3] =	wrdreg s1;
	s30 =	simm.s32 $0x0  }
.LBB2_14:
0x15: {  	s30 =	sadd.s32 $0x1, s30  }
0x16: {  	s0 =	sshll.u32 s31, $0x3;
	p0 =	sne.s32 s30, $0x4  }
.Ltmp3:
0x17: {  	s1 =	simm.s32 $0x0;
	s0 =	sadd.s32 s5, s0;
	(pc) =	sbr.rel @!p0 .LBB2_15-.Ltmp3, $4  }
0x18: {  	[hbm4b:s0+s1] =	stream.linear.scatter [tilespmem:s28], [sflag:$0x4], $0x2000, $0x38;
	[tilespmem:$0xE800] =	vst v63  }
0x19: {  	_ =	swait.ge [sflag:s10], $0x2000  }
0x1a: {  	[sflag:s10] =	ssyncset.done $0x0  }
0x1b: {  	[sflag:s10] =	ssyncadd.s32 $0xFFFFE000  }
.LBB2_2:
0x1c: {  	s0 =	simm.s32 $0x0;
	s1 =	simm.s32 $0x400  }
.LBB2_3:
0x1d: {  	p0 =	sne.s32 s1, $0x7C00;
	[tilespmem:s0+$0xC8F0] =	vst v0  }
0x1e: {  	[tilespmem:s0+$0xC800] =	vst v0  }
0x1f: {  	[tilespmem:s0+$0xC810] =	vst v0  }
0x20: {  	[tilespmem:s0+$0xC820] =	vst v0  }
0x21: {  	[tilespmem:s0+$0xC830] =	vst v0  }
0x22: {  	[tilespmem:s0+$0xC840] =	vst v0  }
0x23: {  	[tilespmem:s0+$0xC850] =	vst v0  }
0x24: {  	[tilespmem:s0+$0xC860] =	vst v0  }
0x25: {  	[tilespmem:s0+$0xC870] =	vst v0  }
0x26: {  	[tilespmem:s0+$0xC880] =	vst v0  }
0x27: {  	[tilespmem:s0+$0xC890] =	vst v0  }
.Ltmp4:
0x28: {  	[tilespmem:s0+$0xC8A0] =	vst v0;
	(pc) =	sbr.rel @p0 .LBB2_3-.Ltmp4, $4  }
0x29: {  	[tilespmem:s0+$0xC8B0] =	vst v0  }
0x2a: {  	[tilespmem:s0+$0xC8C0] =	vst v0  }
0x2b: {  	[tilespmem:s0+$0xC8D0] =	vst v0  }
0x2c: {  	[tilespmem:s0+$0xC8E0] =	vst v0;
	s0 =	sshra.s32 s1, $0x2;
	s1 =	sadd.s32 $0x400, s1  }
0x2d: {  	[tilespmem:s0+$0xC8F0] =	vst v0  }
0x2e: {  	[tilespmem:s0+$0xC800] =	vst v0  }
0x2f: {  	[tilespmem:s0+$0xC810] =	vst v0  }
0x30: {  	[tilespmem:s0+$0xC820] =	vst v0  }
0x31: {  	[tilespmem:s0+$0xC830] =	vst v0  }
0x32: {  	[tilespmem:s0+$0xC840] =	vst v0  }
0x33: {  	[tilespmem:s0+$0xC850] =	vst v0  }
0x34: {  	[tilespmem:s0+$0xC860] =	vst v0  }
0x35: {  	[tilespmem:s0+$0xC870] =	vst v0  }
0x36: {  	[tilespmem:s0+$0xC880] =	vst v0  }
0x37: {  	[tilespmem:s0+$0xC890] =	vst v0  }
0x38: {  	[tilespmem:s0+$0xC8A0] =	vst v0  }
0x39: {  	[tilespmem:s0+$0xC8B0] =	vst v0;
	s1 =	sshll.u32 s30, $0x7  }
0x3a: {  	[tilespmem:s0+$0xC8C0] =	vst v0;
	s31 =	sadd.s32 s6, s1  }
0x3b: {  	[tilespmem:s0+$0xC8D0] =	vst v0;
	s1 =	sshrl.u32 s31, $0x3  }
0x3c: {  	[tilespmem:s0+$0xC8E0] =	vst v0;
	s0 =	simm.s32 $0x0;
	s2 =	simm.s32 $0x4000;
	s1 =	sadd.s32 s3, s1  }
0x3d: {  	[tilespmem:s0], [sflag:$0x4] =	stream.strided.gather [hbm4b:s1+s8], $0x1400, s2, s8, $0x38;
	[tilespmem:$0xE800] =	vst v63  }
0x3e: {  	_ =	swait.ge [sflag:s10], $0x1400  }
0x3f: {  	[sflag:s10] =	ssyncset.done $0x0  }
0x40: {  	[sflag:s10] =	ssyncadd.s32 $0xFFFFEC00  }
0x41: {  	[tilespmem:s11], [sflag:$0x2] =	stream.indirect.gather [hbm4b:s4+s8], $0x20, s0, s8, $0xb8;
	[tilespmem:$0xE800] =	vst v63  }
0x42: {  	_ = 	snop  }
0x43: {  	[tilespmem:s12], [sflag:$0x2] =	stream.indirect.gather [hbm4b:s4+s8], $0x20, s8, s8, $0xb8;
	[tilespmem:$0xE800] =	vst v63  }
0x44: {  	s15 =	simm.s32 $0x100  }
0x45: {  	[tilespmem:s14], [sflag:$0x2] =	stream.indirect.gather [hbm4b:s4+s8], $0x20, s15, s8, $0xb8;
	[tilespmem:$0xE800] =	vst v63  }
0x46: {  	s17 =	simm.s32 $0x180  }
0x47: {  	[tilespmem:s16], [sflag:$0x2] =	stream.indirect.gather [hbm4b:s4+s8], $0x20, s17, s8, $0xb8;
	[tilespmem:$0xE800] =	vst v63  }
0x48: {  	s29 =	simm.s32 $0x200  }
0x49: {  	[tilespmem:s18], [sflag:$0x2] =	stream.indirect.gather [hbm4b:s4+s8], $0x20, s29, s8, $0xb8;
	[tilespmem:$0xE800] =	vst v63  }
.LBB2_5:
0x4a: {  	s1 =	sand.u32 $0x13, s0  }
0x4b: {  	s2 =	smul.u32 $0xA, s0;
	p0 =	sne.s32 s1, $0x0  }
0x4c: {  	s1 =	sshrl.u32 @!p0 s0, $0x2  }
0x4d: {  	s9 =	sadd.s32 $0x5, s2;
	s1 =	sadd.s32 @!p0 $0x1, s1  }
0x4e: {  	s29 =	sand.u32 $0xFF, s9;
	s7 =	smul.u32 @!p0 $0xA0000, s1  }
0x4f: {  	s1 =	sand.u32 @!p0 $0x1, s1;
	s13 =	smul.u32 $0xCD, s29  }
0x50: {  	s15 =	simm.s32 @!p0 $0x4000;
	s29 =	simm.s32 @!p0 $0x1400;
	p1 =	seq.s32 @!p0 s1, $0x1  }
0x51: {  	s7 =	sadd.s32 @!p0 s31, s7;
	p1 =	por !p1, p0;
	s1 =	sshrl.u32 s13, $0xD  }
0x52: {  	s13 =	simm.s32 @!p0 $0x80;
	s7 =	sshrl.u32 @!p0 s7, $0x3;
	s29 =	simm.s32 @p1 $0x0  }
0x53: {  	s17 =	smul.u32 $0x28, s1;
	s1 =	sand.u32 $0x1, s1;
	s7 =	sadd.s32 @!p0 s3, s7  }
0x54: {  	[tilespmem:s29], [sflag:$0x1] =	stream.strided.gather @!p0 [hbm4b:s7+s13], $0x1400, s15, s13, $0x38;
	[tilespmem:$0xE800] =	vst v63  }
0x55: {  	s15 =	ssub.s32 s9, s17;
	p0 =	seq.s32 s1, $0x1  }
0x56: {  	s1 =	simm.s32 $0x1400;
	s9 =	sadd.s32 $0x6, s2;
	s7 =	sand.u32 $0xFF, s15  }
0x57: {  	s1 =	simm.s32 @!p0 $0x0;
	s17 =	sand.u32 $0xFE, s9;
	s7 =	sshll.u32 s7, $0x7  }
0x58: {  	s13 =	smul.u32 $0xCD, s17;
	s1 =	sadd.s32 s7, s1  }
0x59: {  	[tilespmem:s19], [sflag:$0x3] =	stream.indirect.gather [hbm4b:s4+s8], $0x20, s1, s8, $0xb8;
	[tilespmem:$0xE800] =	vst v63  }
0x5a: {  	s15 =	sshrl.u32 s13, $0xD;
	s13 =	sadd.s32 $0x7, s2  }
0x5b: {  	s7 =	smul.u32 $0x28, s15;
	s17 =	sand.u32 $0xFF, s13  }
0x5c: {  	s1 =	sand.u32 $0x1, s15;
	s15 =	smul.u32 $0xCD, s17  }
0x5d: {  	p0 =	seq.s32 s1, $0x1;
	s7 =	ssub.s32 s9, s7  }
0x5e: {  	s1 =	simm.s32 $0x1400;
	s7 =	sand.u32 $0xFE, s7;
	s9 =	sshrl.u32 s15, $0xD  }
0x5f: {  	s1 =	simm.s32 @!p0 $0x0;
	s7 =	sshll.u32 s7, $0x7;
	s17 =	smul.u32 $0x28, s9  }
0x60: {  	s15 =	sand.u32 $0x1, s9;
	s9 =	sadd.s32 $0x8, s2;
	s1 =	sadd.s32 s7, s1  }
0x61: {  	[tilespmem:s20], [sflag:$0x3] =	stream.indirect.gather [hbm4b:s4+s8], $0x20, s1, s8, $0xb8;
	[tilespmem:$0xE800] =	vst v63  }
0x62: {  	p0 =	seq.s32 s15, $0x1;
	s13 =	ssub.s32 s13, s17;
	s17 =	sand.u32 $0xFE, s9  }
0x63: {  	s7 =	simm.s32 $0x1400;
	s1 =	sand.u32 $0xFF, s13;
	s13 =	smul.u32 $0xCD, s17  }
0x64: {  	s7 =	simm.s32 @!p0 $0x0;
	s1 =	sshll.u32 s1, $0x7  }
0x65: {  	s2 =	sadd.s32 $0x9, s2;
	s1 =	sadd.s32 s1, s7;
	s15 =	sshrl.u32 s13, $0xD  }
0x66: {  	[tilespmem:s21], [sflag:$0x3] =	stream.indirect.gather [hbm4b:s4+s8], $0x20, s1, s8, $0xb8;
	[tilespmem:$0xE800] =	vst v63  }
0x67: {  	s17 =	sand.u32 $0xFF, s2;
	s7 =	smul.u32 $0x28, s15  }
0x68: {  	s1 =	sand.u32 $0x1, s15;
	s15 =	smul.u32 $0xCD, s17;
	_ =	sdelay $0x1  }
0x69: {  	p0 =	seq.s32 s1, $0x1;
	s7 =	ssub.s32 s9, s7;
	s9 =	sshrl.u32 s15, $0xD  }
0x6a: {  	s1 =	simm.s32 $0x1400;
	s7 =	sand.u32 $0xFE, s7;
	s17 =	smul.u32 $0x28, s9  }
0x6b: {  	s1 =	simm.s32 @!p0 $0x0;
	s7 =	sshll.u32 s7, $0x7  }
0x6c: {  	s15 =	sand.u32 $0x1, s9;
	s1 =	sadd.s32 s7, s1;
	s13 =	ssub.s32 s2, s17  }
0x6d: {  	[tilespmem:s22], [sflag:$0x3] =	stream.indirect.gather [hbm4b:s4+s8], $0x20, s1, s8, $0xb8;
	[tilespmem:$0xE800] =	vst v63  }
0x6e: {  	p0 =	seq.s32 s15, $0x1;
	s2 =	simm.s32 $0x1400;
	s1 =	sand.u32 $0xFF, s13  }
0x6f: {  	s2 =	simm.s32 @!p0 $0x0;
	s1 =	sshll.u32 s1, $0x7  }
0x70: {  	s1 =	sadd.s32 s1, s2  }
0x71: {  	[tilespmem:s23], [sflag:$0x3] =	stream.indirect.gather [hbm4b:s4+s8], $0x20, s1, s8, $0xb8;
	[tilespmem:$0xE800] =	vst v63  }
0x72: {  	_ =	swait.ge [sflag:s24], $0x1000  }
0x73: {  	[sflag:s24] =	ssyncset.done $0x0  }
0x74: {  	[sflag:s24] =	ssyncadd.s32 $0xFFFFF000  }
0x75: {  	_ =	swait.ge [sflag:s24], $0x1000  }
0x76: {  	[sflag:s24] =	ssyncset.done $0x0  }
0x77: {  	[sflag:s24] =	ssyncadd.s32 $0xFFFFF000  }
0x78: {  	_ =	swait.ge [sflag:s24], $0x1000  }
0x79: {  	[sflag:s24] =	ssyncset.done $0x0  }
0x7a: {  	[sflag:s24] =	ssyncadd.s32 $0xFFFFF000  }
0x7b: {  	_ =	swait.ge [sflag:s24], $0x1000  }
0x7c: {  	[sflag:s24] =	ssyncset.done $0x0  }
0x7d: {  	[sflag:s24] =	ssyncadd.s32 $0xFFFFF000  }
0x7e: {  	_ =	swait.ge [sflag:s24], $0x1000  }
0x7f: {  	[sflag:s24] =	ssyncset.done $0x0  }
0x80: {  	s17 =	simm.s32 $0x0;
	[sflag:s24] =	ssyncadd.s32 $0xFFFFF000  }
0x81: {  	s2 =	simm.s32 $0xC840;
	v1 =	vld [tilespmem:s17+$0x2800]  }
0x82: {  	v2 =	vld [tilespmem:s2+$0xFFFFFFC0]  }
0x83: {  	v3 =	vld [tilespmem:s17+$0x3800]  }
0x84: {  	v4 =	vld [tilespmem:s2+$0xFFFFFFD0];
	_ =	sdelay $0x1  }
0x85: {  	v5 =	vld [tilespmem:s17+$0x4800]  }
0x86: {  	v6 =	vshll.u32 v1, $0x10  }
0x87: {  	v1 =	vand.u32 $0xFFFF0000, v1;
	v2 =	vadd.f32 v6, v2;
	v6 =	vld [tilespmem:s17+$0x5800]  }
0x88: {  	v7 =	vshll.u32 v3, $0x10;
	v1 =	vadd.f32 v1, v4  }
0x89: {  	v3 =	vand.u32 $0xFFFF0000, v3;
	v4 =	vld [tilespmem:s17+$0x6800];
	v2 =	vadd.f32 v7, v2  }
0x8a: {  	v7 =	vshll.u32 v5, $0x10;
	v1 =	vadd.f32 v3, v1  }
0x8b: {  	v3 =	vand.u32 $0xFFFF0000, v5;
	v2 =	vadd.f32 v7, v2  }
0x8c: {  	v1 =	vadd.f32 v3, v1;
	v5 =	vshll.u32 v6, $0x10  }
0x8d: {  	v3 =	vand.u32 $0xFFFF0000, v6;
	v2 =	vadd.f32 v5, v2  }
0x8e: {  	v5 =	vshll.u32 v4, $0x10;
	v1 =	vadd.f32 v3, v1  }
0x8f: {  	v3 =	vand.u32 $0xFFFF0000, v4;
	v2 =	vadd.f32 v5, v2  }
0x90: {  	v1 =	vadd.f32 v3, v1  }
0x91: {  	[tilespmem:s2+$0xFFFFFFC0] =	vst v2  }
0x92: {  	v3 =	vld [tilespmem:s2+$0xFFFFFFE0];
	[tilespmem:s2+$0xFFFFFFD0] =	vst v1  }
0x93: {  	v1 =	vld [tilespmem:s17+$0x2810]  }
0x94: {  	v2 =	vld [tilespmem:s2+$0xFFFFFFF0]  }
0x95: {  	v4 =	vld [tilespmem:s17+$0x3810];
	_ =	sdelay $0x1  }
0x96: {  	v5 =	vld [tilespmem:s17+$0x4810]  }
0x97: {  	v6 =	vshll.u32 v1, $0x10  }
0x98: {  	v1 =	vand.u32 $0xFFFF0000, v1;
	v3 =	vadd.f32 v6, v3;
	v6 =	vld [tilespmem:s17+$0x5810]  }
0x99: {  	v7 =	vshll.u32 v4, $0x10;
	v1 =	vadd.f32 v1, v2  }
0x9a: {  	v4 =	vand.u32 $0xFFFF0000, v4;
	v2 =	vadd.f32 v7, v3;
	v3 =	vld [tilespmem:s17+$0x6810]  }
0x9b: {  	v7 =	vshll.u32 v5, $0x10;
	v1 =	vadd.f32 v4, v1  }
0x9c: {  	v4 =	vand.u32 $0xFFFF0000, v5;
	v2 =	vadd.f32 v7, v2  }
0x9d: {  	v1 =	vadd.f32 v4, v1;
	v5 =	vshll.u32 v6, $0x10  }
0x9e: {  	v4 =	vand.u32 $0xFFFF0000, v6;
	v2 =	vadd.f32 v5, v2  }
0x9f: {  	v1 =	vadd.f32 v4, v1;
	v5 =	vshll.u32 v3, $0x10  }
0xa0: {  	v3 =	vand.u32 $0xFFFF0000, v3;
	v2 =	vadd.f32 v5, v2  }
0xa1: {  	v1 =	vadd.f32 v3, v1  }
0xa2: {  	[tilespmem:s2+$0xFFFFFFE0] =	vst v2  }
0xa3: {  	v3 =	vld [tilespmem:s2+$0x0];
	[tilespmem:s2+$0xFFFFFFF0] =	vst v1  }
0xa4: {  	v1 =	vld [tilespmem:s17+$0x2820]  }
0xa5: {  	v2 =	vld [tilespmem:s2+$0x10]  }
0xa6: {  	v4 =	vld [tilespmem:s17+$0x3820];
	_ =	sdelay $0x1  }
0xa7: {  	v5 =	vld [tilespmem:s17+$0x4820]  }
0xa8: {  	v6 =	vshll.u32 v1, $0x10  }
0xa9: {  	v7 =	vld [tilespmem:s17+$0x5820];
	v1 =	vand.u32 $0xFFFF0000, v1;
	v3 =	vadd.f32 v6, v3  }
0xaa: {  	v6 =	vshll.u32 v4, $0x10;
	v1 =	vadd.f32 v1, v2  }
0xab: {  	v8 =	vld [tilespmem:s17+$0x6820];
	v2 =	vadd.f32 v6, v3;
	v3 =	vand.u32 $0xFFFF0000, v4  }
0xac: {  	v4 =	vshll.u32 v5, $0x10;
	v1 =	vadd.f32 v3, v1  }
0xad: {  	v3 =	vand.u32 $0xFFFF0000, v5;
	v2 =	vadd.f32 v4, v2  }
0xae: {  	v4 =	vshll.u32 v7, $0x10;
	v1 =	vadd.f32 v3, v1  }
0xaf: {  	v3 =	vand.u32 $0xFFFF0000, v7;
	v2 =	vadd.f32 v4, v2  }
0xb0: {  	v4 =	vshll.u32 v8, $0x10;
	v1 =	vadd.f32 v3, v1  }
0xb1: {  	v3 =	vand.u32 $0xFFFF0000, v8;
	v2 =	vadd.f32 v4, v2  }
0xb2: {  	v1 =	vadd.f32 v3, v1  }
0xb3: {  	[tilespmem:s2+$0x0] =	vst v2  }
0xb4: {  	v3 =	vld [tilespmem:s2+$0x30];
	[tilespmem:s2+$0x10] =	vst v1  }
0xb5: {  	v1 =	vld [tilespmem:s17+$0x2830]  }
0xb6: {  	v2 =	vld [tilespmem:s2+$0x20]  }
0xb7: {  	v4 =	vld [tilespmem:s17+$0x3830];
	_ =	sdelay $0x1  }
0xb8: {  	v5 =	vld [tilespmem:s17+$0x4830]  }
0xb9: {  	v6 =	vld [tilespmem:s17+$0x5830];
	v7 =	vshll.u32 v1, $0x10;
	v1 =	vand.u32 $0xFFFF0000, v1  }
0xba: {  	v63 =	vld [tilespmem:s17+$0x6830];
	v2 =	vadd.f32 v7, v2;
	v1 =	vadd.f32 v1, v3  }
0xbb: {  	v3 =	vshll.u32 v4, $0x10;
	v4 =	vand.u32 $0xFFFF0000, v4  }
0xbc: {  	v2 =	vadd.f32 v3, v2;
	v1 =	vadd.f32 v4, v1  }
0xbd: {  	v3 =	vshll.u32 v5, $0x10;
	v4 =	vand.u32 $0xFFFF0000, v5  }
0xbe: {  	v3 =	vadd.f32 v3, v2;
	v5 =	vadd.f32 v4, v1  }
0xbf: {  	v1 =	vshll.u32 v63, $0x10;
	v4 =	vshll.u32 v6, $0x10;
	v6 =	vand.u32 $0xFFFF0000, v6  }
0xc0: {  	s29 =	sshll.u32 s0, $0x1;
	s7 =	simm.s32 $0xC840;
	s1 =	simm.s32 $0x100;
	v2 =	vand.u32 $0xFFFF0000, v63;
	v4 =	vadd.f32 v4, v3;
	v3 =	vadd.f32 v6, v5  }
.LBB2_6:
0xc1: {  	p0 =	sne.s32 s1, $0x3F00  }
0xc2: {  	s2 =	sadd.s32 $0x80, s2;
	s9 =	smov.u32 s1;
	s1 =	sadd.s32 $0x100, s1  }
0xc3: {  	v1 =	vadd.f32 v1, v4;
	v2 =	vadd.f32 v2, v3;
	_ =	sdelay $0x1  }
0xc4: {  	[tilespmem:s7+$0x20] =	vst v1  }
0xc5: {  	s9 =	sshra.s32 s9, $0x2;
	v1 =	vld [tilespmem:s2+$0xFFFFFFC0];
	[tilespmem:s7+$0x30] =	vst v2;
	s7 =	smov.u32 s2  }
0xc6: {  	v2 =	vld [tilespmem:s9+$0x2800]  }
0xc7: {  	v3 =	vld [tilespmem:s2+$0xFFFFFFD0]  }
0xc8: {  	v4 =	vld [tilespmem:s9+$0x3800];
	_ =	sdelay $0x1  }
0xc9: {  	v5 =	vld [tilespmem:s9+$0x4800]  }
0xca: {  	v6 =	vshll.u32 v2, $0x10;
	v2 =	vand.u32 $0xFFFF0000, v2  }
0xcb: {  	v1 =	vadd.f32 v6, v1;
	v2 =	vadd.f32 v2, v3;
	v3 =	vld [tilespmem:s9+$0x5800]  }
0xcc: {  	v6 =	vshll.u32 v4, $0x10;
	v4 =	vand.u32 $0xFFFF0000, v4  }
0xcd: {  	v1 =	vadd.f32 v6, v1;
	v2 =	vadd.f32 v4, v2;
	v4 =	vld [tilespmem:s9+$0x6800]  }
0xce: {  	v6 =	vshll.u32 v5, $0x10;
	v5 =	vand.u32 $0xFFFF0000, v5  }
0xcf: {  	v1 =	vadd.f32 v6, v1;
	v2 =	vadd.f32 v5, v2  }
0xd0: {  	v5 =	vshll.u32 v3, $0x10;
	v3 =	vand.u32 $0xFFFF0000, v3  }
0xd1: {  	v1 =	vadd.f32 v5, v1;
	v2 =	vadd.f32 v3, v2  }
0xd2: {  	v3 =	vshll.u32 v4, $0x10;
	v4 =	vand.u32 $0xFFFF0000, v4  }
0xd3: {  	v1 =	vadd.f32 v3, v1;
	v2 =	vadd.f32 v4, v2;
	_ =	sdelay $0x1  }
0xd4: {  	[tilespmem:s2+$0xFFFFFFC0] =	vst v1;
	v1 =	vld [tilespmem:s2+$0xFFFFFFF0]  }
0xd5: {  	[tilespmem:s2+$0xFFFFFFD0] =	vst v2;
	v2 =	vld [tilespmem:s2+$0xFFFFFFE0]  }
0xd6: {  	v3 =	vld [tilespmem:s9+$0x2810]  }
0xd7: {  	v4 =	vld [tilespmem:s9+$0x3810];
	_ =	sdelay $0x2  }
0xd8: {  	v5 =	vld [tilespmem:s9+$0x4810]  }
0xd9: {  	v6 =	vshll.u32 v3, $0x10;
	v3 =	vand.u32 $0xFFFF0000, v3  }
0xda: {  	v2 =	vadd.f32 v6, v2;
	v1 =	vadd.f32 v3, v1;
	v3 =	vld [tilespmem:s9+$0x5810]  }
0xdb: {  	v6 =	vshll.u32 v4, $0x10;
	v4 =	vand.u32 $0xFFFF0000, v4  }
0xdc: {  	v2 =	vadd.f32 v6, v2;
	v1 =	vadd.f32 v4, v1;
	v4 =	vld [tilespmem:s9+$0x6810]  }
0xdd: {  	v6 =	vshll.u32 v5, $0x10;
	v5 =	vand.u32 $0xFFFF0000, v5  }
0xde: {  	v2 =	vadd.f32 v6, v2;
	v1 =	vadd.f32 v5, v1  }
0xdf: {  	v5 =	vshll.u32 v3, $0x10;
	v3 =	vand.u32 $0xFFFF0000, v3  }
0xe0: {  	v2 =	vadd.f32 v5, v2;
	v1 =	vadd.f32 v3, v1  }
0xe1: {  	v3 =	vshll.u32 v4, $0x10;
	v4 =	vand.u32 $0xFFFF0000, v4  }
0xe2: {  	v2 =	vadd.f32 v3, v2;
	v1 =	vadd.f32 v4, v1;
	_ =	sdelay $0x1  }
0xe3: {  	[tilespmem:s2+$0xFFFFFFE0] =	vst v2;
	v2 =	vld [tilespmem:s2+$0x10]  }
0xe4: {  	[tilespmem:s2+$0xFFFFFFF0] =	vst v1;
	v1 =	vld [tilespmem:s2+$0x0]  }
0xe5: {  	v3 =	vld [tilespmem:s9+$0x2820]  }
0xe6: {  	v4 =	vld [tilespmem:s9+$0x5820]  }
0xe7: {  	v5 =	vld [tilespmem:s9+$0x3820]  }
0xe8: {  	v6 =	vld [tilespmem:s9+$0x6820]  }
0xe9: {  	v7 =	vld [tilespmem:s9+$0x4820]  }
0xea: {  	v8 =	vshll.u32 v3, $0x10;
	v3 =	vand.u32 $0xFFFF0000, v3  }
0xeb: {  	v1 =	vadd.f32 v8, v1;
	v2 =	vadd.f32 v3, v2  }
0xec: {  	v3 =	vshll.u32 v5, $0x10;
	v5 =	vand.u32 $0xFFFF0000, v5  }
0xed: {  	v1 =	vadd.f32 v3, v1;
	v2 =	vadd.f32 v5, v2  }
0xee: {  	v3 =	vshll.u32 v7, $0x10;
	v5 =	vand.u32 $0xFFFF0000, v7  }
0xef: {  	v1 =	vadd.f32 v3, v1;
	v2 =	vadd.f32 v5, v2  }
0xf0: {  	v3 =	vshll.u32 v4, $0x10;
	v4 =	vand.u32 $0xFFFF0000, v4  }
0xf1: {  	v1 =	vadd.f32 v3, v1;
	v2 =	vadd.f32 v4, v2  }
0xf2: {  	v3 =	vshll.u32 v6, $0x10;
	v4 =	vand.u32 $0xFFFF0000, v6  }
0xf3: {  	v1 =	vadd.f32 v3, v1;
	v2 =	vadd.f32 v4, v2;
	_ =	sdelay $0x1  }
0xf4: {  	[tilespmem:s2+$0x0] =	vst v1;
	v1 =	vld [tilespmem:s2+$0x20]  }
0xf5: {  	[tilespmem:s2+$0x10] =	vst v2;
	v2 =	vld [tilespmem:s2+$0x30]  }
0xf6: {  	v3 =	vld [tilespmem:s9+$0x2830]  }
0xf7: {  	v4 =	vld [tilespmem:s9+$0x3830]  }
0xf8: {  	v5 =	vld [tilespmem:s9+$0x4830]  }
0xf9: {  	v6 =	vld [tilespmem:s9+$0x5830]  }
0xfa: {  	v7 =	vld [tilespmem:s9+$0x6830]  }
0xfb: {  	v8 =	vshll.u32 v3, $0x10;
	v3 =	vand.u32 $0xFFFF0000, v3  }
0xfc: {  	v1 =	vadd.f32 v8, v1;
	v2 =	vadd.f32 v3, v2  }
0xfd: {  	v3 =	vshll.u32 v4, $0x10;
	v4 =	vand.u32 $0xFFFF0000, v4  }
.Ltmp5:
0xfe: {  	v3 =	vadd.f32 v3, v1;
	v2 =	vadd.f32 v4, v2;
	(pc) =	sbr.rel @p0 .LBB2_6-.Ltmp5, $4  }
0xff: {  	v4 =	vshll.u32 v5, $0x10;
	v5 =	vand.u32 $0xFFFF0000, v5;
	v1 =	vshll.u32 v7, $0x10  }
0x100: {  	v3 =	vadd.f32 v4, v3;
	v5 =	vadd.f32 v5, v2;
	v2 =	vand.u32 $0xFFFF0000, v7  }
0x101: {  	v4 =	vshll.u32 v6, $0x10;
	v6 =	vand.u32 $0xFFFF0000, v6  }
0x102: {  	v4 =	vadd.f32 v4, v3;
	v3 =	vadd.f32 v6, v5  }
0x103: {  	s1 =	sadd.s32 $0x2, s29  }
0x104: {  	p0 =	seq.s32 s0, $0x13;
	s2 =	sand.u32 $0x6, s1  }
0x105: {  	p1 =	sne.s32 @!p0 s2, $0x0  }
0x106: {  	p1 =	por p0, p1  }
.Ltmp6:
0x107: {  	_ = 	snop;
	(pc) =	sbr.rel @p1 .LBB2_9-.Ltmp6, $4  }
0x108: {  	v1 =	vadd.f32 v1, v4  }
0x109: {  	v2 =	vadd.f32 v2, v3  }
0x10a: {  	[tilespmem:s7+$0x20] =	vst v1  }
0x10b: {  	[tilespmem:s7+$0x30] =	vst v2  }
0x10c: {  	_ =	swait.ge [sflag:s25], $0x1400  }
0x10d: {  	[sflag:s25] =	ssyncset.done $0x0  }
0x10e: {  	[sflag:s25] =	ssyncadd.s32 $0xFFFFEC00  }
.LBB2_10:
0x10f: {  	s2 =	smul.u32 $0x5, s1;
	_ =	sdelay $0x1  }
0x110: {  	s7 =	smulhi.u32 $0xCCCCCCCD, s2;
	_ =	sdelay $0x1  }
0x111: {  	s7 =	sshrl.u32 s7, $0x5  }
0x112: {  	s7 =	smul.u32 $0x28, s7  }
0x113: {  	s15 =	sshll.u32 s1, $0x1C;
	s9 =	sor.u32 $0x1, s2  }
0x114: {  	s1 =	sshra.s32 s15, $0x1F;
	s13 =	smulhi.u32 $0xCCCCCCCD, s9;
	s7 =	ssub.s32 s2, s7  }
0x115: {  	s1 =	sand.u32 $0x1400, s1;
	s29 =	sadd.s32 $0x2, s2;
	s7 =	sshll.u32 s7, $0x7  }
0x116: {  	s15 =	smulhi.u32 $0xCCCCCCCD, s29;
	s17 =	sshrl.u32 s13, $0x5;
	s7 =	sadd.s32 s7, s1  }
0x117: {  	[tilespmem:s11], [sflag:$0x2] =	stream.indirect.gather [hbm4b:s4+s8], $0x20, s7, s8, $0xb8;
	[tilespmem:$0xE800] =	vst v63  }
0x118: {  	s7 =	smul.u32 $0x28, s17  }
0x119: {  	s15 =	sshrl.u32 s15, $0x5  }
0x11a: {  	s7 =	ssub.s32 s9, s7;
	s9 =	smul.u32 $0x28, s15  }
0x11b: {  	s7 =	sshll.u32 s7, $0x7  }
0x11c: {  	s7 =	sadd.s32 s7, s1;
	s17 =	ssub.s32 s29, s9  }
0x11d: {  	[tilespmem:s12], [sflag:$0x2] =	stream.indirect.gather [hbm4b:s4+s8], $0x20, s7, s8, $0xb8;
	[tilespmem:$0xE800] =	vst v63  }
0x11e: {  	s9 =	sadd.s32 $0x3, s2;
	s7 =	sshll.u32 s17, $0x7  }
0x11f: {  	s2 =	sadd.s32 $0x4, s2;
	s29 =	smulhi.u32 $0xCCCCCCCD, s9;
	s7 =	sadd.s32 s7, s1  }
0x120: {  	[tilespmem:s14], [sflag:$0x2] =	stream.indirect.gather [hbm4b:s4+s8], $0x20, s7, s8, $0xb8;
	[tilespmem:$0xE800] =	vst v63  }
0x121: {  	s17 =	smulhi.u32 $0xCCCCCCCD, s2;
	s15 =	sshrl.u32 s29, $0x5  }
0x122: {  	s7 =	smul.u32 $0x28, s15  }
0x123: {  	s29 =	sshrl.u32 s17, $0x5  }
0x124: {  	s7 =	ssub.s32 s9, s7;
	s9 =	smul.u32 $0x28, s29  }
0x125: {  	s7 =	sshll.u32 s7, $0x7  }
0x126: {  	s7 =	sadd.s32 s7, s1;
	s2 =	ssub.s32 s2, s9  }
0x127: {  	[tilespmem:s16], [sflag:$0x2] =	stream.indirect.gather [hbm4b:s4+s8], $0x20, s7, s8, $0xb8;
	[tilespmem:$0xE800] =	vst v63  }
0x128: {  	s2 =	sshll.u32 s2, $0x7  }
0x129: {  	s1 =	sadd.s32 s2, s1  }
0x12a: {  	[tilespmem:s18], [sflag:$0x2] =	stream.indirect.gather [hbm4b:s4+s8], $0x20, s1, s8, $0xb8;
	[tilespmem:$0xE800] =	vst v63  }
.LBB2_11:
0x12b: {  	_ =	swait.ge [sflag:s26], $0x1000  }
0x12c: {  	[sflag:s26] =	ssyncset.done $0x0  }
0x12d: {  	[sflag:s26] =	ssyncadd.s32 $0xFFFFF000  }
0x12e: {  	_ =	swait.ge [sflag:s26], $0x1000  }
0x12f: {  	[sflag:s26] =	ssyncset.done $0x0  }
0x130: {  	[sflag:s26] =	ssyncadd.s32 $0xFFFFF000  }
0x131: {  	_ =	swait.ge [sflag:s26], $0x1000  }
0x132: {  	[sflag:s26] =	ssyncset.done $0x0  }
0x133: {  	[sflag:s26] =	ssyncadd.s32 $0xFFFFF000  }
0x134: {  	_ =	swait.ge [sflag:s26], $0x1000  }
0x135: {  	[sflag:s26] =	ssyncset.done $0x0  }
0x136: {  	[sflag:s26] =	ssyncadd.s32 $0xFFFFF000  }
0x137: {  	_ =	swait.ge [sflag:s26], $0x1000  }
0x138: {  	[sflag:s26] =	ssyncset.done $0x0  }
0x139: {  	s1 =	simm.s32 $0x0;
	[sflag:s26] =	ssyncadd.s32 $0xFFFFF000  }
0x13a: {  	s2 =	simm.s32 $0xC840;
	v1 =	vld [tilespmem:s1+$0x7800]  }
0x13b: {  	v2 =	vld [tilespmem:s2+$0xFFFFFFC0]  }
0x13c: {  	v3 =	vld [tilespmem:s1+$0x8800]  }
0x13d: {  	v4 =	vld [tilespmem:s2+$0xFFFFFFD0];
	_ =	sdelay $0x1  }
0x13e: {  	v5 =	vld [tilespmem:s1+$0x9800]  }
0x13f: {  	v6 =	vshll.u32 v1, $0x10  }
0x140: {  	v1 =	vand.u32 $0xFFFF0000, v1;
	v2 =	vadd.f32 v6, v2;
	v6 =	vld [tilespmem:s1+$0xA800]  }
0x141: {  	v7 =	vshll.u32 v3, $0x10;
	v1 =	vadd.f32 v1, v4  }
0x142: {  	v3 =	vand.u32 $0xFFFF0000, v3;
	v4 =	vld [tilespmem:s1+$0xB800];
	v2 =	vadd.f32 v7, v2  }
0x143: {  	v7 =	vshll.u32 v5, $0x10;
	v1 =	vadd.f32 v3, v1  }
0x144: {  	v3 =	vand.u32 $0xFFFF0000, v5;
	v2 =	vadd.f32 v7, v2  }
0x145: {  	v1 =	vadd.f32 v3, v1;
	v5 =	vshll.u32 v6, $0x10  }
0x146: {  	v3 =	vand.u32 $0xFFFF0000, v6;
	v2 =	vadd.f32 v5, v2  }
0x147: {  	v5 =	vshll.u32 v4, $0x10;
	v1 =	vadd.f32 v3, v1  }
0x148: {  	v3 =	vand.u32 $0xFFFF0000, v4;
	v2 =	vadd.f32 v5, v2  }
0x149: {  	v1 =	vadd.f32 v3, v1  }
0x14a: {  	[tilespmem:s2+$0xFFFFFFC0] =	vst v2  }
0x14b: {  	v3 =	vld [tilespmem:s2+$0xFFFFFFE0];
	[tilespmem:s2+$0xFFFFFFD0] =	vst v1  }
0x14c: {  	v1 =	vld [tilespmem:s1+$0x7810]  }
0x14d: {  	v2 =	vld [tilespmem:s2+$0xFFFFFFF0]  }
0x14e: {  	v4 =	vld [tilespmem:s1+$0x8810];
	_ =	sdelay $0x1  }
0x14f: {  	v5 =	vld [tilespmem:s1+$0x9810]  }
0x150: {  	v6 =	vshll.u32 v1, $0x10  }
0x151: {  	v1 =	vand.u32 $0xFFFF0000, v1;
	v3 =	vadd.f32 v6, v3;
	v6 =	vld [tilespmem:s1+$0xA810]  }
0x152: {  	v7 =	vshll.u32 v4, $0x10;
	v1 =	vadd.f32 v1, v2  }
0x153: {  	v4 =	vand.u32 $0xFFFF0000, v4;
	v2 =	vadd.f32 v7, v3;
	v3 =	vld [tilespmem:s1+$0xB810]  }
0x154: {  	v7 =	vshll.u32 v5, $0x10;
	v1 =	vadd.f32 v4, v1  }
0x155: {  	v4 =	vand.u32 $0xFFFF0000, v5;
	v2 =	vadd.f32 v7, v2  }
0x156: {  	v1 =	vadd.f32 v4, v1;
	v5 =	vshll.u32 v6, $0x10  }
0x157: {  	v4 =	vand.u32 $0xFFFF0000, v6;
	v2 =	vadd.f32 v5, v2  }
0x158: {  	v1 =	vadd.f32 v4, v1;
	v5 =	vshll.u32 v3, $0x10  }
0x159: {  	v3 =	vand.u32 $0xFFFF0000, v3;
	v2 =	vadd.f32 v5, v2  }
0x15a: {  	v1 =	vadd.f32 v3, v1  }
0x15b: {  	[tilespmem:s2+$0xFFFFFFE0] =	vst v2  }
0x15c: {  	v3 =	vld [tilespmem:s2+$0x0];
	[tilespmem:s2+$0xFFFFFFF0] =	vst v1  }
0x15d: {  	v1 =	vld [tilespmem:s1+$0x7820]  }
0x15e: {  	v2 =	vld [tilespmem:s2+$0x10]  }
0x15f: {  	v4 =	vld [tilespmem:s1+$0x8820];
	_ =	sdelay $0x1  }
0x160: {  	v5 =	vld [tilespmem:s1+$0x9820]  }
0x161: {  	v6 =	vshll.u32 v1, $0x10  }
0x162: {  	v7 =	vld [tilespmem:s1+$0xA820];
	v1 =	vand.u32 $0xFFFF0000, v1;
	v3 =	vadd.f32 v6, v3  }
0x163: {  	v6 =	vshll.u32 v4, $0x10;
	v1 =	vadd.f32 v1, v2  }
0x164: {  	v8 =	vld [tilespmem:s1+$0xB820];
	v2 =	vadd.f32 v6, v3;
	v3 =	vand.u32 $0xFFFF0000, v4  }
0x165: {  	v4 =	vshll.u32 v5, $0x10;
	v1 =	vadd.f32 v3, v1  }
0x166: {  	v3 =	vand.u32 $0xFFFF0000, v5;
	v2 =	vadd.f32 v4, v2  }
0x167: {  	v4 =	vshll.u32 v7, $0x10;
	v1 =	vadd.f32 v3, v1  }
0x168: {  	v3 =	vand.u32 $0xFFFF0000, v7;
	v2 =	vadd.f32 v4, v2  }
0x169: {  	v4 =	vshll.u32 v8, $0x10;
	v1 =	vadd.f32 v3, v1  }
0x16a: {  	v3 =	vand.u32 $0xFFFF0000, v8;
	v2 =	vadd.f32 v4, v2  }
0x16b: {  	v1 =	vadd.f32 v3, v1  }
0x16c: {  	[tilespmem:s2+$0x0] =	vst v2  }
0x16d: {  	v3 =	vld [tilespmem:s2+$0x30];
	[tilespmem:s2+$0x10] =	vst v1  }
0x16e: {  	v1 =	vld [tilespmem:s1+$0x7830]  }
0x16f: {  	v2 =	vld [tilespmem:s2+$0x20]  }
0x170: {  	v4 =	vld [tilespmem:s1+$0x8830];
	_ =	sdelay $0x1  }
0x171: {  	v5 =	vld [tilespmem:s1+$0x9830]  }
0x172: {  	v6 =	vld [tilespmem:s1+$0xA830];
	v7 =	vshll.u32 v1, $0x10;
	v1 =	vand.u32 $0xFFFF0000, v1  }
0x173: {  	v63 =	vld [tilespmem:s1+$0xB830];
	v2 =	vadd.f32 v7, v2;
	v1 =	vadd.f32 v1, v3  }
0x174: {  	v3 =	vshll.u32 v4, $0x10;
	v4 =	vand.u32 $0xFFFF0000, v4  }
0x175: {  	v2 =	vadd.f32 v3, v2;
	v1 =	vadd.f32 v4, v1  }
0x176: {  	v3 =	vshll.u32 v5, $0x10;
	v4 =	vand.u32 $0xFFFF0000, v5  }
0x177: {  	v3 =	vadd.f32 v3, v2;
	v4 =	vadd.f32 v4, v1  }
0x178: {  	v5 =	vshll.u32 v6, $0x10;
	v6 =	vand.u32 $0xFFFF0000, v6;
	v1 =	vshll.u32 v63, $0x10  }
0x179: {  	s7 =	simm.s32 $0xC840;
	s1 =	simm.s32 $0x100;
	v2 =	vand.u32 $0xFFFF0000, v63;
	v3 =	vadd.f32 v5, v3;
	v4 =	vadd.f32 v6, v4  }
.LBB2_12:
0x17a: {  	p0 =	sne.s32 s1, $0x3F00  }
0x17b: {  	s2 =	sadd.s32 $0x80, s2;
	s9 =	smov.u32 s1;
	s1 =	sadd.s32 $0x100, s1  }
0x17c: {  	v1 =	vadd.f32 v1, v3;
	v2 =	vadd.f32 v2, v4;
	_ =	sdelay $0x1  }
0x17d: {  	[tilespmem:s7+$0x20] =	vst v1  }
0x17e: {  	s9 =	sshra.s32 s9, $0x2;
	v1 =	vld [tilespmem:s2+$0xFFFFFFC0];
	[tilespmem:s7+$0x30] =	vst v2;
	s7 =	smov.u32 s2  }
0x17f: {  	v2 =	vld [tilespmem:s9+$0x7800]  }
0x180: {  	v3 =	vld [tilespmem:s2+$0xFFFFFFD0]  }
0x181: {  	v4 =	vld [tilespmem:s9+$0x8800];
	_ =	sdelay $0x1  }
0x182: {  	v5 =	vld [tilespmem:s9+$0x9800]  }
0x183: {  	v6 =	vshll.u32 v2, $0x10;
	v2 =	vand.u32 $0xFFFF0000, v2  }
0x184: {  	v1 =	vadd.f32 v6, v1;
	v2 =	vadd.f32 v2, v3;
	v3 =	vld [tilespmem:s9+$0xA800]  }
0x185: {  	v6 =	vshll.u32 v4, $0x10;
	v4 =	vand.u32 $0xFFFF0000, v4  }
0x186: {  	v1 =	vadd.f32 v6, v1;
	v2 =	vadd.f32 v4, v2;
	v4 =	vld [tilespmem:s9+$0xB800]  }
0x187: {  	v6 =	vshll.u32 v5, $0x10;
	v5 =	vand.u32 $0xFFFF0000, v5  }
0x188: {  	v1 =	vadd.f32 v6, v1;
	v2 =	vadd.f32 v5, v2  }
0x189: {  	v5 =	vshll.u32 v3, $0x10;
	v3 =	vand.u32 $0xFFFF0000, v3  }
0x18a: {  	v1 =	vadd.f32 v5, v1;
	v2 =	vadd.f32 v3, v2  }
0x18b: {  	v3 =	vshll.u32 v4, $0x10;
	v4 =	vand.u32 $0xFFFF0000, v4  }
0x18c: {  	v1 =	vadd.f32 v3, v1;
	v2 =	vadd.f32 v4, v2;
	_ =	sdelay $0x1  }
0x18d: {  	[tilespmem:s2+$0xFFFFFFC0] =	vst v1;
	v1 =	vld [tilespmem:s2+$0xFFFFFFF0]  }
0x18e: {  	[tilespmem:s2+$0xFFFFFFD0] =	vst v2;
	v2 =	vld [tilespmem:s2+$0xFFFFFFE0]  }
0x18f: {  	v3 =	vld [tilespmem:s9+$0x7810]  }
0x190: {  	v4 =	vld [tilespmem:s9+$0x8810];
	_ =	sdelay $0x2  }
0x191: {  	v5 =	vld [tilespmem:s9+$0x9810]  }
0x192: {  	v6 =	vshll.u32 v3, $0x10;
	v3 =	vand.u32 $0xFFFF0000, v3  }
0x193: {  	v2 =	vadd.f32 v6, v2;
	v1 =	vadd.f32 v3, v1;
	v3 =	vld [tilespmem:s9+$0xA810]  }
0x194: {  	v6 =	vshll.u32 v4, $0x10;
	v4 =	vand.u32 $0xFFFF0000, v4  }
0x195: {  	v2 =	vadd.f32 v6, v2;
	v1 =	vadd.f32 v4, v1;
	v4 =	vld [tilespmem:s9+$0xB810]  }
0x196: {  	v6 =	vshll.u32 v5, $0x10;
	v5 =	vand.u32 $0xFFFF0000, v5  }
0x197: {  	v2 =	vadd.f32 v6, v2;
	v1 =	vadd.f32 v5, v1  }
0x198: {  	v5 =	vshll.u32 v3, $0x10;
	v3 =	vand.u32 $0xFFFF0000, v3  }
0x199: {  	v2 =	vadd.f32 v5, v2;
	v1 =	vadd.f32 v3, v1  }
0x19a: {  	v3 =	vshll.u32 v4, $0x10;
	v4 =	vand.u32 $0xFFFF0000, v4  }
0x19b: {  	v2 =	vadd.f32 v3, v2;
	v1 =	vadd.f32 v4, v1;
	_ =	sdelay $0x1  }
0x19c: {  	[tilespmem:s2+$0xFFFFFFE0] =	vst v2;
	v2 =	vld [tilespmem:s2+$0x10]  }
0x19d: {  	[tilespmem:s2+$0xFFFFFFF0] =	vst v1;
	v1 =	vld [tilespmem:s2+$0x0]  }
0x19e: {  	v3 =	vld [tilespmem:s9+$0x7820]  }
0x19f: {  	v4 =	vld [tilespmem:s9+$0xA820]  }
0x1a0: {  	v5 =	vld [tilespmem:s9+$0x8820]  }
0x1a1: {  	v6 =	vld [tilespmem:s9+$0xB820]  }
0x1a2: {  	v7 =	vld [tilespmem:s9+$0x9820]  }
0x1a3: {  	v8 =	vshll.u32 v3, $0x10;
	v3 =	vand.u32 $0xFFFF0000, v3  }
0x1a4: {  	v1 =	vadd.f32 v8, v1;
	v2 =	vadd.f32 v3, v2  }
0x1a5: {  	v3 =	vshll.u32 v5, $0x10;
	v5 =	vand.u32 $0xFFFF0000, v5  }
0x1a6: {  	v1 =	vadd.f32 v3, v1;
	v2 =	vadd.f32 v5, v2  }
0x1a7: {  	v3 =	vshll.u32 v7, $0x10;
	v5 =	vand.u32 $0xFFFF0000, v7  }
0x1a8: {  	v1 =	vadd.f32 v3, v1;
	v2 =	vadd.f32 v5, v2  }
0x1a9: {  	v3 =	vshll.u32 v4, $0x10;
	v4 =	vand.u32 $0xFFFF0000, v4  }
0x1aa: {  	v1 =	vadd.f32 v3, v1;
	v2 =	vadd.f32 v4, v2  }
0x1ab: {  	v3 =	vshll.u32 v6, $0x10;
	v4 =	vand.u32 $0xFFFF0000, v6  }
0x1ac: {  	v1 =	vadd.f32 v3, v1;
	v2 =	vadd.f32 v4, v2;
	_ =	sdelay $0x1  }
0x1ad: {  	[tilespmem:s2+$0x0] =	vst v1;
	v1 =	vld [tilespmem:s2+$0x20]  }
0x1ae: {  	[tilespmem:s2+$0x10] =	vst v2;
	v2 =	vld [tilespmem:s2+$0x30]  }
0x1af: {  	v3 =	vld [tilespmem:s9+$0x7830]  }
0x1b0: {  	v4 =	vld [tilespmem:s9+$0x8830]  }
0x1b1: {  	v5 =	vld [tilespmem:s9+$0x9830]  }
0x1b2: {  	v6 =	vld [tilespmem:s9+$0xA830]  }
0x1b3: {  	v7 =	vld [tilespmem:s9+$0xB830]  }
0x1b4: {  	v8 =	vshll.u32 v3, $0x10;
	v3 =	vand.u32 $0xFFFF0000, v3  }
0x1b5: {  	v1 =	vadd.f32 v8, v1;
	v2 =	vadd.f32 v3, v2  }
0x1b6: {  	v3 =	vshll.u32 v4, $0x10;
	v4 =	vand.u32 $0xFFFF0000, v4  }
.Ltmp7:
0x1b7: {  	v3 =	vadd.f32 v3, v1;
	v2 =	vadd.f32 v4, v2;
	(pc) =	sbr.rel @p0 .LBB2_12-.Ltmp7, $4  }
0x1b8: {  	v4 =	vshll.u32 v5, $0x10;
	v5 =	vand.u32 $0xFFFF0000, v5;
	v1 =	vshll.u32 v7, $0x10  }
0x1b9: {  	v3 =	vadd.f32 v4, v3;
	v4 =	vadd.f32 v5, v2;
	v2 =	vand.u32 $0xFFFF0000, v7  }
0x1ba: {  	v5 =	vshll.u32 v6, $0x10;
	v6 =	vand.u32 $0xFFFF0000, v6  }
0x1bb: {  	v3 =	vadd.f32 v5, v3;
	v4 =	vadd.f32 v6, v4  }
0x1bc: {  	s0 =	sadd.s32 $0x1, s0  }
0x1bd: {  	p0 =	sne.s32 s0, $0x14  }
.Ltmp8:
0x1be: {  	_ = 	snop;
	(pc) =	sbr.rel @p0 .LBB2_5-.Ltmp8, $4  }
.Ltmp9:
0x1bf: {  	v1 =	vadd.f32 v1, v3;
	(pc) =	sbr.rel @!p0 .LBB2_14-.Ltmp9, $4  }
0x1c0: {  	v2 =	vadd.f32 v2, v4  }
0x1c1: {  	[tilespmem:s7+$0x20] =	vst v1  }
0x1c2: {  	[tilespmem:s7+$0x30] =	vst v2  }
0x1c3: {  	_ = 	snop  }
.LBB2_9:
.Ltmp10:
0x1c4: {  	(pc) =	sbr.rel @p0 .LBB2_11-.Ltmp10, $4  }
.Ltmp11:
0x1c5: {  	(pc) =	sbr.rel @!p0 .LBB2_10-.Ltmp11, $4  }
0x1c6: {  	_ = 	snop  }
0x1c7: {  	_ = 	snop  }
0x1c8: {  	_ = 	snop  }
0x1c9: {  	_ = 	snop  }
.LBB2_16:
0x1ca: {  	_ =	sfence.sel $0x180000  }
0x1cb: {  	[bflag:$0x0] =	sbarrier.arrive $0xFFFF  }
0x1cc: {  	_ =	strace $0x90000047  }
0x1cd: {  	s0 =	stileid.u32;
	[bflag:$0x2] =	sbarrier.arrive $0xFFFF  }
0x1ce: {  	p0 =	sne.s32 s0, $0x0;
	s0 =	rddreg [dreg:$0x1]  }
0x1cf: {  	s0 =	sadd.s32 @!p0 $0x100000, s0  }
0x1d0: {  	[sflag:s0] =	ssyncadd.tile.s32 @!p0 $0x1;
	_ =	shalt  }
.Lfunc_end2:
_tile_overlayer_lowered:
.L_overlay_start_2:
0x1d1: {  	(tag) =	ssettag $0x2  }
0x1d2: {  	s0 =	rddreg [dreg:$0x0];
	s2 =	stileid.u32  }
0x1d3: {  	s1 =	rddreg [dreg:$0x1];
	p0 =	sne.s32 s2, $0x0  }
0x1d4: {  	s3 =	rddreg [dreg:$0x2];
	[bflag:$0x3] =	sbarrier.arrive $0xFFFF;
	s2 =	simm.s32 @!p0 $0x1C04  }
0x1d5: {  	[timem:s3], [sflag:s2] =	dma.local @!p0 [hbm:s0], s1  }
0x1d6: {  	s0 =	simm.s32 @!p0 $0x4  }
0x1d7: {  	_ =	swait.ge @!p0 [sflag:s0], s1  }
0x1d8: {  	s1 =	ssub.s32 @!p0 $0x0, s1;
	[sflag:s0] =	ssyncset.done @!p0 $0x0  }
0x1d9: {  	[sflag:s0] =	ssyncadd.s32 @!p0 s1  }
0x1da: {  	[bflag:$0x3] =	sbarrier.arrive $0xFFFF  }
0x1db: {  	_ =	shalt  }

</sc_bundles>
